<compile_context>
chip_gen: v7x
topology: tpu7x:2x2x1
jax: 0.10.2.dev20260603
libtpu: 0.0.44.dev20260713+nightly
codegen_flags: <defaults>
</compile_context>

<pallas_src>
import functools

import jax
import jax.numpy as jnp
from jax import lax
from jax.experimental import pallas as pl
from jax.experimental.pallas import tpu as pltpu
from jax.experimental.pallas import tpu_sc as plsc

_NE = 512
_D = 32
_B = 16
_P = 64 * 64
_R = _P
_SCALE = 1.26 / (_B * _P * _D)

_HB = 8
_NB = _B - _HB
_TOT = _B * _NE * _P
_SCOFF = _HB * _NE * _P
_NW = 32
_ZCH = 32768
_FILL_W = (_TOT - _SCOFF) // _NW
_QW = (_NB * _P) // _NW



def _vq_block(x_ref, w_ref, xsq_ref, wsq_ref, disc_in_ref,
              quant_ref, loss_ref, idx_ref, disc_ref):
    del disc_in_ref
    b = pl.program_id(0)

    xb = x_ref[0]
    w = w_ref[...]

    xbt = xb.T
    neg2s = jax.lax.dot_general(
        xbt, w * -2.0, (((1,), (1,)), ((), ())),
        preferred_element_type=jnp.float32,
    )
    xsq_col = xsq_ref[0].T
    dist = (xsq_col + wsq_ref[...]) + neg2s

    idx = jnp.argmin(dist, axis=-1)
    idx_ref[0] = idx[None, :]

    eq = jax.lax.broadcasted_iota(jnp.int32, (_NE, _R), 0) == idx[None, :]

    @pl.when(b < _HB)
    def _store_disc():
        disc_ref[0] = eq.astype(jnp.int32)

    ohf = eq.astype(jnp.float32)
    quant = jax.lax.dot_general(
        w, ohf, (((0,), (0,)), ((), ())),
        preferred_element_type=jnp.float32,
    )
    quant_ref[0] = quant

    part = jnp.sum((quant - xb) ** 2)

    @pl.when(b == 0)
    def _init():
        loss_ref[0, 0] = part

    @pl.when(b != 0)
    def _acc():
        loss_ref[0, 0] += part

    @pl.when(b == _B - 1)
    def _fin():
        loss_ref[0, 0] *= _SCALE


def _tc_call(xr, W, xsq, wsq, disc0):
    return pl.pallas_call(
        _vq_block,
        grid=(_B,),
        in_specs=[
            pl.BlockSpec((1, _D, _R), lambda b: (b, 0, 0)),
            pl.BlockSpec((_NE, _D), lambda b: (0, 0)),
            pl.BlockSpec((1, 1, _R), lambda b: (b, 0, 0)),
            pl.BlockSpec((1, _NE), lambda b: (0, 0)),
            pl.BlockSpec(memory_space=pl.ANY),
        ],
        out_specs=[
            pl.BlockSpec((1, _D, _R), lambda b: (b, 0, 0)),
            pl.BlockSpec((1, 1), lambda b: (0, 0), memory_space=pltpu.SMEM),
            pl.BlockSpec((1, 1, _R), lambda b: (b, 0, 0)),
            pl.BlockSpec((1, _NE, _R), lambda b: (lax.min(b, _HB - 1), 0, 0)),
        ],
        out_shape=[
            jax.ShapeDtypeStruct((_B, _D, _P), jnp.float32),
            jax.ShapeDtypeStruct((1, 1), jnp.float32),
            jax.ShapeDtypeStruct((_B, 1, _P), jnp.int32),
            jax.ShapeDtypeStruct((_B, _NE, _P), jnp.int32),
        ],
        input_output_aliases={4: 3},
    )(xr, W, xsq, wsq, disc0)



_SC_MESH = plsc.VectorSubcoreMesh(core_axis_name="c", subcore_axis_name="s")


@functools.partial(
    pl.kernel,
    mesh=_SC_MESH,
    out_type=jax.ShapeDtypeStruct((_TOT,), jnp.int32),
    scratch_types=[
        pltpu.VMEM((_ZCH,), jnp.int32),
        pltpu.SemaphoreType.DMA,
    ],
)
def _sc_fill(zeros_hbm, out_hbm, zbuf, sem):
    wid = lax.axis_index("s") * 2 + lax.axis_index("c")
    pltpu.sync_copy(zeros_hbm, zbuf)
    base = _SCOFF + wid * _FILL_W
    nch = _FILL_W // _ZCH
    copies = []
    for k in range(nch):
        copies.append(pltpu.async_copy(
            zbuf, out_hbm.at[pl.ds(base + k * _ZCH, _ZCH)], sem))
    for c in copies:
        c.wait()


@functools.partial(
    pl.kernel,
    mesh=_SC_MESH,
    scratch_types=[
        pltpu.VMEM((_QW,), jnp.int32),
        pltpu.VMEM((_QW // 128, 128), jnp.int32),
        pltpu.VMEM((128,), jnp.int32),
        pltpu.SemaphoreType.DMA,
    ],
)
def _sc_scatter(idx_hbm, disc_hbm, idxv, offv, onesv, sem):
    wid = lax.axis_index("s") * 2 + lax.axis_index("c")
    npb = _P // _QW
    b = _HB + wid // npb
    pbase = (wid % npb) * _QW

    pltpu.sync_copy(idx_hbm.at[b, 0, pl.ds(pbase, _QW)], idxv)
    for i in range(8):
        onesv[pl.ds(i * 16, 16)] = jnp.ones((16,), jnp.int32)

    rowbase = b * _NE * _P
    for i in range(_QW // 16):
        v = idxv[pl.ds(i * 16, 16)]
        pos = pbase + i * 16 + lax.iota(jnp.int32, 16)
        o = rowbase + v * _P + pos
        offv[i // 8, pl.ds((i % 8) * 16, 16)] = o

    copies = []
    for r in range(_QW // 128):
        copies.append(pltpu.async_copy(
            onesv, disc_hbm.at[offv.at[r]], sem))
    for c in copies:
        c.wait()



@jax.jit
def kernel(x, W):
    xr = x.reshape(_B, _D, _P)
    flat = jnp.moveaxis(x, 1, -1).reshape(-1, _D)
    xsq = jnp.sum(flat ** 2, axis=-1).reshape(_B, 1, _P)
    wsq = jnp.sum(W ** 2, axis=-1).reshape(1, _NE)

    zeros_chunk = jnp.zeros((_ZCH,), jnp.int32)
    disc0 = _sc_fill(zeros_chunk)
    quant, loss, idxo, disc1 = _tc_call(xr, W, xsq, wsq,
                                        disc0.reshape(_B, _NE, _P))
    dref = jax.new_ref(disc1.reshape(_TOT))
    _sc_scatter(idxo, dref)
    disc = dref[...]
    return (
        quant.reshape(_B, _D, 64, 64),
        loss[0, 0],
        disc.reshape(_B, _NE, 64, 64),
    )

# --- scband reference (transcript-rebuilt; emitter-appended) ---
"""Pipeline reference for scband-vector-quantisizer-32547262169614 (READ-ONLY COPY).

The authoritative reference and input builder live on the scoring server;
editing this copy changes nothing except your own understanding.
"""

import jax, jax.numpy as jnp
import numpy as np

NUM_EMBEDDINGS = 512
EMBEDDING_DIM = 32
COMMITMENT_COST = 0.26


def setup_inputs(seed: int = 0) -> dict:
    key = jax.random.key(seed)
    k1, k2 = jax.random.split(key)
    x = jax.random.normal(k1, (16, 32, 64, 64), dtype=jnp.float32)
    m = float(np.sqrt(3.0 / NUM_EMBEDDINGS))
    W = jax.random.uniform(k2, (NUM_EMBEDDINGS, EMBEDDING_DIM), minval=-m, maxval=m, dtype=jnp.float32)
    return {"x": x, "W": W}


def reference(x, W):
    xm = jnp.moveaxis(x, 1, -1)
    inp = xm
    flat = xm.reshape(-1, xm.shape[-1])
    distances = (
        jnp.sum(flat ** 2, axis=-1, keepdims=True)
        + jnp.sum(W ** 2, axis=-1)
        - 2.0 * jnp.matmul(flat, W.T)
    )
    embedding_indexes = jnp.argmin(distances, axis=-1)
    discrete_embedding = jax.nn.one_hot(embedding_indexes, NUM_EMBEDDINGS, dtype=jnp.float32)
    discrete_embedding = discrete_embedding.reshape(inp.shape[:-1] + (NUM_EMBEDDINGS,))
    quantized = jnp.matmul(discrete_embedding, W)
    embeddings_loss = jnp.mean((quantized - jax.lax.stop_gradient(inp)) ** 2)
    commitment_loss = COMMITMENT_COST * jnp.mean((jax.lax.stop_gradient(quantized) - inp) ** 2)
    vq_loss = embeddings_loss + commitment_loss
    quantized = inp + jax.lax.stop_gradient(quantized - inp)
    quantized = jnp.moveaxis(quantized, -1, 1)
    discrete_out = jnp.moveaxis(discrete_embedding.astype(jnp.int32), -1, 1)
    return quantized, vq_loss, discrete_out

if __name__ == "__main__":
    import jax
    _d = setup_inputs()
    print(jax.jit(kernel)(*tuple(_d.values())))

</pallas_src>

<mosaic_0001>
#map = affine_map<(d0, d1) -> (0, 0, 0)>
#map1 = affine_map<(d0, d1) -> (0)>
module attributes {stable_mosaic.version = 14 : i64} {
  func.func @new_body(%arg0: i32, %arg1: i32, %arg2: memref<16x1x4096xi32, #tpu.memory_space<hbm>>, %arg3: memref<33554432xi32, #tpu.memory_space<hbm>>, %arg4: memref<33554432xi32, #tpu.memory_space<hbm>>, %arg5: memref<1024xi32, #tpu.memory_space<vmem>>, %arg6: memref<8x128xi32, #tpu.memory_space<vmem>>, %arg7: memref<128xi32, #tpu.memory_space<vmem>>, %arg8: memref<!tpu.dma_semaphore, #tpu.memory_space<semaphore_mem>>) attributes {dimension_semantics = [#tpu.dimension_semantics<core_parallel>, #tpu.dimension_semantics<subcore_parallel>], iteration_bounds = array<i64: 2, 16>, scalar_prefetch = 0 : i64, scratch_operands = 4 : i64, tpu.core_type = #tpu.core_type<sc_vector_subcore>, window_params = [{transform_indices = #map}, {transform_indices = #map1}, {transform_indices = #map1}]} {
    %mul3A = arith.constant 2 : i32
    %mul3A_0 = arith.muli %arg1, %mul3A : i32
    %add3A = arith.addi %mul3A_0, %arg0 : i32
    %jit3A = arith.constant 4 : i32
    %div3A = arith.divsi %add3A, %jit3A : i32
    %sign3A = arith.constant 0 : i32
    %sign3A_1 = arith.cmpi sgt, %add3A, %sign3A : i32
    %sign3A_2 = arith.extui %sign3A_1 : i1 to i32
    %sign3A_3 = arith.constant 0 : i32
    %sign3A_4 = arith.cmpi slt, %add3A, %sign3A_3 : i32
    %sign3A_5 = arith.extui %sign3A_4 : i1 to i32
    %sign3A_6 = arith.subi %sign3A_2, %sign3A_5 : i32
    %sign3A_7 = arith.constant 0 : i32
    %sign3A_8 = arith.cmpi sgt, %jit3A, %sign3A_7 : i32
    %sign3A_9 = arith.extui %sign3A_8 : i1 to i32
    %sign3A_10 = arith.constant 0 : i32
    %sign3A_11 = arith.cmpi slt, %jit3A, %sign3A_10 : i32
    %sign3A_12 = arith.extui %sign3A_11 : i1 to i32
    %sign3A_13 = arith.subi %sign3A_9, %sign3A_12 : i32
    %ne3A = arith.cmpi ne, %sign3A_6, %sign3A_13 : i32
    %rem3A = arith.remsi %add3A, %jit3A : i32
    %ne3A_14 = arith.constant 0 : i32
    %ne3A_15 = arith.cmpi ne, %rem3A, %ne3A_14 : i32
    %and3A = arith.andi %ne3A, %ne3A_15 : i1
    %sub3A = arith.constant 1 : i32
    %sub3A_16 = arith.subi %div3A, %sub3A : i32
    %select_n3A = arith.select %and3A, %sub3A_16, %div3A : i32
    %add3A_17 = arith.constant 8 : i32
    %add3A_18 = arith.addi %add3A_17, %select_n3A : i32
    %jit3A_19 = arith.constant 4 : i32
    %eq3A = arith.constant 0 : i32
    %eq3A_20 = arith.cmpi eq, %jit3A_19, %eq3A : i32
    %jit3A_21 = arith.constant 1 : i32
    %select_n3A_22 = arith.select %eq3A_20, %jit3A_21, %jit3A_19 : i32
    %rem3A_23 = arith.remsi %add3A, %select_n3A_22 : i32
    %ne3A_24 = arith.constant 0 : i32
    %ne3A_25 = arith.cmpi ne, %rem3A_23, %ne3A_24 : i32
    %lt3A = arith.constant 0 : i32
    %lt3A_26 = arith.cmpi slt, %rem3A_23, %lt3A : i32
    %lt3A_27 = arith.constant 0 : i32
    %lt3A_28 = arith.cmpi slt, %select_n3A_22, %lt3A_27 : i32
    %ne3A_29 = arith.xori %lt3A_26, %lt3A_28 : i1
    %and3A_30 = arith.andi %ne3A_29, %ne3A_25 : i1
    %add3A_31 = arith.addi %rem3A_23, %select_n3A_22 : i32
    %select_n3A_32 = arith.select %and3A_30, %add3A_31, %rem3A_23 : i32
    %mul3A_33 = arith.constant 1024 : i32
    %mul3A_34 = arith.muli %select_n3A_32, %mul3A_33 : i32
    %run_scoped3A = arith.constant 0 : i32
    "tpu.region"() ({
      %run_scoped3A_1457 = tpu.sem_alloc : memref<!tpu.dma_semaphore, #tpu.memory_space<semaphore_mem>>
      %dma_start3A_1458 = tpu.memref_slice %arg2[%add3A_18, %run_scoped3A, %mul3A_34] : memref<16x1x4096xi32, #tpu.memory_space<hbm>> -> memref<1x1x1024xi32, #tpu.memory_space<hbm>>
      %dma_start3A_1459 = tpu.memref_squeeze %dma_start3A_1458 : memref<1x1x1024xi32, #tpu.memory_space<hbm>> -> memref<1024xi32, #tpu.memory_space<hbm>>
      %dma_start3A_1460 = tpu.memref_slice %arg2[%add3A_18, %run_scoped3A, %mul3A_34] : memref<16x1x4096xi32, #tpu.memory_space<hbm>> -> memref<1x1x1024xi32, #tpu.memory_space<hbm>>
      %dma_start3A_1461 = tpu.memref_squeeze %dma_start3A_1460 : memref<1x1x1024xi32, #tpu.memory_space<hbm>> -> memref<1024xi32, #tpu.memory_space<hbm>>
      tpu.enqueue_dma source(%dma_start3A_1461 : memref<1024xi32, #tpu.memory_space<hbm>>) target(%arg5 : memref<1024xi32, #tpu.memory_space<vmem>>) target_semaphore(%run_scoped3A_1457 : memref<!tpu.dma_semaphore, #tpu.memory_space<semaphore_mem>>)
      %dma_wait3A_1462 = tpu.memref_slice %arg2[%add3A_18, %run_scoped3A, %mul3A_34] : memref<16x1x4096xi32, #tpu.memory_space<hbm>> -> memref<1x1x1024xi32, #tpu.memory_space<hbm>>
      %dma_wait3A_1463 = tpu.memref_squeeze %dma_wait3A_1462 : memref<1x1x1024xi32, #tpu.memory_space<hbm>> -> memref<1024xi32, #tpu.memory_space<hbm>>
      %dma_wait3A_1464 = tpu.memref_slice %arg2[%add3A_18, %run_scoped3A, %mul3A_34] : memref<16x1x4096xi32, #tpu.memory_space<hbm>> -> memref<1x1x1024xi32, #tpu.memory_space<hbm>>
      %dma_wait3A_1465 = tpu.memref_squeeze %dma_wait3A_1464 : memref<1x1x1024xi32, #tpu.memory_space<hbm>> -> memref<1024xi32, #tpu.memory_space<hbm>>
      tpu.wait_dma2 semaphore(%run_scoped3A_1457 : memref<!tpu.dma_semaphore, #tpu.memory_space<semaphore_mem>>) src(%dma_wait3A_1465 : memref<1024xi32, #tpu.memory_space<hbm>>) dst(%arg5 : memref<1024xi32, #tpu.memory_space<vmem>>)
      tpu.yield
    }) : () -> ()
    %broadcast_in_dim3A = arith.constant 1 : i32
    %broadcast_in_dim3A_35 = vector.broadcast %broadcast_in_dim3A : i32 to vector<16xi32>
    %swap3A = arith.constant 0 : index
    %swap3A_36 = tpu.vector_load %arg7[%swap3A] {strides = array<i32>} : memref<128xi32, #tpu.memory_space<vmem>>, vector<16xi32>,
    %swap3A_37 = vector.shape_cast %swap3A_36 : vector<16xi32> to vector<16xi32>
    %swap3A_38 = vector.shape_cast %broadcast_in_dim3A_35 : vector<16xi32> to vector<16xi32>
    tpu.vector_store %arg7[%swap3A], %swap3A_38 {strides = array<i32>} : memref<128xi32, #tpu.memory_space<vmem>>, vector<16xi32>,
    %broadcast_in_dim3A_39 = arith.constant 1 : i32
    %broadcast_in_dim3A_40 = vector.broadcast %broadcast_in_dim3A_39 : i32 to vector<16xi32>
    %swap3A_41 = arith.constant 16 : index
    %swap3A_42 = tpu.vector_load %arg7[%swap3A_41] {strides = array<i32>} : memref<128xi32, #tpu.memory_space<vmem>>, vector<16xi32>,
    %swap3A_43 = vector.shape_cast %swap3A_42 : vector<16xi32> to vector<16xi32>
    %swap3A_44 = vector.shape_cast %broadcast_in_dim3A_40 : vector<16xi32> to vector<16xi32>
    tpu.vector_store %arg7[%swap3A_41], %swap3A_44 {strides = array<i32>} : memref<128xi32, #tpu.memory_space<vmem>>, vector<16xi32>,
    %broadcast_in_dim3A_45 = arith.constant 1 : i32
    %broadcast_in_dim3A_46 = vector.broadcast %broadcast_in_dim3A_45 : i32 to vector<16xi32>
    %swap3A_47 = arith.constant 32 : index
    %swap3A_48 = tpu.vector_load %arg7[%swap3A_47] {strides = array<i32>} : memref<128xi32, #tpu.memory_space<vmem>>, vector<16xi32>,
    %swap3A_49 = vector.shape_cast %swap3A_48 : vector<16xi32> to vector<16xi32>
    %swap3A_50 = vector.shape_cast %broadcast_in_dim3A_46 : vector<16xi32> to vector<16xi32>
    tpu.vector_store %arg7[%swap3A_47], %swap3A_50 {strides = array<i32>} : memref<128xi32, #tpu.memory_space<vmem>>, vector<16xi32>,
    %broadcast_in_dim3A_51 = arith.constant 1 : i32
    %broadcast_in_dim3A_52 = vector.broadcast %broadcast_in_dim3A_51 : i32 to vector<16xi32>
    %swap3A_53 = arith.constant 48 : index
    %swap3A_54 = tpu.vector_load %arg7[%swap3A_53] {strides = array<i32>} : memref<128xi32, #tpu.memory_space<vmem>>, vector<16xi32>,
    %swap3A_55 = vector.shape_cast %swap3A_54 : vector<16xi32> to vector<16xi32>
    %swap3A_56 = vector.shape_cast %broadcast_in_dim3A_52 : vector<16xi32> to vector<16xi32>
    tpu.vector_store %arg7[%swap3A_53], %swap3A_56 {strides = array<i32>} : memref<128xi32, #tpu.memory_space<vmem>>, vector<16xi32>,
    %broadcast_in_dim3A_57 = arith.constant 1 : i32
    %broadcast_in_dim3A_58 = vector.broadcast %broadcast_in_dim3A_57 : i32 to vector<16xi32>
    %swap3A_59 = arith.constant 64 : index
    %swap3A_60 = tpu.vector_load %arg7[%swap3A_59] {strides = array<i32>} : memref<128xi32, #tpu.memory_space<vmem>>, vector<16xi32>,
    %swap3A_61 = vector.shape_cast %swap3A_60 : vector<16xi32> to vector<16xi32>
    %swap3A_62 = vector.shape_cast %broadcast_in_dim3A_58 : vector<16xi32> to vector<16xi32>
    tpu.vector_store %arg7[%swap3A_59], %swap3A_62 {strides = array<i32>} : memref<128xi32, #tpu.memory_space<vmem>>, vector<16xi32>,
    %broadcast_in_dim3A_63 = arith.constant 1 : i32
    %broadcast_in_dim3A_64 = vector.broadcast %broadcast_in_dim3A_63 : i32 to vector<16xi32>
    %swap3A_65 = arith.constant 80 : index
    %swap3A_66 = tpu.vector_load %arg7[%swap3A_65] {strides = array<i32>} : memref<128xi32, #tpu.memory_space<vmem>>, vector<16xi32>,
    %swap3A_67 = vector.shape_cast %swap3A_66 : vector<16xi32> to vector<16xi32>
    %swap3A_68 = vector.shape_cast %broadcast_in_dim3A_64 : vector<16xi32> to vector<16xi32>
    tpu.vector_store %arg7[%swap3A_65], %swap3A_68 {strides = array<i32>} : memref<128xi32, #tpu.memory_space<vmem>>, vector<16xi32>,
    %broadcast_in_dim3A_69 = arith.constant 1 : i32
    %broadcast_in_dim3A_70 = vector.broadcast %broadcast_in_dim3A_69 : i32 to vector<16xi32>
    %swap3A_71 = arith.constant 96 : index
    %swap3A_72 = tpu.vector_load %arg7[%swap3A_71] {strides = array<i32>} : memref<128xi32, #tpu.memory_space<vmem>>, vector<16xi32>,
    %swap3A_73 = vector.shape_cast %swap3A_72 : vector<16xi32> to vector<16xi32>
    %swap3A_74 = vector.shape_cast %broadcast_in_dim3A_70 : vector<16xi32> to vector<16xi32>
    tpu.vector_store %arg7[%swap3A_71], %swap3A_74 {strides = array<i32>} : memref<128xi32, #tpu.memory_space<vmem>>, vector<16xi32>,
    %broadcast_in_dim3A_75 = arith.constant 1 : i32
    %broadcast_in_dim3A_76 = vector.broadcast %broadcast_in_dim3A_75 : i32 to vector<16xi32>
    %swap3A_77 = arith.constant 112 : index
    %swap3A_78 = tpu.vector_load %arg7[%swap3A_77] {strides = array<i32>} : memref<128xi32, #tpu.memory_space<vmem>>, vector<16xi32>,
    %swap3A_79 = vector.shape_cast %swap3A_78 : vector<16xi32> to vector<16xi32>
    %swap3A_80 = vector.shape_cast %broadcast_in_dim3A_76 : vector<16xi32> to vector<16xi32>
    tpu.vector_store %arg7[%swap3A_77], %swap3A_80 {strides = array<i32>} : memref<128xi32, #tpu.memory_space<vmem>>, vector<16xi32>,
    %mul3A_81 = arith.constant 512 : i32
    %mul3A_82 = arith.muli %add3A_18, %mul3A_81 : i32
    %mul3A_83 = arith.constant 4096 : i32
    %mul3A_84 = arith.muli %mul3A_82, %mul3A_83 : i32
    %get3A = arith.constant 0 : index
    %get3A_85 = tpu.vector_load %arg5[%get3A] {strides = array<i32>} : memref<1024xi32, #tpu.memory_space<vmem>>, vector<16xi32>,
    %get3A_86 = vector.shape_cast %get3A_85 : vector<16xi32> to vector<16xi32>
    %add3A_87 = arith.constant 0 : i32
    %add3A_88 = arith.addi %mul3A_34, %add3A_87 : i32
    %iota3A = tpu.iota {dimensions = array<i32: 0>} : vector<16xi32>
    %add3A_89 = vector.broadcast %add3A_88 : i32 to vector<16xi32>
    %add3A_90 = arith.addi %add3A_89, %iota3A : vector<16xi32>
    %mul3A_91 = arith.constant 4096 : i32
    %mul3A_92 = vector.broadcast %mul3A_91 : i32 to vector<16xi32>
    %mul3A_93 = arith.muli %get3A_86, %mul3A_92 : vector<16xi32>
    %add3A_94 = vector.broadcast %mul3A_84 : i32 to vector<16xi32>
    %add3A_95 = arith.addi %add3A_94, %mul3A_93 : vector<16xi32>
    %add3A_96 = arith.addi %add3A_95, %add3A_90 : vector<16xi32>
    %swap3A_97 = arith.constant 0 : i32
    %swap3A_98 = arith.index_cast %swap3A_97 : i32 to index
    %swap3A_99 = arith.constant 0 : index
    %swap3A_100 = tpu.vector_load %arg6[%swap3A_98, %swap3A_99] {strides = array<i32>} : memref<8x128xi32, #tpu.memory_space<vmem>>, vector<1x16xi32>,
    %swap3A_101 = vector.shape_cast %swap3A_100 : vector<1x16xi32> to vector<16xi32>
    %swap3A_102 = vector.shape_cast %add3A_96 : vector<16xi32> to vector<1x16xi32>
    tpu.vector_store %arg6[%swap3A_98, %swap3A_99], %swap3A_102 {strides = array<i32>} : memref<8x128xi32, #tpu.memory_space<vmem>>, vector<1x16xi32>,
    %get3A_103 = arith.constant 16 : index
    %get3A_104 = tpu.vector_load %arg5[%get3A_103] {strides = array<i32>} : memref<1024xi32, #tpu.memory_space<vmem>>, vector<16xi32>,
    %get3A_105 = vector.shape_cast %get3A_104 : vector<16xi32> to vector<16xi32>
    %add3A_106 = arith.constant 16 : i32
    %add3A_107 = arith.addi %mul3A_34, %add3A_106 : i32
    %iota3A_108 = tpu.iota {dimensions = array<i32: 0>} : vector<16xi32>
    %add3A_109 = vector.broadcast %add3A_107 : i32 to vector<16xi32>
    %add3A_110 = arith.addi %add3A_109, %iota3A_108 : vector<16xi32>
    %mul3A_111 = arith.constant 4096 : i32
    %mul3A_112 = vector.broadcast %mul3A_111 : i32 to vector<16xi32>
    %mul3A_113 = arith.muli %get3A_105, %mul3A_112 : vector<16xi32>
    %add3A_114 = vector.broadcast %mul3A_84 : i32 to vector<16xi32>
    %add3A_115 = arith.addi %add3A_114, %mul3A_113 : vector<16xi32>
    %add3A_116 = arith.addi %add3A_115, %add3A_110 : vector<16xi32>
    %swap3A_117 = arith.constant 0 : i32
    %swap3A_118 = arith.index_cast %swap3A_117 : i32 to index
    %swap3A_119 = arith.constant 16 : index
    %swap3A_120 = tpu.vector_load %arg6[%swap3A_118, %swap3A_119] {strides = array<i32>} : memref<8x128xi32, #tpu.memory_space<vmem>>, vector<1x16xi32>,
    %swap3A_121 = vector.shape_cast %swap3A_120 : vector<1x16xi32> to vector<16xi32>
    %swap3A_122 = vector.shape_cast %add3A_116 : vector<16xi32> to vector<1x16xi32>
    tpu.vector_store %arg6[%swap3A_118, %swap3A_119], %swap3A_122 {strides = array<i32>} : memref<8x128xi32, #tpu.memory_space<vmem>>, vector<1x16xi32>,
    %get3A_123 = arith.constant 32 : index
    %get3A_124 = tpu.vector_load %arg5[%get3A_123] {strides = array<i32>} : memref<1024xi32, #tpu.memory_space<vmem>>, vector<16xi32>,
    %get3A_125 = vector.shape_cast %get3A_124 : vector<16xi32> to vector<16xi32>
    %add3A_126 = arith.constant 32 : i32
    %add3A_127 = arith.addi %mul3A_34, %add3A_126 : i32
    %iota3A_128 = tpu.iota {dimensions = array<i32: 0>} : vector<16xi32>
    %add3A_129 = vector.broadcast %add3A_127 : i32 to vector<16xi32>
    %add3A_130 = arith.addi %add3A_129, %iota3A_128 : vector<16xi32>
    %mul3A_131 = arith.constant 4096 : i32
    %mul3A_132 = vector.broadcast %mul3A_131 : i32 to vector<16xi32>
    %mul3A_133 = arith.muli %get3A_125, %mul3A_132 : vector<16xi32>
    %add3A_134 = vector.broadcast %mul3A_84 : i32 to vector<16xi32>
    %add3A_135 = arith.addi %add3A_134, %mul3A_133 : vector<16xi32>
    %add3A_136 = arith.addi %add3A_135, %add3A_130 : vector<16xi32>
    %swap3A_137 = arith.constant 0 : i32
    %swap3A_138 = arith.index_cast %swap3A_137 : i32 to index
    %swap3A_139 = arith.constant 32 : index
    %swap3A_140 = tpu.vector_load %arg6[%swap3A_138, %swap3A_139] {strides = array<i32>} : memref<8x128xi32, #tpu.memory_space<vmem>>, vector<1x16xi32>,
    %swap3A_141 = vector.shape_cast %swap3A_140 : vector<1x16xi32> to vector<16xi32>
    %swap3A_142 = vector.shape_cast %add3A_136 : vector<16xi32> to vector<1x16xi32>
    tpu.vector_store %arg6[%swap3A_138, %swap3A_139], %swap3A_142 {strides = array<i32>} : memref<8x128xi32, #tpu.memory_space<vmem>>, vector<1x16xi32>,
    %get3A_143 = arith.constant 48 : index
    %get3A_144 = tpu.vector_load %arg5[%get3A_143] {strides = array<i32>} : memref<1024xi32, #tpu.memory_space<vmem>>, vector<16xi32>,
    %get3A_145 = vector.shape_cast %get3A_144 : vector<16xi32> to vector<16xi32>
    %add3A_146 = arith.constant 48 : i32
    %add3A_147 = arith.addi %mul3A_34, %add3A_146 : i32
    %iota3A_148 = tpu.iota {dimensions = array<i32: 0>} : vector<16xi32>
    %add3A_149 = vector.broadcast %add3A_147 : i32 to vector<16xi32>
    %add3A_150 = arith.addi %add3A_149, %iota3A_148 : vector<16xi32>
    %mul3A_151 = arith.constant 4096 : i32
    %mul3A_152 = vector.broadcast %mul3A_151 : i32 to vector<16xi32>
    %mul3A_153 = arith.muli %get3A_145, %mul3A_152 : vector<16xi32>
    %add3A_154 = vector.broadcast %mul3A_84 : i32 to vector<16xi32>
    %add3A_155 = arith.addi %add3A_154, %mul3A_153 : vector<16xi32>
    %add3A_156 = arith.addi %add3A_155, %add3A_150 : vector<16xi32>
    %swap3A_157 = arith.constant 0 : i32
    %swap3A_158 = arith.index_cast %swap3A_157 : i32 to index
    %swap3A_159 = arith.constant 48 : index
    %swap3A_160 = tpu.vector_load %arg6[%swap3A_158, %swap3A_159] {strides = array<i32>} : memref<8x128xi32, #tpu.memory_space<vmem>>, vector<1x16xi32>,
    %swap3A_161 = vector.shape_cast %swap3A_160 : vector<1x16xi32> to vector<16xi32>
    %swap3A_162 = vector.shape_cast %add3A_156 : vector<16xi32> to vector<1x16xi32>
    tpu.vector_store %arg6[%swap3A_158, %swap3A_159], %swap3A_162 {strides = array<i32>} : memref<8x128xi32, #tpu.memory_space<vmem>>, vector<1x16xi32>,
    %get3A_163 = arith.constant 64 : index
    %get3A_164 = tpu.vector_load %arg5[%get3A_163] {strides = array<i32>} : memref<1024xi32, #tpu.memory_space<vmem>>, vector<16xi32>,
    %get3A_165 = vector.shape_cast %get3A_164 : vector<16xi32> to vector<16xi32>
    %add3A_166 = arith.constant 64 : i32
    %add3A_167 = arith.addi %mul3A_34, %add3A_166 : i32
    %iota3A_168 = tpu.iota {dimensions = array<i32: 0>} : vector<16xi32>
    %add3A_169 = vector.broadcast %add3A_167 : i32 to vector<16xi32>
    %add3A_170 = arith.addi %add3A_169, %iota3A_168 : vector<16xi32>
    %mul3A_171 = arith.constant 4096 : i32
    %mul3A_172 = vector.broadcast %mul3A_171 : i32 to vector<16xi32>
    %mul3A_173 = arith.muli %get3A_165, %mul3A_172 : vector<16xi32>
    %add3A_174 = vector.broadcast %mul3A_84 : i32 to vector<16xi32>
    %add3A_175 = arith.addi %add3A_174, %mul3A_173 : vector<16xi32>
    %add3A_176 = arith.addi %add3A_175, %add3A_170 : vector<16xi32>
    %swap3A_177 = arith.constant 0 : i32
    %swap3A_178 = arith.index_cast %swap3A_177 : i32 to index
    %swap3A_179 = arith.constant 64 : index
    %swap3A_180 = tpu.vector_load %arg6[%swap3A_178, %swap3A_179] {strides = array<i32>} : memref<8x128xi32, #tpu.memory_space<vmem>>, vector<1x16xi32>,
    %swap3A_181 = vector.shape_cast %swap3A_180 : vector<1x16xi32> to vector<16xi32>
    %swap3A_182 = vector.shape_cast %add3A_176 : vector<16xi32> to vector<1x16xi32>
    tpu.vector_store %arg6[%swap3A_178, %swap3A_179], %swap3A_182 {strides = array<i32>} : memref<8x128xi32, #tpu.memory_space<vmem>>, vector<1x16xi32>,
    %get3A_183 = arith.constant 80 : index
    %get3A_184 = tpu.vector_load %arg5[%get3A_183] {strides = array<i32>} : memref<1024xi32, #tpu.memory_space<vmem>>, vector<16xi32>,
    %get3A_185 = vector.shape_cast %get3A_184 : vector<16xi32> to vector<16xi32>
    %add3A_186 = arith.constant 80 : i32
    %add3A_187 = arith.addi %mul3A_34, %add3A_186 : i32
    %iota3A_188 = tpu.iota {dimensions = array<i32: 0>} : vector<16xi32>
    %add3A_189 = vector.broadcast %add3A_187 : i32 to vector<16xi32>
    %add3A_190 = arith.addi %add3A_189, %iota3A_188 : vector<16xi32>
    %mul3A_191 = arith.constant 4096 : i32
    %mul3A_192 = vector.broadcast %mul3A_191 : i32 to vector<16xi32>
    %mul3A_193 = arith.muli %get3A_185, %mul3A_192 : vector<16xi32>
    %add3A_194 = vector.broadcast %mul3A_84 : i32 to vector<16xi32>
    %add3A_195 = arith.addi %add3A_194, %mul3A_193 : vector<16xi32>
    %add3A_196 = arith.addi %add3A_195, %add3A_190 : vector<16xi32>
    %swap3A_197 = arith.constant 0 : i32
    %swap3A_198 = arith.index_cast %swap3A_197 : i32 to index
    %swap3A_199 = arith.constant 80 : index
    %swap3A_200 = tpu.vector_load %arg6[%swap3A_198, %swap3A_199] {strides = array<i32>} : memref<8x128xi32, #tpu.memory_space<vmem>>, vector<1x16xi32>,
    %swap3A_201 = vector.shape_cast %swap3A_200 : vector<1x16xi32> to vector<16xi32>
    %swap3A_202 = vector.shape_cast %add3A_196 : vector<16xi32> to vector<1x16xi32>
    tpu.vector_store %arg6[%swap3A_198, %swap3A_199], %swap3A_202 {strides = array<i32>} : memref<8x128xi32, #tpu.memory_space<vmem>>, vector<1x16xi32>,
    %get3A_203 = arith.constant 96 : index
    %get3A_204 = tpu.vector_load %arg5[%get3A_203] {strides = array<i32>} : memref<1024xi32, #tpu.memory_space<vmem>>, vector<16xi32>,
    %get3A_205 = vector.shape_cast %get3A_204 : vector<16xi32> to vector<16xi32>
    %add3A_206 = arith.constant 96 : i32
    %add3A_207 = arith.addi %mul3A_34, %add3A_206 : i32
    %iota3A_208 = tpu.iota {dimensions = array<i32: 0>} : vector<16xi32>
    %add3A_209 = vector.broadcast %add3A_207 : i32 to vector<16xi32>
    %add3A_210 = arith.addi %add3A_209, %iota3A_208 : vector<16xi32>
    %mul3A_211 = arith.constant 4096 : i32
    %mul3A_212 = vector.broadcast %mul3A_211 : i32 to vector<16xi32>
    %mul3A_213 = arith.muli %get3A_205, %mul3A_212 : vector<16xi32>
    %add3A_214 = vector.broadcast %mul3A_84 : i32 to vector<16xi32>
    %add3A_215 = arith.addi %add3A_214, %mul3A_213 : vector<16xi32>
    %add3A_216 = arith.addi %add3A_215, %add3A_210 : vector<16xi32>
    %swap3A_217 = arith.constant 0 : i32
    %swap3A_218 = arith.index_cast %swap3A_217 : i32 to index
    %swap3A_219 = arith.constant 96 : index
    %swap3A_220 = tpu.vector_load %arg6[%swap3A_218, %swap3A_219] {strides = array<i32>} : memref<8x128xi32, #tpu.memory_space<vmem>>, vector<1x16xi32>,
    %swap3A_221 = vector.shape_cast %swap3A_220 : vector<1x16xi32> to vector<16xi32>
    %swap3A_222 = vector.shape_cast %add3A_216 : vector<16xi32> to vector<1x16xi32>
    tpu.vector_store %arg6[%swap3A_218, %swap3A_219], %swap3A_222 {strides = array<i32>} : memref<8x128xi32, #tpu.memory_space<vmem>>, vector<1x16xi32>,
    %get3A_223 = arith.constant 112 : index
    %get3A_224 = tpu.vector_load %arg5[%get3A_223] {strides = array<i32>} : memref<1024xi32, #tpu.memory_space<vmem>>, vector<16xi32>,
    %get3A_225 = vector.shape_cast %get3A_224 : vector<16xi32> to vector<16xi32>
    %add3A_226 = arith.constant 112 : i32
    %add3A_227 = arith.addi %mul3A_34, %add3A_226 : i32
    %iota3A_228 = tpu.iota {dimensions = array<i32: 0>} : vector<16xi32>
    %add3A_229 = vector.broadcast %add3A_227 : i32 to vector<16xi32>
    %add3A_230 = arith.addi %add3A_229, %iota3A_228 : vector<16xi32>
    %mul3A_231 = arith.constant 4096 : i32
    %mul3A_232 = vector.broadcast %mul3A_231 : i32 to vector<16xi32>
    %mul3A_233 = arith.muli %get3A_225, %mul3A_232 : vector<16xi32>
    %add3A_234 = vector.broadcast %mul3A_84 : i32 to vector<16xi32>
    %add3A_235 = arith.addi %add3A_234, %mul3A_233 : vector<16xi32>
    %add3A_236 = arith.addi %add3A_235, %add3A_230 : vector<16xi32>
    %swap3A_237 = arith.constant 0 : i32
    %swap3A_238 = arith.index_cast %swap3A_237 : i32 to index
    %swap3A_239 = arith.constant 112 : index
    %swap3A_240 = tpu.vector_load %arg6[%swap3A_238, %swap3A_239] {strides = array<i32>} : memref<8x128xi32, #tpu.memory_space<vmem>>, vector<1x16xi32>,
    %swap3A_241 = vector.shape_cast %swap3A_240 : vector<1x16xi32> to vector<16xi32>
    %swap3A_242 = vector.shape_cast %add3A_236 : vector<16xi32> to vector<1x16xi32>
    tpu.vector_store %arg6[%swap3A_238, %swap3A_239], %swap3A_242 {strides = array<i32>} : memref<8x128xi32, #tpu.memory_space<vmem>>, vector<1x16xi32>,
    %get3A_243 = arith.constant 128 : index
    %get3A_244 = tpu.vector_load %arg5[%get3A_243] {strides = array<i32>} : memref<1024xi32, #tpu.memory_space<vmem>>, vector<16xi32>,
    %get3A_245 = vector.shape_cast %get3A_244 : vector<16xi32> to vector<16xi32>
    %add3A_246 = arith.constant 128 : i32
    %add3A_247 = arith.addi %mul3A_34, %add3A_246 : i32
    %iota3A_248 = tpu.iota {dimensions = array<i32: 0>} : vector<16xi32>
    %add3A_249 = vector.broadcast %add3A_247 : i32 to vector<16xi32>
    %add3A_250 = arith.addi %add3A_249, %iota3A_248 : vector<16xi32>
    %mul3A_251 = arith.constant 4096 : i32
    %mul3A_252 = vector.broadcast %mul3A_251 : i32 to vector<16xi32>
    %mul3A_253 = arith.muli %get3A_245, %mul3A_252 : vector<16xi32>
    %add3A_254 = vector.broadcast %mul3A_84 : i32 to vector<16xi32>
    %add3A_255 = arith.addi %add3A_254, %mul3A_253 : vector<16xi32>
    %add3A_256 = arith.addi %add3A_255, %add3A_250 : vector<16xi32>
    %swap3A_257 = arith.constant 1 : i32
    %swap3A_258 = arith.index_cast %swap3A_257 : i32 to index
    %swap3A_259 = arith.constant 0 : index
    %swap3A_260 = tpu.vector_load %arg6[%swap3A_258, %swap3A_259] {strides = array<i32>} : memref<8x128xi32, #tpu.memory_space<vmem>>, vector<1x16xi32>,
    %swap3A_261 = vector.shape_cast %swap3A_260 : vector<1x16xi32> to vector<16xi32>
    %swap3A_262 = vector.shape_cast %add3A_256 : vector<16xi32> to vector<1x16xi32>
    tpu.vector_store %arg6[%swap3A_258, %swap3A_259], %swap3A_262 {strides = array<i32>} : memref<8x128xi32, #tpu.memory_space<vmem>>, vector<1x16xi32>,
    %get3A_263 = arith.constant 144 : index
    %get3A_264 = tpu.vector_load %arg5[%get3A_263] {strides = array<i32>} : memref<1024xi32, #tpu.memory_space<vmem>>, vector<16xi32>,
    %get3A_265 = vector.shape_cast %get3A_264 : vector<16xi32> to vector<16xi32>
    %add3A_266 = arith.constant 144 : i32
    %add3A_267 = arith.addi %mul3A_34, %add3A_266 : i32
    %iota3A_268 = tpu.iota {dimensions = array<i32: 0>} : vector<16xi32>
    %add3A_269 = vector.broadcast %add3A_267 : i32 to vector<16xi32>
    %add3A_270 = arith.addi %add3A_269, %iota3A_268 : vector<16xi32>
    %mul3A_271 = arith.constant 4096 : i32
    %mul3A_272 = vector.broadcast %mul3A_271 : i32 to vector<16xi32>
    %mul3A_273 = arith.muli %get3A_265, %mul3A_272 : vector<16xi32>
    %add3A_274 = vector.broadcast %mul3A_84 : i32 to vector<16xi32>
    %add3A_275 = arith.addi %add3A_274, %mul3A_273 : vector<16xi32>
    %add3A_276 = arith.addi %add3A_275, %add3A_270 : vector<16xi32>
    %swap3A_277 = arith.constant 1 : i32
    %swap3A_278 = arith.index_cast %swap3A_277 : i32 to index
    %swap3A_279 = arith.constant 16 : index
    %swap3A_280 = tpu.vector_load %arg6[%swap3A_278, %swap3A_279] {strides = array<i32>} : memref<8x128xi32, #tpu.memory_space<vmem>>, vector<1x16xi32>,
    %swap3A_281 = vector.shape_cast %swap3A_280 : vector<1x16xi32> to vector<16xi32>
    %swap3A_282 = vector.shape_cast %add3A_276 : vector<16xi32> to vector<1x16xi32>
    tpu.vector_store %arg6[%swap3A_278, %swap3A_279], %swap3A_282 {strides = array<i32>} : memref<8x128xi32, #tpu.memory_space<vmem>>, vector<1x16xi32>,
    %get3A_283 = arith.constant 160 : index
    %get3A_284 = tpu.vector_load %arg5[%get3A_283] {strides = array<i32>} : memref<1024xi32, #tpu.memory_space<vmem>>, vector<16xi32>,
    %get3A_285 = vector.shape_cast %get3A_284 : vector<16xi32> to vector<16xi32>
    %add3A_286 = arith.constant 160 : i32
    %add3A_287 = arith.addi %mul3A_34, %add3A_286 : i32
    %iota3A_288 = tpu.iota {dimensions = array<i32: 0>} : vector<16xi32>
    %add3A_289 = vector.broadcast %add3A_287 : i32 to vector<16xi32>
    %add3A_290 = arith.addi %add3A_289, %iota3A_288 : vector<16xi32>
    %mul3A_291 = arith.constant 4096 : i32
    %mul3A_292 = vector.broadcast %mul3A_291 : i32 to vector<16xi32>
    %mul3A_293 = arith.muli %get3A_285, %mul3A_292 : vector<16xi32>
    %add3A_294 = vector.broadcast %mul3A_84 : i32 to vector<16xi32>
    %add3A_295 = arith.addi %add3A_294, %mul3A_293 : vector<16xi32>
    %add3A_296 = arith.addi %add3A_295, %add3A_290 : vector<16xi32>
    %swap3A_297 = arith.constant 1 : i32
    %swap3A_298 = arith.index_cast %swap3A_297 : i32 to index
    %swap3A_299 = arith.constant 32 : index
    %swap3A_300 = tpu.vector_load %arg6[%swap3A_298, %swap3A_299] {strides = array<i32>} : memref<8x128xi32, #tpu.memory_space<vmem>>, vector<1x16xi32>,
    %swap3A_301 = vector.shape_cast %swap3A_300 : vector<1x16xi32> to vector<16xi32>
    %swap3A_302 = vector.shape_cast %add3A_296 : vector<16xi32> to vector<1x16xi32>
    tpu.vector_store %arg6[%swap3A_298, %swap3A_299], %swap3A_302 {strides = array<i32>} : memref<8x128xi32, #tpu.memory_space<vmem>>, vector<1x16xi32>,
    %get3A_303 = arith.constant 176 : index
    %get3A_304 = tpu.vector_load %arg5[%get3A_303] {strides = array<i32>} : memref<1024xi32, #tpu.memory_space<vmem>>, vector<16xi32>,
    %get3A_305 = vector.shape_cast %get3A_304 : vector<16xi32> to vector<16xi32>
    %add3A_306 = arith.constant 176 : i32
    %add3A_307 = arith.addi %mul3A_34, %add3A_306 : i32
    %iota3A_308 = tpu.iota {dimensions = array<i32: 0>} : vector<16xi32>
    %add3A_309 = vector.broadcast %add3A_307 : i32 to vector<16xi32>
    %add3A_310 = arith.addi %add3A_309, %iota3A_308 : vector<16xi32>
    %mul3A_311 = arith.constant 4096 : i32
    %mul3A_312 = vector.broadcast %mul3A_311 : i32 to vector<16xi32>
    %mul3A_313 = arith.muli %get3A_305, %mul3A_312 : vector<16xi32>
    %add3A_314 = vector.broadcast %mul3A_84 : i32 to vector<16xi32>
    %add3A_315 = arith.addi %add3A_314, %mul3A_313 : vector<16xi32>
    %add3A_316 = arith.addi %add3A_315, %add3A_310 : vector<16xi32>
    %swap3A_317 = arith.constant 1 : i32
    %swap3A_318 = arith.index_cast %swap3A_317 : i32 to index
    %swap3A_319 = arith.constant 48 : index
    %swap3A_320 = tpu.vector_load %arg6[%swap3A_318, %swap3A_319] {strides = array<i32>} : memref<8x128xi32, #tpu.memory_space<vmem>>, vector<1x16xi32>,
    %swap3A_321 = vector.shape_cast %swap3A_320 : vector<1x16xi32> to vector<16xi32>
    %swap3A_322 = vector.shape_cast %add3A_316 : vector<16xi32> to vector<1x16xi32>
    tpu.vector_store %arg6[%swap3A_318, %swap3A_319], %swap3A_322 {strides = array<i32>} : memref<8x128xi32, #tpu.memory_space<vmem>>, vector<1x16xi32>,
    %get3A_323 = arith.constant 192 : index
    %get3A_324 = tpu.vector_load %arg5[%get3A_323] {strides = array<i32>} : memref<1024xi32, #tpu.memory_space<vmem>>, vector<16xi32>,
    %get3A_325 = vector.shape_cast %get3A_324 : vector<16xi32> to vector<16xi32>
    %add3A_326 = arith.constant 192 : i32
    %add3A_327 = arith.addi %mul3A_34, %add3A_326 : i32
    %iota3A_328 = tpu.iota {dimensions = array<i32: 0>} : vector<16xi32>
    %add3A_329 = vector.broadcast %add3A_327 : i32 to vector<16xi32>
    %add3A_330 = arith.addi %add3A_329, %iota3A_328 : vector<16xi32>
    %mul3A_331 = arith.constant 4096 : i32
    %mul3A_332 = vector.broadcast %mul3A_331 : i32 to vector<16xi32>
    %mul3A_333 = arith.muli %get3A_325, %mul3A_332 : vector<16xi32>
    %add3A_334 = vector.broadcast %mul3A_84 : i32 to vector<16xi32>
    %add3A_335 = arith.addi %add3A_334, %mul3A_333 : vector<16xi32>
    %add3A_336 = arith.addi %add3A_335, %add3A_330 : vector<16xi32>
    %swap3A_337 = arith.constant 1 : i32
    %swap3A_338 = arith.index_cast %swap3A_337 : i32 to index
    %swap3A_339 = arith.constant 64 : index
    %swap3A_340 = tpu.vector_load %arg6[%swap3A_338, %swap3A_339] {strides = array<i32>} : memref<8x128xi32, #tpu.memory_space<vmem>>, vector<1x16xi32>,
    %swap3A_341 = vector.shape_cast %swap3A_340 : vector<1x16xi32> to vector<16xi32>
    %swap3A_342 = vector.shape_cast %add3A_336 : vector<16xi32> to vector<1x16xi32>
    tpu.vector_store %arg6[%swap3A_338, %swap3A_339], %swap3A_342 {strides = array<i32>} : memref<8x128xi32, #tpu.memory_space<vmem>>, vector<1x16xi32>,
    %get3A_343 = arith.constant 208 : index
    %get3A_344 = tpu.vector_load %arg5[%get3A_343] {strides = array<i32>} : memref<1024xi32, #tpu.memory_space<vmem>>, vector<16xi32>,
    %get3A_345 = vector.shape_cast %get3A_344 : vector<16xi32> to vector<16xi32>
    %add3A_346 = arith.constant 208 : i32
    %add3A_347 = arith.addi %mul3A_34, %add3A_346 : i32
    %iota3A_348 = tpu.iota {dimensions = array<i32: 0>} : vector<16xi32>
    %add3A_349 = vector.broadcast %add3A_347 : i32 to vector<16xi32>
    %add3A_350 = arith.addi %add3A_349, %iota3A_348 : vector<16xi32>
    %mul3A_351 = arith.constant 4096 : i32
    %mul3A_352 = vector.broadcast %mul3A_351 : i32 to vector<16xi32>
    %mul3A_353 = arith.muli %get3A_345, %mul3A_352 : vector<16xi32>
    %add3A_354 = vector.broadcast %mul3A_84 : i32 to vector<16xi32>
    %add3A_355 = arith.addi %add3A_354, %mul3A_353 : vector<16xi32>
    %add3A_356 = arith.addi %add3A_355, %add3A_350 : vector<16xi32>
    %swap3A_357 = arith.constant 1 : i32
    %swap3A_358 = arith.index_cast %swap3A_357 : i32 to index
    %swap3A_359 = arith.constant 80 : index
    %swap3A_360 = tpu.vector_load %arg6[%swap3A_358, %swap3A_359] {strides = array<i32>} : memref<8x128xi32, #tpu.memory_space<vmem>>, vector<1x16xi32>,
    %swap3A_361 = vector.shape_cast %swap3A_360 : vector<1x16xi32> to vector<16xi32>
    %swap3A_362 = vector.shape_cast %add3A_356 : vector<16xi32> to vector<1x16xi32>
    tpu.vector_store %arg6[%swap3A_358, %swap3A_359], %swap3A_362 {strides = array<i32>} : memref<8x128xi32, #tpu.memory_space<vmem>>, vector<1x16xi32>,
    %get3A_363 = arith.constant 224 : index
    %get3A_364 = tpu.vector_load %arg5[%get3A_363] {strides = array<i32>} : memref<1024xi32, #tpu.memory_space<vmem>>, vector<16xi32>,
    %get3A_365 = vector.shape_cast %get3A_364 : vector<16xi32> to vector<16xi32>
    %add3A_366 = arith.constant 224 : i32
    %add3A_367 = arith.addi %mul3A_34, %add3A_366 : i32
    %iota3A_368 = tpu.iota {dimensions = array<i32: 0>} : vector<16xi32>
    %add3A_369 = vector.broadcast %add3A_367 : i32 to vector<16xi32>
    %add3A_370 = arith.addi %add3A_369, %iota3A_368 : vector<16xi32>
    %mul3A_371 = arith.constant 4096 : i32
    %mul3A_372 = vector.broadcast %mul3A_371 : i32 to vector<16xi32>
    %mul3A_373 = arith.muli %get3A_365, %mul3A_372 : vector<16xi32>
    %add3A_374 = vector.broadcast %mul3A_84 : i32 to vector<16xi32>
    %add3A_375 = arith.addi %add3A_374, %mul3A_373 : vector<16xi32>
    %add3A_376 = arith.addi %add3A_375, %add3A_370 : vector<16xi32>
    %swap3A_377 = arith.constant 1 : i32
    %swap3A_378 = arith.index_cast %swap3A_377 : i32 to index
    %swap3A_379 = arith.constant 96 : index
    %swap3A_380 = tpu.vector_load %arg6[%swap3A_378, %swap3A_379] {strides = array<i32>} : memref<8x128xi32, #tpu.memory_space<vmem>>, vector<1x16xi32>,
    %swap3A_381 = vector.shape_cast %swap3A_380 : vector<1x16xi32> to vector<16xi32>
    %swap3A_382 = vector.shape_cast %add3A_376 : vector<16xi32> to vector<1x16xi32>
    tpu.vector_store %arg6[%swap3A_378, %swap3A_379], %swap3A_382 {strides = array<i32>} : memref<8x128xi32, #tpu.memory_space<vmem>>, vector<1x16xi32>,
    %get3A_383 = arith.constant 240 : index
    %get3A_384 = tpu.vector_load %arg5[%get3A_383] {strides = array<i32>} : memref<1024xi32, #tpu.memory_space<vmem>>, vector<16xi32>,
    %get3A_385 = vector.shape_cast %get3A_384 : vector<16xi32> to vector<16xi32>
    %add3A_386 = arith.constant 240 : i32
    %add3A_387 = arith.addi %mul3A_34, %add3A_386 : i32
    %iota3A_388 = tpu.iota {dimensions = array<i32: 0>} : vector<16xi32>
    %add3A_389 = vector.broadcast %add3A_387 : i32 to vector<16xi32>
    %add3A_390 = arith.addi %add3A_389, %iota3A_388 : vector<16xi32>
    %mul3A_391 = arith.constant 4096 : i32
    %mul3A_392 = vector.broadcast %mul3A_391 : i32 to vector<16xi32>
    %mul3A_393 = arith.muli %get3A_385, %mul3A_392 : vector<16xi32>
    %add3A_394 = vector.broadcast %mul3A_84 : i32 to vector<16xi32>
    %add3A_395 = arith.addi %add3A_394, %mul3A_393 : vector<16xi32>
    %add3A_396 = arith.addi %add3A_395, %add3A_390 : vector<16xi32>
    %swap3A_397 = arith.constant 1 : i32
    %swap3A_398 = arith.index_cast %swap3A_397 : i32 to index
    %swap3A_399 = arith.constant 112 : index
    %swap3A_400 = tpu.vector_load %arg6[%swap3A_398, %swap3A_399] {strides = array<i32>} : memref<8x128xi32, #tpu.memory_space<vmem>>, vector<1x16xi32>,
    %swap3A_401 = vector.shape_cast %swap3A_400 : vector<1x16xi32> to vector<16xi32>
    %swap3A_402 = vector.shape_cast %add3A_396 : vector<16xi32> to vector<1x16xi32>
    tpu.vector_store %arg6[%swap3A_398, %swap3A_399], %swap3A_402 {strides = array<i32>} : memref<8x128xi32, #tpu.memory_space<vmem>>, vector<1x16xi32>,
    %get3A_403 = arith.constant 256 : index
    %get3A_404 = tpu.vector_load %arg5[%get3A_403] {strides = array<i32>} : memref<1024xi32, #tpu.memory_space<vmem>>, vector<16xi32>,
    %get3A_405 = vector.shape_cast %get3A_404 : vector<16xi32> to vector<16xi32>
    %add3A_406 = arith.constant 256 : i32
    %add3A_407 = arith.addi %mul3A_34, %add3A_406 : i32
    %iota3A_408 = tpu.iota {dimensions = array<i32: 0>} : vector<16xi32>
    %add3A_409 = vector.broadcast %add3A_407 : i32 to vector<16xi32>
    %add3A_410 = arith.addi %add3A_409, %iota3A_408 : vector<16xi32>
    %mul3A_411 = arith.constant 4096 : i32
    %mul3A_412 = vector.broadcast %mul3A_411 : i32 to vector<16xi32>
    %mul3A_413 = arith.muli %get3A_405, %mul3A_412 : vector<16xi32>
    %add3A_414 = vector.broadcast %mul3A_84 : i32 to vector<16xi32>
    %add3A_415 = arith.addi %add3A_414, %mul3A_413 : vector<16xi32>
    %add3A_416 = arith.addi %add3A_415, %add3A_410 : vector<16xi32>
    %swap3A_417 = arith.constant 2 : i32
    %swap3A_418 = arith.index_cast %swap3A_417 : i32 to index
    %swap3A_419 = arith.constant 0 : index
    %swap3A_420 = tpu.vector_load %arg6[%swap3A_418, %swap3A_419] {strides = array<i32>} : memref<8x128xi32, #tpu.memory_space<vmem>>, vector<1x16xi32>,
    %swap3A_421 = vector.shape_cast %swap3A_420 : vector<1x16xi32> to vector<16xi32>
    %swap3A_422 = vector.shape_cast %add3A_416 : vector<16xi32> to vector<1x16xi32>
    tpu.vector_store %arg6[%swap3A_418, %swap3A_419], %swap3A_422 {strides = array<i32>} : memref<8x128xi32, #tpu.memory_space<vmem>>, vector<1x16xi32>,
    %get3A_423 = arith.constant 272 : index
    %get3A_424 = tpu.vector_load %arg5[%get3A_423] {strides = array<i32>} : memref<1024xi32, #tpu.memory_space<vmem>>, vector<16xi32>,
    %get3A_425 = vector.shape_cast %get3A_424 : vector<16xi32> to vector<16xi32>
    %add3A_426 = arith.constant 272 : i32
    %add3A_427 = arith.addi %mul3A_34, %add3A_426 : i32
    %iota3A_428 = tpu.iota {dimensions = array<i32: 0>} : vector<16xi32>
    %add3A_429 = vector.broadcast %add3A_427 : i32 to vector<16xi32>
    %add3A_430 = arith.addi %add3A_429, %iota3A_428 : vector<16xi32>
    %mul3A_431 = arith.constant 4096 : i32
    %mul3A_432 = vector.broadcast %mul3A_431 : i32 to vector<16xi32>
    %mul3A_433 = arith.muli %get3A_425, %mul3A_432 : vector<16xi32>
    %add3A_434 = vector.broadcast %mul3A_84 : i32 to vector<16xi32>
    %add3A_435 = arith.addi %add3A_434, %mul3A_433 : vector<16xi32>
    %add3A_436 = arith.addi %add3A_435, %add3A_430 : vector<16xi32>
    %swap3A_437 = arith.constant 2 : i32
    %swap3A_438 = arith.index_cast %swap3A_437 : i32 to index
    %swap3A_439 = arith.constant 16 : index
    %swap3A_440 = tpu.vector_load %arg6[%swap3A_438, %swap3A_439] {strides = array<i32>} : memref<8x128xi32, #tpu.memory_space<vmem>>, vector<1x16xi32>,
    %swap3A_441 = vector.shape_cast %swap3A_440 : vector<1x16xi32> to vector<16xi32>
    %swap3A_442 = vector.shape_cast %add3A_436 : vector<16xi32> to vector<1x16xi32>
    tpu.vector_store %arg6[%swap3A_438, %swap3A_439], %swap3A_442 {strides = array<i32>} : memref<8x128xi32, #tpu.memory_space<vmem>>, vector<1x16xi32>,
    %get3A_443 = arith.constant 288 : index
    %get3A_444 = tpu.vector_load %arg5[%get3A_443] {strides = array<i32>} : memref<1024xi32, #tpu.memory_space<vmem>>, vector<16xi32>,
    %get3A_445 = vector.shape_cast %get3A_444 : vector<16xi32> to vector<16xi32>
    %add3A_446 = arith.constant 288 : i32
    %add3A_447 = arith.addi %mul3A_34, %add3A_446 : i32
    %iota3A_448 = tpu.iota {dimensions = array<i32: 0>} : vector<16xi32>
    %add3A_449 = vector.broadcast %add3A_447 : i32 to vector<16xi32>
    %add3A_450 = arith.addi %add3A_449, %iota3A_448 : vector<16xi32>
    %mul3A_451 = arith.constant 4096 : i32
    %mul3A_452 = vector.broadcast %mul3A_451 : i32 to vector<16xi32>
    %mul3A_453 = arith.muli %get3A_445, %mul3A_452 : vector<16xi32>
    %add3A_454 = vector.broadcast %mul3A_84 : i32 to vector<16xi32>
    %add3A_455 = arith.addi %add3A_454, %mul3A_453 : vector<16xi32>
    %add3A_456 = arith.addi %add3A_455, %add3A_450 : vector<16xi32>
    %swap3A_457 = arith.constant 2 : i32
    %swap3A_458 = arith.index_cast %swap3A_457 : i32 to index
    %swap3A_459 = arith.constant 32 : index
    %swap3A_460 = tpu.vector_load %arg6[%swap3A_458, %swap3A_459] {strides = array<i32>} : memref<8x128xi32, #tpu.memory_space<vmem>>, vector<1x16xi32>,
    %swap3A_461 = vector.shape_cast %swap3A_460 : vector<1x16xi32> to vector<16xi32>
    %swap3A_462 = vector.shape_cast %add3A_456 : vector<16xi32> to vector<1x16xi32>
    tpu.vector_store %arg6[%swap3A_458, %swap3A_459], %swap3A_462 {strides = array<i32>} : memref<8x128xi32, #tpu.memory_space<vmem>>, vector<1x16xi32>,
    %get3A_463 = arith.constant 304 : index
    %get3A_464 = tpu.vector_load %arg5[%get3A_463] {strides = array<i32>} : memref<1024xi32, #tpu.memory_space<vmem>>, vector<16xi32>,
    %get3A_465 = vector.shape_cast %get3A_464 : vector<16xi32> to vector<16xi32>
    %add3A_466 = arith.constant 304 : i32
    %add3A_467 = arith.addi %mul3A_34, %add3A_466 : i32
    %iota3A_468 = tpu.iota {dimensions = array<i32: 0>} : vector<16xi32>
    %add3A_469 = vector.broadcast %add3A_467 : i32 to vector<16xi32>
    %add3A_470 = arith.addi %add3A_469, %iota3A_468 : vector<16xi32>
    %mul3A_471 = arith.constant 4096 : i32
    %mul3A_472 = vector.broadcast %mul3A_471 : i32 to vector<16xi32>
    %mul3A_473 = arith.muli %get3A_465, %mul3A_472 : vector<16xi32>
    %add3A_474 = vector.broadcast %mul3A_84 : i32 to vector<16xi32>
    %add3A_475 = arith.addi %add3A_474, %mul3A_473 : vector<16xi32>
    %add3A_476 = arith.addi %add3A_475, %add3A_470 : vector<16xi32>
    %swap3A_477 = arith.constant 2 : i32
    %swap3A_478 = arith.index_cast %swap3A_477 : i32 to index
    %swap3A_479 = arith.constant 48 : index
    %swap3A_480 = tpu.vector_load %arg6[%swap3A_478, %swap3A_479] {strides = array<i32>} : memref<8x128xi32, #tpu.memory_space<vmem>>, vector<1x16xi32>,
    %swap3A_481 = vector.shape_cast %swap3A_480 : vector<1x16xi32> to vector<16xi32>
    %swap3A_482 = vector.shape_cast %add3A_476 : vector<16xi32> to vector<1x16xi32>
    tpu.vector_store %arg6[%swap3A_478, %swap3A_479], %swap3A_482 {strides = array<i32>} : memref<8x128xi32, #tpu.memory_space<vmem>>, vector<1x16xi32>,
    %get3A_483 = arith.constant 320 : index
    %get3A_484 = tpu.vector_load %arg5[%get3A_483] {strides = array<i32>} : memref<1024xi32, #tpu.memory_space<vmem>>, vector<16xi32>,
    %get3A_485 = vector.shape_cast %get3A_484 : vector<16xi32> to vector<16xi32>
    %add3A_486 = arith.constant 320 : i32
    %add3A_487 = arith.addi %mul3A_34, %add3A_486 : i32
    %iota3A_488 = tpu.iota {dimensions = array<i32: 0>} : vector<16xi32>
    %add3A_489 = vector.broadcast %add3A_487 : i32 to vector<16xi32>
    %add3A_490 = arith.addi %add3A_489, %iota3A_488 : vector<16xi32>
    %mul3A_491 = arith.constant 4096 : i32
    %mul3A_492 = vector.broadcast %mul3A_491 : i32 to vector<16xi32>
    %mul3A_493 = arith.muli %get3A_485, %mul3A_492 : vector<16xi32>
    %add3A_494 = vector.broadcast %mul3A_84 : i32 to vector<16xi32>
    %add3A_495 = arith.addi %add3A_494, %mul3A_493 : vector<16xi32>
    %add3A_496 = arith.addi %add3A_495, %add3A_490 : vector<16xi32>
    %swap3A_497 = arith.constant 2 : i32
    %swap3A_498 = arith.index_cast %swap3A_497 : i32 to index
    %swap3A_499 = arith.constant 64 : index
    %swap3A_500 = tpu.vector_load %arg6[%swap3A_498, %swap3A_499] {strides = array<i32>} : memref<8x128xi32, #tpu.memory_space<vmem>>, vector<1x16xi32>,
    %swap3A_501 = vector.shape_cast %swap3A_500 : vector<1x16xi32> to vector<16xi32>
    %swap3A_502 = vector.shape_cast %add3A_496 : vector<16xi32> to vector<1x16xi32>
    tpu.vector_store %arg6[%swap3A_498, %swap3A_499], %swap3A_502 {strides = array<i32>} : memref<8x128xi32, #tpu.memory_space<vmem>>, vector<1x16xi32>,
    %get3A_503 = arith.constant 336 : index
    %get3A_504 = tpu.vector_load %arg5[%get3A_503] {strides = array<i32>} : memref<1024xi32, #tpu.memory_space<vmem>>, vector<16xi32>,
    %get3A_505 = vector.shape_cast %get3A_504 : vector<16xi32> to vector<16xi32>
    %add3A_506 = arith.constant 336 : i32
    %add3A_507 = arith.addi %mul3A_34, %add3A_506 : i32
    %iota3A_508 = tpu.iota {dimensions = array<i32: 0>} : vector<16xi32>
    %add3A_509 = vector.broadcast %add3A_507 : i32 to vector<16xi32>
    %add3A_510 = arith.addi %add3A_509, %iota3A_508 : vector<16xi32>
    %mul3A_511 = arith.constant 4096 : i32
    %mul3A_512 = vector.broadcast %mul3A_511 : i32 to vector<16xi32>
    %mul3A_513 = arith.muli %get3A_505, %mul3A_512 : vector<16xi32>
    %add3A_514 = vector.broadcast %mul3A_84 : i32 to vector<16xi32>
    %add3A_515 = arith.addi %add3A_514, %mul3A_513 : vector<16xi32>
    %add3A_516 = arith.addi %add3A_515, %add3A_510 : vector<16xi32>
    %swap3A_517 = arith.constant 2 : i32
    %swap3A_518 = arith.index_cast %swap3A_517 : i32 to index
    %swap3A_519 = arith.constant 80 : index
    %swap3A_520 = tpu.vector_load %arg6[%swap3A_518, %swap3A_519] {strides = array<i32>} : memref<8x128xi32, #tpu.memory_space<vmem>>, vector<1x16xi32>,
    %swap3A_521 = vector.shape_cast %swap3A_520 : vector<1x16xi32> to vector<16xi32>
    %swap3A_522 = vector.shape_cast %add3A_516 : vector<16xi32> to vector<1x16xi32>
    tpu.vector_store %arg6[%swap3A_518, %swap3A_519], %swap3A_522 {strides = array<i32>} : memref<8x128xi32, #tpu.memory_space<vmem>>, vector<1x16xi32>,
    %get3A_523 = arith.constant 352 : index
    %get3A_524 = tpu.vector_load %arg5[%get3A_523] {strides = array<i32>} : memref<1024xi32, #tpu.memory_space<vmem>>, vector<16xi32>,
    %get3A_525 = vector.shape_cast %get3A_524 : vector<16xi32> to vector<16xi32>
    %add3A_526 = arith.constant 352 : i32
    %add3A_527 = arith.addi %mul3A_34, %add3A_526 : i32
    %iota3A_528 = tpu.iota {dimensions = array<i32: 0>} : vector<16xi32>
    %add3A_529 = vector.broadcast %add3A_527 : i32 to vector<16xi32>
    %add3A_530 = arith.addi %add3A_529, %iota3A_528 : vector<16xi32>
    %mul3A_531 = arith.constant 4096 : i32
    %mul3A_532 = vector.broadcast %mul3A_531 : i32 to vector<16xi32>
    %mul3A_533 = arith.muli %get3A_525, %mul3A_532 : vector<16xi32>
    %add3A_534 = vector.broadcast %mul3A_84 : i32 to vector<16xi32>
    %add3A_535 = arith.addi %add3A_534, %mul3A_533 : vector<16xi32>
    %add3A_536 = arith.addi %add3A_535, %add3A_530 : vector<16xi32>
    %swap3A_537 = arith.constant 2 : i32
    %swap3A_538 = arith.index_cast %swap3A_537 : i32 to index
    %swap3A_539 = arith.constant 96 : index
    %swap3A_540 = tpu.vector_load %arg6[%swap3A_538, %swap3A_539] {strides = array<i32>} : memref<8x128xi32, #tpu.memory_space<vmem>>, vector<1x16xi32>,
    %swap3A_541 = vector.shape_cast %swap3A_540 : vector<1x16xi32> to vector<16xi32>
    %swap3A_542 = vector.shape_cast %add3A_536 : vector<16xi32> to vector<1x16xi32>
    tpu.vector_store %arg6[%swap3A_538, %swap3A_539], %swap3A_542 {strides = array<i32>} : memref<8x128xi32, #tpu.memory_space<vmem>>, vector<1x16xi32>,
    %get3A_543 = arith.constant 368 : index
    %get3A_544 = tpu.vector_load %arg5[%get3A_543] {strides = array<i32>} : memref<1024xi32, #tpu.memory_space<vmem>>, vector<16xi32>,
    %get3A_545 = vector.shape_cast %get3A_544 : vector<16xi32> to vector<16xi32>
    %add3A_546 = arith.constant 368 : i32
    %add3A_547 = arith.addi %mul3A_34, %add3A_546 : i32
    %iota3A_548 = tpu.iota {dimensions = array<i32: 0>} : vector<16xi32>
    %add3A_549 = vector.broadcast %add3A_547 : i32 to vector<16xi32>
    %add3A_550 = arith.addi %add3A_549, %iota3A_548 : vector<16xi32>
    %mul3A_551 = arith.constant 4096 : i32
    %mul3A_552 = vector.broadcast %mul3A_551 : i32 to vector<16xi32>
    %mul3A_553 = arith.muli %get3A_545, %mul3A_552 : vector<16xi32>
    %add3A_554 = vector.broadcast %mul3A_84 : i32 to vector<16xi32>
    %add3A_555 = arith.addi %add3A_554, %mul3A_553 : vector<16xi32>
    %add3A_556 = arith.addi %add3A_555, %add3A_550 : vector<16xi32>
    %swap3A_557 = arith.constant 2 : i32
    %swap3A_558 = arith.index_cast %swap3A_557 : i32 to index
    %swap3A_559 = arith.constant 112 : index
    %swap3A_560 = tpu.vector_load %arg6[%swap3A_558, %swap3A_559] {strides = array<i32>} : memref<8x128xi32, #tpu.memory_space<vmem>>, vector<1x16xi32>,
    %swap3A_561 = vector.shape_cast %swap3A_560 : vector<1x16xi32> to vector<16xi32>
    %swap3A_562 = vector.shape_cast %add3A_556 : vector<16xi32> to vector<1x16xi32>
    tpu.vector_store %arg6[%swap3A_558, %swap3A_559], %swap3A_562 {strides = array<i32>} : memref<8x128xi32, #tpu.memory_space<vmem>>, vector<1x16xi32>,
    %get3A_563 = arith.constant 384 : index
    %get3A_564 = tpu.vector_load %arg5[%get3A_563] {strides = array<i32>} : memref<1024xi32, #tpu.memory_space<vmem>>, vector<16xi32>,
    %get3A_565 = vector.shape_cast %get3A_564 : vector<16xi32> to vector<16xi32>
    %add3A_566 = arith.constant 384 : i32
    %add3A_567 = arith.addi %mul3A_34, %add3A_566 : i32
    %iota3A_568 = tpu.iota {dimensions = array<i32: 0>} : vector<16xi32>
    %add3A_569 = vector.broadcast %add3A_567 : i32 to vector<16xi32>
    %add3A_570 = arith.addi %add3A_569, %iota3A_568 : vector<16xi32>
    %mul3A_571 = arith.constant 4096 : i32
    %mul3A_572 = vector.broadcast %mul3A_571 : i32 to vector<16xi32>
    %mul3A_573 = arith.muli %get3A_565, %mul3A_572 : vector<16xi32>
    %add3A_574 = vector.broadcast %mul3A_84 : i32 to vector<16xi32>
    %add3A_575 = arith.addi %add3A_574, %mul3A_573 : vector<16xi32>
    %add3A_576 = arith.addi %add3A_575, %add3A_570 : vector<16xi32>
    %swap3A_577 = arith.constant 3 : i32
    %swap3A_578 = arith.index_cast %swap3A_577 : i32 to index
    %swap3A_579 = arith.constant 0 : index
    %swap3A_580 = tpu.vector_load %arg6[%swap3A_578, %swap3A_579] {strides = array<i32>} : memref<8x128xi32, #tpu.memory_space<vmem>>, vector<1x16xi32>,
    %swap3A_581 = vector.shape_cast %swap3A_580 : vector<1x16xi32> to vector<16xi32>
    %swap3A_582 = vector.shape_cast %add3A_576 : vector<16xi32> to vector<1x16xi32>
    tpu.vector_store %arg6[%swap3A_578, %swap3A_579], %swap3A_582 {strides = array<i32>} : memref<8x128xi32, #tpu.memory_space<vmem>>, vector<1x16xi32>,
    %get3A_583 = arith.constant 400 : index
    %get3A_584 = tpu.vector_load %arg5[%get3A_583] {strides = array<i32>} : memref<1024xi32, #tpu.memory_space<vmem>>, vector<16xi32>,
    %get3A_585 = vector.shape_cast %get3A_584 : vector<16xi32> to vector<16xi32>
    %add3A_586 = arith.constant 400 : i32
    %add3A_587 = arith.addi %mul3A_34, %add3A_586 : i32
    %iota3A_588 = tpu.iota {dimensions = array<i32: 0>} : vector<16xi32>
    %add3A_589 = vector.broadcast %add3A_587 : i32 to vector<16xi32>
    %add3A_590 = arith.addi %add3A_589, %iota3A_588 : vector<16xi32>
    %mul3A_591 = arith.constant 4096 : i32
    %mul3A_592 = vector.broadcast %mul3A_591 : i32 to vector<16xi32>
    %mul3A_593 = arith.muli %get3A_585, %mul3A_592 : vector<16xi32>
    %add3A_594 = vector.broadcast %mul3A_84 : i32 to vector<16xi32>
    %add3A_595 = arith.addi %add3A_594, %mul3A_593 : vector<16xi32>
    %add3A_596 = arith.addi %add3A_595, %add3A_590 : vector<16xi32>
    %swap3A_597 = arith.constant 3 : i32
    %swap3A_598 = arith.index_cast %swap3A_597 : i32 to index
    %swap3A_599 = arith.constant 16 : index
    %swap3A_600 = tpu.vector_load %arg6[%swap3A_598, %swap3A_599] {strides = array<i32>} : memref<8x128xi32, #tpu.memory_space<vmem>>, vector<1x16xi32>,
    %swap3A_601 = vector.shape_cast %swap3A_600 : vector<1x16xi32> to vector<16xi32>
    %swap3A_602 = vector.shape_cast %add3A_596 : vector<16xi32> to vector<1x16xi32>
    tpu.vector_store %arg6[%swap3A_598, %swap3A_599], %swap3A_602 {strides = array<i32>} : memref<8x128xi32, #tpu.memory_space<vmem>>, vector<1x16xi32>,
    %get3A_603 = arith.constant 416 : index
    %get3A_604 = tpu.vector_load %arg5[%get3A_603] {strides = array<i32>} : memref<1024xi32, #tpu.memory_space<vmem>>, vector<16xi32>,
    %get3A_605 = vector.shape_cast %get3A_604 : vector<16xi32> to vector<16xi32>
    %add3A_606 = arith.constant 416 : i32
    %add3A_607 = arith.addi %mul3A_34, %add3A_606 : i32
    %iota3A_608 = tpu.iota {dimensions = array<i32: 0>} : vector<16xi32>
    %add3A_609 = vector.broadcast %add3A_607 : i32 to vector<16xi32>
    %add3A_610 = arith.addi %add3A_609, %iota3A_608 : vector<16xi32>
    %mul3A_611 = arith.constant 4096 : i32
    %mul3A_612 = vector.broadcast %mul3A_611 : i32 to vector<16xi32>
    %mul3A_613 = arith.muli %get3A_605, %mul3A_612 : vector<16xi32>
    %add3A_614 = vector.broadcast %mul3A_84 : i32 to vector<16xi32>
    %add3A_615 = arith.addi %add3A_614, %mul3A_613 : vector<16xi32>
    %add3A_616 = arith.addi %add3A_615, %add3A_610 : vector<16xi32>
    %swap3A_617 = arith.constant 3 : i32
    %swap3A_618 = arith.index_cast %swap3A_617 : i32 to index
    %swap3A_619 = arith.constant 32 : index
    %swap3A_620 = tpu.vector_load %arg6[%swap3A_618, %swap3A_619] {strides = array<i32>} : memref<8x128xi32, #tpu.memory_space<vmem>>, vector<1x16xi32>,
    %swap3A_621 = vector.shape_cast %swap3A_620 : vector<1x16xi32> to vector<16xi32>
    %swap3A_622 = vector.shape_cast %add3A_616 : vector<16xi32> to vector<1x16xi32>
    tpu.vector_store %arg6[%swap3A_618, %swap3A_619], %swap3A_622 {strides = array<i32>} : memref<8x128xi32, #tpu.memory_space<vmem>>, vector<1x16xi32>,
    %get3A_623 = arith.constant 432 : index
    %get3A_624 = tpu.vector_load %arg5[%get3A_623] {strides = array<i32>} : memref<1024xi32, #tpu.memory_space<vmem>>, vector<16xi32>,
    %get3A_625 = vector.shape_cast %get3A_624 : vector<16xi32> to vector<16xi32>
    %add3A_626 = arith.constant 432 : i32
    %add3A_627 = arith.addi %mul3A_34, %add3A_626 : i32
    %iota3A_628 = tpu.iota {dimensions = array<i32: 0>} : vector<16xi32>
    %add3A_629 = vector.broadcast %add3A_627 : i32 to vector<16xi32>
    %add3A_630 = arith.addi %add3A_629, %iota3A_628 : vector<16xi32>
    %mul3A_631 = arith.constant 4096 : i32
    %mul3A_632 = vector.broadcast %mul3A_631 : i32 to vector<16xi32>
    %mul3A_633 = arith.muli %get3A_625, %mul3A_632 : vector<16xi32>
    %add3A_634 = vector.broadcast %mul3A_84 : i32 to vector<16xi32>
    %add3A_635 = arith.addi %add3A_634, %mul3A_633 : vector<16xi32>
    %add3A_636 = arith.addi %add3A_635, %add3A_630 : vector<16xi32>
    %swap3A_637 = arith.constant 3 : i32
    %swap3A_638 = arith.index_cast %swap3A_637 : i32 to index
    %swap3A_639 = arith.constant 48 : index
    %swap3A_640 = tpu.vector_load %arg6[%swap3A_638, %swap3A_639] {strides = array<i32>} : memref<8x128xi32, #tpu.memory_space<vmem>>, vector<1x16xi32>,
    %swap3A_641 = vector.shape_cast %swap3A_640 : vector<1x16xi32> to vector<16xi32>
    %swap3A_642 = vector.shape_cast %add3A_636 : vector<16xi32> to vector<1x16xi32>
    tpu.vector_store %arg6[%swap3A_638, %swap3A_639], %swap3A_642 {strides = array<i32>} : memref<8x128xi32, #tpu.memory_space<vmem>>, vector<1x16xi32>,
    %get3A_643 = arith.constant 448 : index
    %get3A_644 = tpu.vector_load %arg5[%get3A_643] {strides = array<i32>} : memref<1024xi32, #tpu.memory_space<vmem>>, vector<16xi32>,
    %get3A_645 = vector.shape_cast %get3A_644 : vector<16xi32> to vector<16xi32>
    %add3A_646 = arith.constant 448 : i32
    %add3A_647 = arith.addi %mul3A_34, %add3A_646 : i32
    %iota3A_648 = tpu.iota {dimensions = array<i32: 0>} : vector<16xi32>
    %add3A_649 = vector.broadcast %add3A_647 : i32 to vector<16xi32>
    %add3A_650 = arith.addi %add3A_649, %iota3A_648 : vector<16xi32>
    %mul3A_651 = arith.constant 4096 : i32
    %mul3A_652 = vector.broadcast %mul3A_651 : i32 to vector<16xi32>
    %mul3A_653 = arith.muli %get3A_645, %mul3A_652 : vector<16xi32>
    %add3A_654 = vector.broadcast %mul3A_84 : i32 to vector<16xi32>
    %add3A_655 = arith.addi %add3A_654, %mul3A_653 : vector<16xi32>
    %add3A_656 = arith.addi %add3A_655, %add3A_650 : vector<16xi32>
    %swap3A_657 = arith.constant 3 : i32
    %swap3A_658 = arith.index_cast %swap3A_657 : i32 to index
    %swap3A_659 = arith.constant 64 : index
    %swap3A_660 = tpu.vector_load %arg6[%swap3A_658, %swap3A_659] {strides = array<i32>} : memref<8x128xi32, #tpu.memory_space<vmem>>, vector<1x16xi32>,
    %swap3A_661 = vector.shape_cast %swap3A_660 : vector<1x16xi32> to vector<16xi32>
    %swap3A_662 = vector.shape_cast %add3A_656 : vector<16xi32> to vector<1x16xi32>
    tpu.vector_store %arg6[%swap3A_658, %swap3A_659], %swap3A_662 {strides = array<i32>} : memref<8x128xi32, #tpu.memory_space<vmem>>, vector<1x16xi32>,
    %get3A_663 = arith.constant 464 : index
    %get3A_664 = tpu.vector_load %arg5[%get3A_663] {strides = array<i32>} : memref<1024xi32, #tpu.memory_space<vmem>>, vector<16xi32>,
    %get3A_665 = vector.shape_cast %get3A_664 : vector<16xi32> to vector<16xi32>
    %add3A_666 = arith.constant 464 : i32
    %add3A_667 = arith.addi %mul3A_34, %add3A_666 : i32
    %iota3A_668 = tpu.iota {dimensions = array<i32: 0>} : vector<16xi32>
    %add3A_669 = vector.broadcast %add3A_667 : i32 to vector<16xi32>
    %add3A_670 = arith.addi %add3A_669, %iota3A_668 : vector<16xi32>
    %mul3A_671 = arith.constant 4096 : i32
    %mul3A_672 = vector.broadcast %mul3A_671 : i32 to vector<16xi32>
    %mul3A_673 = arith.muli %get3A_665, %mul3A_672 : vector<16xi32>
    %add3A_674 = vector.broadcast %mul3A_84 : i32 to vector<16xi32>
    %add3A_675 = arith.addi %add3A_674, %mul3A_673 : vector<16xi32>
    %add3A_676 = arith.addi %add3A_675, %add3A_670 : vector<16xi32>
    %swap3A_677 = arith.constant 3 : i32
    %swap3A_678 = arith.index_cast %swap3A_677 : i32 to index
    %swap3A_679 = arith.constant 80 : index
    %swap3A_680 = tpu.vector_load %arg6[%swap3A_678, %swap3A_679] {strides = array<i32>} : memref<8x128xi32, #tpu.memory_space<vmem>>, vector<1x16xi32>,
    %swap3A_681 = vector.shape_cast %swap3A_680 : vector<1x16xi32> to vector<16xi32>
    %swap3A_682 = vector.shape_cast %add3A_676 : vector<16xi32> to vector<1x16xi32>
    tpu.vector_store %arg6[%swap3A_678, %swap3A_679], %swap3A_682 {strides = array<i32>} : memref<8x128xi32, #tpu.memory_space<vmem>>, vector<1x16xi32>,
    %get3A_683 = arith.constant 480 : index
    %get3A_684 = tpu.vector_load %arg5[%get3A_683] {strides = array<i32>} : memref<1024xi32, #tpu.memory_space<vmem>>, vector<16xi32>,
    %get3A_685 = vector.shape_cast %get3A_684 : vector<16xi32> to vector<16xi32>
    %add3A_686 = arith.constant 480 : i32
    %add3A_687 = arith.addi %mul3A_34, %add3A_686 : i32
    %iota3A_688 = tpu.iota {dimensions = array<i32: 0>} : vector<16xi32>
    %add3A_689 = vector.broadcast %add3A_687 : i32 to vector<16xi32>
    %add3A_690 = arith.addi %add3A_689, %iota3A_688 : vector<16xi32>
    %mul3A_691 = arith.constant 4096 : i32
    %mul3A_692 = vector.broadcast %mul3A_691 : i32 to vector<16xi32>
    %mul3A_693 = arith.muli %get3A_685, %mul3A_692 : vector<16xi32>
    %add3A_694 = vector.broadcast %mul3A_84 : i32 to vector<16xi32>
    %add3A_695 = arith.addi %add3A_694, %mul3A_693 : vector<16xi32>
    %add3A_696 = arith.addi %add3A_695, %add3A_690 : vector<16xi32>
    %swap3A_697 = arith.constant 3 : i32
    %swap3A_698 = arith.index_cast %swap3A_697 : i32 to index
    %swap3A_699 = arith.constant 96 : index
    %swap3A_700 = tpu.vector_load %arg6[%swap3A_698, %swap3A_699] {strides = array<i32>} : memref<8x128xi32, #tpu.memory_space<vmem>>, vector<1x16xi32>,
    %swap3A_701 = vector.shape_cast %swap3A_700 : vector<1x16xi32> to vector<16xi32>
    %swap3A_702 = vector.shape_cast %add3A_696 : vector<16xi32> to vector<1x16xi32>
    tpu.vector_store %arg6[%swap3A_698, %swap3A_699], %swap3A_702 {strides = array<i32>} : memref<8x128xi32, #tpu.memory_space<vmem>>, vector<1x16xi32>,
    %get3A_703 = arith.constant 496 : index
    %get3A_704 = tpu.vector_load %arg5[%get3A_703] {strides = array<i32>} : memref<1024xi32, #tpu.memory_space<vmem>>, vector<16xi32>,
    %get3A_705 = vector.shape_cast %get3A_704 : vector<16xi32> to vector<16xi32>
    %add3A_706 = arith.constant 496 : i32
    %add3A_707 = arith.addi %mul3A_34, %add3A_706 : i32
    %iota3A_708 = tpu.iota {dimensions = array<i32: 0>} : vector<16xi32>
    %add3A_709 = vector.broadcast %add3A_707 : i32 to vector<16xi32>
    %add3A_710 = arith.addi %add3A_709, %iota3A_708 : vector<16xi32>
    %mul3A_711 = arith.constant 4096 : i32
    %mul3A_712 = vector.broadcast %mul3A_711 : i32 to vector<16xi32>
    %mul3A_713 = arith.muli %get3A_705, %mul3A_712 : vector<16xi32>
    %add3A_714 = vector.broadcast %mul3A_84 : i32 to vector<16xi32>
    %add3A_715 = arith.addi %add3A_714, %mul3A_713 : vector<16xi32>
    %add3A_716 = arith.addi %add3A_715, %add3A_710 : vector<16xi32>
    %swap3A_717 = arith.constant 3 : i32
    %swap3A_718 = arith.index_cast %swap3A_717 : i32 to index
    %swap3A_719 = arith.constant 112 : index
    %swap3A_720 = tpu.vector_load %arg6[%swap3A_718, %swap3A_719] {strides = array<i32>} : memref<8x128xi32, #tpu.memory_space<vmem>>, vector<1x16xi32>,
    %swap3A_721 = vector.shape_cast %swap3A_720 : vector<1x16xi32> to vector<16xi32>
    %swap3A_722 = vector.shape_cast %add3A_716 : vector<16xi32> to vector<1x16xi32>
    tpu.vector_store %arg6[%swap3A_718, %swap3A_719], %swap3A_722 {strides = array<i32>} : memref<8x128xi32, #tpu.memory_space<vmem>>, vector<1x16xi32>,
    %get3A_723 = arith.constant 512 : index
    %get3A_724 = tpu.vector_load %arg5[%get3A_723] {strides = array<i32>} : memref<1024xi32, #tpu.memory_space<vmem>>, vector<16xi32>,
    %get3A_725 = vector.shape_cast %get3A_724 : vector<16xi32> to vector<16xi32>
    %add3A_726 = arith.constant 512 : i32
    %add3A_727 = arith.addi %mul3A_34, %add3A_726 : i32
    %iota3A_728 = tpu.iota {dimensions = array<i32: 0>} : vector<16xi32>
    %add3A_729 = vector.broadcast %add3A_727 : i32 to vector<16xi32>
    %add3A_730 = arith.addi %add3A_729, %iota3A_728 : vector<16xi32>
    %mul3A_731 = arith.constant 4096 : i32
    %mul3A_732 = vector.broadcast %mul3A_731 : i32 to vector<16xi32>
    %mul3A_733 = arith.muli %get3A_725, %mul3A_732 : vector<16xi32>
    %add3A_734 = vector.broadcast %mul3A_84 : i32 to vector<16xi32>
    %add3A_735 = arith.addi %add3A_734, %mul3A_733 : vector<16xi32>
    %add3A_736 = arith.addi %add3A_735, %add3A_730 : vector<16xi32>
    %swap3A_737 = arith.constant 4 : i32
    %swap3A_738 = arith.index_cast %swap3A_737 : i32 to index
    %swap3A_739 = arith.constant 0 : index
    %swap3A_740 = tpu.vector_load %arg6[%swap3A_738, %swap3A_739] {strides = array<i32>} : memref<8x128xi32, #tpu.memory_space<vmem>>, vector<1x16xi32>,
    %swap3A_741 = vector.shape_cast %swap3A_740 : vector<1x16xi32> to vector<16xi32>
    %swap3A_742 = vector.shape_cast %add3A_736 : vector<16xi32> to vector<1x16xi32>
    tpu.vector_store %arg6[%swap3A_738, %swap3A_739], %swap3A_742 {strides = array<i32>} : memref<8x128xi32, #tpu.memory_space<vmem>>, vector<1x16xi32>,
    %get3A_743 = arith.constant 528 : index
    %get3A_744 = tpu.vector_load %arg5[%get3A_743] {strides = array<i32>} : memref<1024xi32, #tpu.memory_space<vmem>>, vector<16xi32>,
    %get3A_745 = vector.shape_cast %get3A_744 : vector<16xi32> to vector<16xi32>
    %add3A_746 = arith.constant 528 : i32
    %add3A_747 = arith.addi %mul3A_34, %add3A_746 : i32
    %iota3A_748 = tpu.iota {dimensions = array<i32: 0>} : vector<16xi32>
    %add3A_749 = vector.broadcast %add3A_747 : i32 to vector<16xi32>
    %add3A_750 = arith.addi %add3A_749, %iota3A_748 : vector<16xi32>
    %mul3A_751 = arith.constant 4096 : i32
    %mul3A_752 = vector.broadcast %mul3A_751 : i32 to vector<16xi32>
    %mul3A_753 = arith.muli %get3A_745, %mul3A_752 : vector<16xi32>
    %add3A_754 = vector.broadcast %mul3A_84 : i32 to vector<16xi32>
    %add3A_755 = arith.addi %add3A_754, %mul3A_753 : vector<16xi32>
    %add3A_756 = arith.addi %add3A_755, %add3A_750 : vector<16xi32>
    %swap3A_757 = arith.constant 4 : i32
    %swap3A_758 = arith.index_cast %swap3A_757 : i32 to index
    %swap3A_759 = arith.constant 16 : index
    %swap3A_760 = tpu.vector_load %arg6[%swap3A_758, %swap3A_759] {strides = array<i32>} : memref<8x128xi32, #tpu.memory_space<vmem>>, vector<1x16xi32>,
    %swap3A_761 = vector.shape_cast %swap3A_760 : vector<1x16xi32> to vector<16xi32>
    %swap3A_762 = vector.shape_cast %add3A_756 : vector<16xi32> to vector<1x16xi32>
    tpu.vector_store %arg6[%swap3A_758, %swap3A_759], %swap3A_762 {strides = array<i32>} : memref<8x128xi32, #tpu.memory_space<vmem>>, vector<1x16xi32>,
    %get3A_763 = arith.constant 544 : index
    %get3A_764 = tpu.vector_load %arg5[%get3A_763] {strides = array<i32>} : memref<1024xi32, #tpu.memory_space<vmem>>, vector<16xi32>,
    %get3A_765 = vector.shape_cast %get3A_764 : vector<16xi32> to vector<16xi32>
    %add3A_766 = arith.constant 544 : i32
    %add3A_767 = arith.addi %mul3A_34, %add3A_766 : i32
    %iota3A_768 = tpu.iota {dimensions = array<i32: 0>} : vector<16xi32>
    %add3A_769 = vector.broadcast %add3A_767 : i32 to vector<16xi32>
    %add3A_770 = arith.addi %add3A_769, %iota3A_768 : vector<16xi32>
    %mul3A_771 = arith.constant 4096 : i32
    %mul3A_772 = vector.broadcast %mul3A_771 : i32 to vector<16xi32>
    %mul3A_773 = arith.muli %get3A_765, %mul3A_772 : vector<16xi32>
    %add3A_774 = vector.broadcast %mul3A_84 : i32 to vector<16xi32>
    %add3A_775 = arith.addi %add3A_774, %mul3A_773 : vector<16xi32>
    %add3A_776 = arith.addi %add3A_775, %add3A_770 : vector<16xi32>
    %swap3A_777 = arith.constant 4 : i32
    %swap3A_778 = arith.index_cast %swap3A_777 : i32 to index
    %swap3A_779 = arith.constant 32 : index
    %swap3A_780 = tpu.vector_load %arg6[%swap3A_778, %swap3A_779] {strides = array<i32>} : memref<8x128xi32, #tpu.memory_space<vmem>>, vector<1x16xi32>,
    %swap3A_781 = vector.shape_cast %swap3A_780 : vector<1x16xi32> to vector<16xi32>
    %swap3A_782 = vector.shape_cast %add3A_776 : vector<16xi32> to vector<1x16xi32>
    tpu.vector_store %arg6[%swap3A_778, %swap3A_779], %swap3A_782 {strides = array<i32>} : memref<8x128xi32, #tpu.memory_space<vmem>>, vector<1x16xi32>,
    %get3A_783 = arith.constant 560 : index
    %get3A_784 = tpu.vector_load %arg5[%get3A_783] {strides = array<i32>} : memref<1024xi32, #tpu.memory_space<vmem>>, vector<16xi32>,
    %get3A_785 = vector.shape_cast %get3A_784 : vector<16xi32> to vector<16xi32>
    %add3A_786 = arith.constant 560 : i32
    %add3A_787 = arith.addi %mul3A_34, %add3A_786 : i32
    %iota3A_788 = tpu.iota {dimensions = array<i32: 0>} : vector<16xi32>
    %add3A_789 = vector.broadcast %add3A_787 : i32 to vector<16xi32>
    %add3A_790 = arith.addi %add3A_789, %iota3A_788 : vector<16xi32>
    %mul3A_791 = arith.constant 4096 : i32
    %mul3A_792 = vector.broadcast %mul3A_791 : i32 to vector<16xi32>
    %mul3A_793 = arith.muli %get3A_785, %mul3A_792 : vector<16xi32>
    %add3A_794 = vector.broadcast %mul3A_84 : i32 to vector<16xi32>
    %add3A_795 = arith.addi %add3A_794, %mul3A_793 : vector<16xi32>
    %add3A_796 = arith.addi %add3A_795, %add3A_790 : vector<16xi32>
    %swap3A_797 = arith.constant 4 : i32
    %swap3A_798 = arith.index_cast %swap3A_797 : i32 to index
    %swap3A_799 = arith.constant 48 : index
    %swap3A_800 = tpu.vector_load %arg6[%swap3A_798, %swap3A_799] {strides = array<i32>} : memref<8x128xi32, #tpu.memory_space<vmem>>, vector<1x16xi32>,
    %swap3A_801 = vector.shape_cast %swap3A_800 : vector<1x16xi32> to vector<16xi32>
    %swap3A_802 = vector.shape_cast %add3A_796 : vector<16xi32> to vector<1x16xi32>
    tpu.vector_store %arg6[%swap3A_798, %swap3A_799], %swap3A_802 {strides = array<i32>} : memref<8x128xi32, #tpu.memory_space<vmem>>, vector<1x16xi32>,
    %get3A_803 = arith.constant 576 : index
    %get3A_804 = tpu.vector_load %arg5[%get3A_803] {strides = array<i32>} : memref<1024xi32, #tpu.memory_space<vmem>>, vector<16xi32>,
    %get3A_805 = vector.shape_cast %get3A_804 : vector<16xi32> to vector<16xi32>
    %add3A_806 = arith.constant 576 : i32
    %add3A_807 = arith.addi %mul3A_34, %add3A_806 : i32
    %iota3A_808 = tpu.iota {dimensions = array<i32: 0>} : vector<16xi32>
    %add3A_809 = vector.broadcast %add3A_807 : i32 to vector<16xi32>
    %add3A_810 = arith.addi %add3A_809, %iota3A_808 : vector<16xi32>
    %mul3A_811 = arith.constant 4096 : i32
    %mul3A_812 = vector.broadcast %mul3A_811 : i32 to vector<16xi32>
    %mul3A_813 = arith.muli %get3A_805, %mul3A_812 : vector<16xi32>
    %add3A_814 = vector.broadcast %mul3A_84 : i32 to vector<16xi32>
    %add3A_815 = arith.addi %add3A_814, %mul3A_813 : vector<16xi32>
    %add3A_816 = arith.addi %add3A_815, %add3A_810 : vector<16xi32>
    %swap3A_817 = arith.constant 4 : i32
    %swap3A_818 = arith.index_cast %swap3A_817 : i32 to index
    %swap3A_819 = arith.constant 64 : index
    %swap3A_820 = tpu.vector_load %arg6[%swap3A_818, %swap3A_819] {strides = array<i32>} : memref<8x128xi32, #tpu.memory_space<vmem>>, vector<1x16xi32>,
    %swap3A_821 = vector.shape_cast %swap3A_820 : vector<1x16xi32> to vector<16xi32>
    %swap3A_822 = vector.shape_cast %add3A_816 : vector<16xi32> to vector<1x16xi32>
    tpu.vector_store %arg6[%swap3A_818, %swap3A_819], %swap3A_822 {strides = array<i32>} : memref<8x128xi32, #tpu.memory_space<vmem>>, vector<1x16xi32>,
    %get3A_823 = arith.constant 592 : index
    %get3A_824 = tpu.vector_load %arg5[%get3A_823] {strides = array<i32>} : memref<1024xi32, #tpu.memory_space<vmem>>, vector<16xi32>,
    %get3A_825 = vector.shape_cast %get3A_824 : vector<16xi32> to vector<16xi32>
    %add3A_826 = arith.constant 592 : i32
    %add3A_827 = arith.addi %mul3A_34, %add3A_826 : i32
    %iota3A_828 = tpu.iota {dimensions = array<i32: 0>} : vector<16xi32>
    %add3A_829 = vector.broadcast %add3A_827 : i32 to vector<16xi32>
    %add3A_830 = arith.addi %add3A_829, %iota3A_828 : vector<16xi32>
    %mul3A_831 = arith.constant 4096 : i32
    %mul3A_832 = vector.broadcast %mul3A_831 : i32 to vector<16xi32>
    %mul3A_833 = arith.muli %get3A_825, %mul3A_832 : vector<16xi32>
    %add3A_834 = vector.broadcast %mul3A_84 : i32 to vector<16xi32>
    %add3A_835 = arith.addi %add3A_834, %mul3A_833 : vector<16xi32>
    %add3A_836 = arith.addi %add3A_835, %add3A_830 : vector<16xi32>
    %swap3A_837 = arith.constant 4 : i32
    %swap3A_838 = arith.index_cast %swap3A_837 : i32 to index
    %swap3A_839 = arith.constant 80 : index
    %swap3A_840 = tpu.vector_load %arg6[%swap3A_838, %swap3A_839] {strides = array<i32>} : memref<8x128xi32, #tpu.memory_space<vmem>>, vector<1x16xi32>,
    %swap3A_841 = vector.shape_cast %swap3A_840 : vector<1x16xi32> to vector<16xi32>
    %swap3A_842 = vector.shape_cast %add3A_836 : vector<16xi32> to vector<1x16xi32>
    tpu.vector_store %arg6[%swap3A_838, %swap3A_839], %swap3A_842 {strides = array<i32>} : memref<8x128xi32, #tpu.memory_space<vmem>>, vector<1x16xi32>,
    %get3A_843 = arith.constant 608 : index
    %get3A_844 = tpu.vector_load %arg5[%get3A_843] {strides = array<i32>} : memref<1024xi32, #tpu.memory_space<vmem>>, vector<16xi32>,
    %get3A_845 = vector.shape_cast %get3A_844 : vector<16xi32> to vector<16xi32>
    %add3A_846 = arith.constant 608 : i32
    %add3A_847 = arith.addi %mul3A_34, %add3A_846 : i32
    %iota3A_848 = tpu.iota {dimensions = array<i32: 0>} : vector<16xi32>
    %add3A_849 = vector.broadcast %add3A_847 : i32 to vector<16xi32>
    %add3A_850 = arith.addi %add3A_849, %iota3A_848 : vector<16xi32>
    %mul3A_851 = arith.constant 4096 : i32
    %mul3A_852 = vector.broadcast %mul3A_851 : i32 to vector<16xi32>
    %mul3A_853 = arith.muli %get3A_845, %mul3A_852 : vector<16xi32>
    %add3A_854 = vector.broadcast %mul3A_84 : i32 to vector<16xi32>
    %add3A_855 = arith.addi %add3A_854, %mul3A_853 : vector<16xi32>
    %add3A_856 = arith.addi %add3A_855, %add3A_850 : vector<16xi32>
    %swap3A_857 = arith.constant 4 : i32
    %swap3A_858 = arith.index_cast %swap3A_857 : i32 to index
    %swap3A_859 = arith.constant 96 : index
    %swap3A_860 = tpu.vector_load %arg6[%swap3A_858, %swap3A_859] {strides = array<i32>} : memref<8x128xi32, #tpu.memory_space<vmem>>, vector<1x16xi32>,
    %swap3A_861 = vector.shape_cast %swap3A_860 : vector<1x16xi32> to vector<16xi32>
    %swap3A_862 = vector.shape_cast %add3A_856 : vector<16xi32> to vector<1x16xi32>
    tpu.vector_store %arg6[%swap3A_858, %swap3A_859], %swap3A_862 {strides = array<i32>} : memref<8x128xi32, #tpu.memory_space<vmem>>, vector<1x16xi32>,
    %get3A_863 = arith.constant 624 : index
    %get3A_864 = tpu.vector_load %arg5[%get3A_863] {strides = array<i32>} : memref<1024xi32, #tpu.memory_space<vmem>>, vector<16xi32>,
    %get3A_865 = vector.shape_cast %get3A_864 : vector<16xi32> to vector<16xi32>
    %add3A_866 = arith.constant 624 : i32
    %add3A_867 = arith.addi %mul3A_34, %add3A_866 : i32
    %iota3A_868 = tpu.iota {dimensions = array<i32: 0>} : vector<16xi32>
    %add3A_869 = vector.broadcast %add3A_867 : i32 to vector<16xi32>
    %add3A_870 = arith.addi %add3A_869, %iota3A_868 : vector<16xi32>
    %mul3A_871 = arith.constant 4096 : i32
    %mul3A_872 = vector.broadcast %mul3A_871 : i32 to vector<16xi32>
    %mul3A_873 = arith.muli %get3A_865, %mul3A_872 : vector<16xi32>
    %add3A_874 = vector.broadcast %mul3A_84 : i32 to vector<16xi32>
    %add3A_875 = arith.addi %add3A_874, %mul3A_873 : vector<16xi32>
    %add3A_876 = arith.addi %add3A_875, %add3A_870 : vector<16xi32>
    %swap3A_877 = arith.constant 4 : i32
    %swap3A_878 = arith.index_cast %swap3A_877 : i32 to index
    %swap3A_879 = arith.constant 112 : index
    %swap3A_880 = tpu.vector_load %arg6[%swap3A_878, %swap3A_879] {strides = array<i32>} : memref<8x128xi32, #tpu.memory_space<vmem>>, vector<1x16xi32>,
    %swap3A_881 = vector.shape_cast %swap3A_880 : vector<1x16xi32> to vector<16xi32>
    %swap3A_882 = vector.shape_cast %add3A_876 : vector<16xi32> to vector<1x16xi32>
    tpu.vector_store %arg6[%swap3A_878, %swap3A_879], %swap3A_882 {strides = array<i32>} : memref<8x128xi32, #tpu.memory_space<vmem>>, vector<1x16xi32>,
    %get3A_883 = arith.constant 640 : index
    %get3A_884 = tpu.vector_load %arg5[%get3A_883] {strides = array<i32>} : memref<1024xi32, #tpu.memory_space<vmem>>, vector<16xi32>,
    %get3A_885 = vector.shape_cast %get3A_884 : vector<16xi32> to vector<16xi32>
    %add3A_886 = arith.constant 640 : i32
    %add3A_887 = arith.addi %mul3A_34, %add3A_886 : i32
    %iota3A_888 = tpu.iota {dimensions = array<i32: 0>} : vector<16xi32>
    %add3A_889 = vector.broadcast %add3A_887 : i32 to vector<16xi32>
    %add3A_890 = arith.addi %add3A_889, %iota3A_888 : vector<16xi32>
    %mul3A_891 = arith.constant 4096 : i32
    %mul3A_892 = vector.broadcast %mul3A_891 : i32 to vector<16xi32>
    %mul3A_893 = arith.muli %get3A_885, %mul3A_892 : vector<16xi32>
    %add3A_894 = vector.broadcast %mul3A_84 : i32 to vector<16xi32>
    %add3A_895 = arith.addi %add3A_894, %mul3A_893 : vector<16xi32>
    %add3A_896 = arith.addi %add3A_895, %add3A_890 : vector<16xi32>
    %swap3A_897 = arith.constant 5 : i32
    %swap3A_898 = arith.index_cast %swap3A_897 : i32 to index
    %swap3A_899 = arith.constant 0 : index
    %swap3A_900 = tpu.vector_load %arg6[%swap3A_898, %swap3A_899] {strides = array<i32>} : memref<8x128xi32, #tpu.memory_space<vmem>>, vector<1x16xi32>,
    %swap3A_901 = vector.shape_cast %swap3A_900 : vector<1x16xi32> to vector<16xi32>
    %swap3A_902 = vector.shape_cast %add3A_896 : vector<16xi32> to vector<1x16xi32>
    tpu.vector_store %arg6[%swap3A_898, %swap3A_899], %swap3A_902 {strides = array<i32>} : memref<8x128xi32, #tpu.memory_space<vmem>>, vector<1x16xi32>,
    %get3A_903 = arith.constant 656 : index
    %get3A_904 = tpu.vector_load %arg5[%get3A_903] {strides = array<i32>} : memref<1024xi32, #tpu.memory_space<vmem>>, vector<16xi32>,
    %get3A_905 = vector.shape_cast %get3A_904 : vector<16xi32> to vector<16xi32>
    %add3A_906 = arith.constant 656 : i32
    %add3A_907 = arith.addi %mul3A_34, %add3A_906 : i32
    %iota3A_908 = tpu.iota {dimensions = array<i32: 0>} : vector<16xi32>
    %add3A_909 = vector.broadcast %add3A_907 : i32 to vector<16xi32>
    %add3A_910 = arith.addi %add3A_909, %iota3A_908 : vector<16xi32>
    %mul3A_911 = arith.constant 4096 : i32
    %mul3A_912 = vector.broadcast %mul3A_911 : i32 to vector<16xi32>
    %mul3A_913 = arith.muli %get3A_905, %mul3A_912 : vector<16xi32>
    %add3A_914 = vector.broadcast %mul3A_84 : i32 to vector<16xi32>
    %add3A_915 = arith.addi %add3A_914, %mul3A_913 : vector<16xi32>
    %add3A_916 = arith.addi %add3A_915, %add3A_910 : vector<16xi32>
    %swap3A_917 = arith.constant 5 : i32
    %swap3A_918 = arith.index_cast %swap3A_917 : i32 to index
    %swap3A_919 = arith.constant 16 : index
    %swap3A_920 = tpu.vector_load %arg6[%swap3A_918, %swap3A_919] {strides = array<i32>} : memref<8x128xi32, #tpu.memory_space<vmem>>, vector<1x16xi32>,
    %swap3A_921 = vector.shape_cast %swap3A_920 : vector<1x16xi32> to vector<16xi32>
    %swap3A_922 = vector.shape_cast %add3A_916 : vector<16xi32> to vector<1x16xi32>
    tpu.vector_store %arg6[%swap3A_918, %swap3A_919], %swap3A_922 {strides = array<i32>} : memref<8x128xi32, #tpu.memory_space<vmem>>, vector<1x16xi32>,
    %get3A_923 = arith.constant 672 : index
    %get3A_924 = tpu.vector_load %arg5[%get3A_923] {strides = array<i32>} : memref<1024xi32, #tpu.memory_space<vmem>>, vector<16xi32>,
    %get3A_925 = vector.shape_cast %get3A_924 : vector<16xi32> to vector<16xi32>
    %add3A_926 = arith.constant 672 : i32
    %add3A_927 = arith.addi %mul3A_34, %add3A_926 : i32
    %iota3A_928 = tpu.iota {dimensions = array<i32: 0>} : vector<16xi32>
    %add3A_929 = vector.broadcast %add3A_927 : i32 to vector<16xi32>
    %add3A_930 = arith.addi %add3A_929, %iota3A_928 : vector<16xi32>
    %mul3A_931 = arith.constant 4096 : i32
    %mul3A_932 = vector.broadcast %mul3A_931 : i32 to vector<16xi32>
    %mul3A_933 = arith.muli %get3A_925, %mul3A_932 : vector<16xi32>
    %add3A_934 = vector.broadcast %mul3A_84 : i32 to vector<16xi32>
    %add3A_935 = arith.addi %add3A_934, %mul3A_933 : vector<16xi32>
    %add3A_936 = arith.addi %add3A_935, %add3A_930 : vector<16xi32>
    %swap3A_937 = arith.constant 5 : i32
    %swap3A_938 = arith.index_cast %swap3A_937 : i32 to index
    %swap3A_939 = arith.constant 32 : index
    %swap3A_940 = tpu.vector_load %arg6[%swap3A_938, %swap3A_939] {strides = array<i32>} : memref<8x128xi32, #tpu.memory_space<vmem>>, vector<1x16xi32>,
    %swap3A_941 = vector.shape_cast %swap3A_940 : vector<1x16xi32> to vector<16xi32>
    %swap3A_942 = vector.shape_cast %add3A_936 : vector<16xi32> to vector<1x16xi32>
    tpu.vector_store %arg6[%swap3A_938, %swap3A_939], %swap3A_942 {strides = array<i32>} : memref<8x128xi32, #tpu.memory_space<vmem>>, vector<1x16xi32>,
    %get3A_943 = arith.constant 688 : index
    %get3A_944 = tpu.vector_load %arg5[%get3A_943] {strides = array<i32>} : memref<1024xi32, #tpu.memory_space<vmem>>, vector<16xi32>,
    %get3A_945 = vector.shape_cast %get3A_944 : vector<16xi32> to vector<16xi32>
    %add3A_946 = arith.constant 688 : i32
    %add3A_947 = arith.addi %mul3A_34, %add3A_946 : i32
    %iota3A_948 = tpu.iota {dimensions = array<i32: 0>} : vector<16xi32>
    %add3A_949 = vector.broadcast %add3A_947 : i32 to vector<16xi32>
    %add3A_950 = arith.addi %add3A_949, %iota3A_948 : vector<16xi32>
    %mul3A_951 = arith.constant 4096 : i32
    %mul3A_952 = vector.broadcast %mul3A_951 : i32 to vector<16xi32>
    %mul3A_953 = arith.muli %get3A_945, %mul3A_952 : vector<16xi32>
    %add3A_954 = vector.broadcast %mul3A_84 : i32 to vector<16xi32>
    %add3A_955 = arith.addi %add3A_954, %mul3A_953 : vector<16xi32>
    %add3A_956 = arith.addi %add3A_955, %add3A_950 : vector<16xi32>
    %swap3A_957 = arith.constant 5 : i32
    %swap3A_958 = arith.index_cast %swap3A_957 : i32 to index
    %swap3A_959 = arith.constant 48 : index
    %swap3A_960 = tpu.vector_load %arg6[%swap3A_958, %swap3A_959] {strides = array<i32>} : memref<8x128xi32, #tpu.memory_space<vmem>>, vector<1x16xi32>,
    %swap3A_961 = vector.shape_cast %swap3A_960 : vector<1x16xi32> to vector<16xi32>
    %swap3A_962 = vector.shape_cast %add3A_956 : vector<16xi32> to vector<1x16xi32>
    tpu.vector_store %arg6[%swap3A_958, %swap3A_959], %swap3A_962 {strides = array<i32>} : memref<8x128xi32, #tpu.memory_space<vmem>>, vector<1x16xi32>,
    %get3A_963 = arith.constant 704 : index
    %get3A_964 = tpu.vector_load %arg5[%get3A_963] {strides = array<i32>} : memref<1024xi32, #tpu.memory_space<vmem>>, vector<16xi32>,
    %get3A_965 = vector.shape_cast %get3A_964 : vector<16xi32> to vector<16xi32>
    %add3A_966 = arith.constant 704 : i32
    %add3A_967 = arith.addi %mul3A_34, %add3A_966 : i32
    %iota3A_968 = tpu.iota {dimensions = array<i32: 0>} : vector<16xi32>
    %add3A_969 = vector.broadcast %add3A_967 : i32 to vector<16xi32>
    %add3A_970 = arith.addi %add3A_969, %iota3A_968 : vector<16xi32>
    %mul3A_971 = arith.constant 4096 : i32
    %mul3A_972 = vector.broadcast %mul3A_971 : i32 to vector<16xi32>
    %mul3A_973 = arith.muli %get3A_965, %mul3A_972 : vector<16xi32>
    %add3A_974 = vector.broadcast %mul3A_84 : i32 to vector<16xi32>
    %add3A_975 = arith.addi %add3A_974, %mul3A_973 : vector<16xi32>
    %add3A_976 = arith.addi %add3A_975, %add3A_970 : vector<16xi32>
    %swap3A_977 = arith.constant 5 : i32
    %swap3A_978 = arith.index_cast %swap3A_977 : i32 to index
    %swap3A_979 = arith.constant 64 : index
    %swap3A_980 = tpu.vector_load %arg6[%swap3A_978, %swap3A_979] {strides = array<i32>} : memref<8x128xi32, #tpu.memory_space<vmem>>, vector<1x16xi32>,
    %swap3A_981 = vector.shape_cast %swap3A_980 : vector<1x16xi32> to vector<16xi32>
    %swap3A_982 = vector.shape_cast %add3A_976 : vector<16xi32> to vector<1x16xi32>
    tpu.vector_store %arg6[%swap3A_978, %swap3A_979], %swap3A_982 {strides = array<i32>} : memref<8x128xi32, #tpu.memory_space<vmem>>, vector<1x16xi32>,
    %get3A_983 = arith.constant 720 : index
    %get3A_984 = tpu.vector_load %arg5[%get3A_983] {strides = array<i32>} : memref<1024xi32, #tpu.memory_space<vmem>>, vector<16xi32>,
    %get3A_985 = vector.shape_cast %get3A_984 : vector<16xi32> to vector<16xi32>
    %add3A_986 = arith.constant 720 : i32
    %add3A_987 = arith.addi %mul3A_34, %add3A_986 : i32
    %iota3A_988 = tpu.iota {dimensions = array<i32: 0>} : vector<16xi32>
    %add3A_989 = vector.broadcast %add3A_987 : i32 to vector<16xi32>
    %add3A_990 = arith.addi %add3A_989, %iota3A_988 : vector<16xi32>
    %mul3A_991 = arith.constant 4096 : i32
    %mul3A_992 = vector.broadcast %mul3A_991 : i32 to vector<16xi32>
    %mul3A_993 = arith.muli %get3A_985, %mul3A_992 : vector<16xi32>
    %add3A_994 = vector.broadcast %mul3A_84 : i32 to vector<16xi32>
    %add3A_995 = arith.addi %add3A_994, %mul3A_993 : vector<16xi32>
    %add3A_996 = arith.addi %add3A_995, %add3A_990 : vector<16xi32>
    %swap3A_997 = arith.constant 5 : i32
    %swap3A_998 = arith.index_cast %swap3A_997 : i32 to index
    %swap3A_999 = arith.constant 80 : index
    %swap3A_1000 = tpu.vector_load %arg6[%swap3A_998, %swap3A_999] {strides = array<i32>} : memref<8x128xi32, #tpu.memory_space<vmem>>, vector<1x16xi32>,
    %swap3A_1001 = vector.shape_cast %swap3A_1000 : vector<1x16xi32> to vector<16xi32>
    %swap3A_1002 = vector.shape_cast %add3A_996 : vector<16xi32> to vector<1x16xi32>
    tpu.vector_store %arg6[%swap3A_998, %swap3A_999], %swap3A_1002 {strides = array<i32>} : memref<8x128xi32, #tpu.memory_space<vmem>>, vector<1x16xi32>,
    %get3A_1003 = arith.constant 736 : index
    %get3A_1004 = tpu.vector_load %arg5[%get3A_1003] {strides = array<i32>} : memref<1024xi32, #tpu.memory_space<vmem>>, vector<16xi32>,
    %get3A_1005 = vector.shape_cast %get3A_1004 : vector<16xi32> to vector<16xi32>
    %add3A_1006 = arith.constant 736 : i32
    %add3A_1007 = arith.addi %mul3A_34, %add3A_1006 : i32
    %iota3A_1008 = tpu.iota {dimensions = array<i32: 0>} : vector<16xi32>
    %add3A_1009 = vector.broadcast %add3A_1007 : i32 to vector<16xi32>
    %add3A_1010 = arith.addi %add3A_1009, %iota3A_1008 : vector<16xi32>
    %mul3A_1011 = arith.constant 4096 : i32
    %mul3A_1012 = vector.broadcast %mul3A_1011 : i32 to vector<16xi32>
    %mul3A_1013 = arith.muli %get3A_1005, %mul3A_1012 : vector<16xi32>
    %add3A_1014 = vector.broadcast %mul3A_84 : i32 to vector<16xi32>
    %add3A_1015 = arith.addi %add3A_1014, %mul3A_1013 : vector<16xi32>
    %add3A_1016 = arith.addi %add3A_1015, %add3A_1010 : vector<16xi32>
    %swap3A_1017 = arith.constant 5 : i32
    %swap3A_1018 = arith.index_cast %swap3A_1017 : i32 to index
    %swap3A_1019 = arith.constant 96 : index
    %swap3A_1020 = tpu.vector_load %arg6[%swap3A_1018, %swap3A_1019] {strides = array<i32>} : memref<8x128xi32, #tpu.memory_space<vmem>>, vector<1x16xi32>,
    %swap3A_1021 = vector.shape_cast %swap3A_1020 : vector<1x16xi32> to vector<16xi32>
    %swap3A_1022 = vector.shape_cast %add3A_1016 : vector<16xi32> to vector<1x16xi32>
    tpu.vector_store %arg6[%swap3A_1018, %swap3A_1019], %swap3A_1022 {strides = array<i32>} : memref<8x128xi32, #tpu.memory_space<vmem>>, vector<1x16xi32>,
    %get3A_1023 = arith.constant 752 : index
    %get3A_1024 = tpu.vector_load %arg5[%get3A_1023] {strides = array<i32>} : memref<1024xi32, #tpu.memory_space<vmem>>, vector<16xi32>,
    %get3A_1025 = vector.shape_cast %get3A_1024 : vector<16xi32> to vector<16xi32>
    %add3A_1026 = arith.constant 752 : i32
    %add3A_1027 = arith.addi %mul3A_34, %add3A_1026 : i32
    %iota3A_1028 = tpu.iota {dimensions = array<i32: 0>} : vector<16xi32>
    %add3A_1029 = vector.broadcast %add3A_1027 : i32 to vector<16xi32>
    %add3A_1030 = arith.addi %add3A_1029, %iota3A_1028 : vector<16xi32>
    %mul3A_1031 = arith.constant 4096 : i32
    %mul3A_1032 = vector.broadcast %mul3A_1031 : i32 to vector<16xi32>
    %mul3A_1033 = arith.muli %get3A_1025, %mul3A_1032 : vector<16xi32>
    %add3A_1034 = vector.broadcast %mul3A_84 : i32 to vector<16xi32>
    %add3A_1035 = arith.addi %add3A_1034, %mul3A_1033 : vector<16xi32>
    %add3A_1036 = arith.addi %add3A_1035, %add3A_1030 : vector<16xi32>
    %swap3A_1037 = arith.constant 5 : i32
    %swap3A_1038 = arith.index_cast %swap3A_1037 : i32 to index
    %swap3A_1039 = arith.constant 112 : index
    %swap3A_1040 = tpu.vector_load %arg6[%swap3A_1038, %swap3A_1039] {strides = array<i32>} : memref<8x128xi32, #tpu.memory_space<vmem>>, vector<1x16xi32>,
    %swap3A_1041 = vector.shape_cast %swap3A_1040 : vector<1x16xi32> to vector<16xi32>
    %swap3A_1042 = vector.shape_cast %add3A_1036 : vector<16xi32> to vector<1x16xi32>
    tpu.vector_store %arg6[%swap3A_1038, %swap3A_1039], %swap3A_1042 {strides = array<i32>} : memref<8x128xi32, #tpu.memory_space<vmem>>, vector<1x16xi32>,
    %get3A_1043 = arith.constant 768 : index
    %get3A_1044 = tpu.vector_load %arg5[%get3A_1043] {strides = array<i32>} : memref<1024xi32, #tpu.memory_space<vmem>>, vector<16xi32>,
    %get3A_1045 = vector.shape_cast %get3A_1044 : vector<16xi32> to vector<16xi32>
    %add3A_1046 = arith.constant 768 : i32
    %add3A_1047 = arith.addi %mul3A_34, %add3A_1046 : i32
    %iota3A_1048 = tpu.iota {dimensions = array<i32: 0>} : vector<16xi32>
    %add3A_1049 = vector.broadcast %add3A_1047 : i32 to vector<16xi32>
    %add3A_1050 = arith.addi %add3A_1049, %iota3A_1048 : vector<16xi32>
    %mul3A_1051 = arith.constant 4096 : i32
    %mul3A_1052 = vector.broadcast %mul3A_1051 : i32 to vector<16xi32>
    %mul3A_1053 = arith.muli %get3A_1045, %mul3A_1052 : vector<16xi32>
    %add3A_1054 = vector.broadcast %mul3A_84 : i32 to vector<16xi32>
    %add3A_1055 = arith.addi %add3A_1054, %mul3A_1053 : vector<16xi32>
    %add3A_1056 = arith.addi %add3A_1055, %add3A_1050 : vector<16xi32>
    %swap3A_1057 = arith.constant 6 : i32
    %swap3A_1058 = arith.index_cast %swap3A_1057 : i32 to index
    %swap3A_1059 = arith.constant 0 : index
    %swap3A_1060 = tpu.vector_load %arg6[%swap3A_1058, %swap3A_1059] {strides = array<i32>} : memref<8x128xi32, #tpu.memory_space<vmem>>, vector<1x16xi32>,
    %swap3A_1061 = vector.shape_cast %swap3A_1060 : vector<1x16xi32> to vector<16xi32>
    %swap3A_1062 = vector.shape_cast %add3A_1056 : vector<16xi32> to vector<1x16xi32>
    tpu.vector_store %arg6[%swap3A_1058, %swap3A_1059], %swap3A_1062 {strides = array<i32>} : memref<8x128xi32, #tpu.memory_space<vmem>>, vector<1x16xi32>,
    %get3A_1063 = arith.constant 784 : index
    %get3A_1064 = tpu.vector_load %arg5[%get3A_1063] {strides = array<i32>} : memref<1024xi32, #tpu.memory_space<vmem>>, vector<16xi32>,
    %get3A_1065 = vector.shape_cast %get3A_1064 : vector<16xi32> to vector<16xi32>
    %add3A_1066 = arith.constant 784 : i32
    %add3A_1067 = arith.addi %mul3A_34, %add3A_1066 : i32
    %iota3A_1068 = tpu.iota {dimensions = array<i32: 0>} : vector<16xi32>
    %add3A_1069 = vector.broadcast %add3A_1067 : i32 to vector<16xi32>
    %add3A_1070 = arith.addi %add3A_1069, %iota3A_1068 : vector<16xi32>
    %mul3A_1071 = arith.constant 4096 : i32
    %mul3A_1072 = vector.broadcast %mul3A_1071 : i32 to vector<16xi32>
    %mul3A_1073 = arith.muli %get3A_1065, %mul3A_1072 : vector<16xi32>
    %add3A_1074 = vector.broadcast %mul3A_84 : i32 to vector<16xi32>
    %add3A_1075 = arith.addi %add3A_1074, %mul3A_1073 : vector<16xi32>
    %add3A_1076 = arith.addi %add3A_1075, %add3A_1070 : vector<16xi32>
    %swap3A_1077 = arith.constant 6 : i32
    %swap3A_1078 = arith.index_cast %swap3A_1077 : i32 to index
    %swap3A_1079 = arith.constant 16 : index
    %swap3A_1080 = tpu.vector_load %arg6[%swap3A_1078, %swap3A_1079] {strides = array<i32>} : memref<8x128xi32, #tpu.memory_space<vmem>>, vector<1x16xi32>,
    %swap3A_1081 = vector.shape_cast %swap3A_1080 : vector<1x16xi32> to vector<16xi32>
    %swap3A_1082 = vector.shape_cast %add3A_1076 : vector<16xi32> to vector<1x16xi32>
    tpu.vector_store %arg6[%swap3A_1078, %swap3A_1079], %swap3A_1082 {strides = array<i32>} : memref<8x128xi32, #tpu.memory_space<vmem>>, vector<1x16xi32>,
    %get3A_1083 = arith.constant 800 : index
    %get3A_1084 = tpu.vector_load %arg5[%get3A_1083] {strides = array<i32>} : memref<1024xi32, #tpu.memory_space<vmem>>, vector<16xi32>,
    %get3A_1085 = vector.shape_cast %get3A_1084 : vector<16xi32> to vector<16xi32>
    %add3A_1086 = arith.constant 800 : i32
    %add3A_1087 = arith.addi %mul3A_34, %add3A_1086 : i32
    %iota3A_1088 = tpu.iota {dimensions = array<i32: 0>} : vector<16xi32>
    %add3A_1089 = vector.broadcast %add3A_1087 : i32 to vector<16xi32>
    %add3A_1090 = arith.addi %add3A_1089, %iota3A_1088 : vector<16xi32>
    %mul3A_1091 = arith.constant 4096 : i32
    %mul3A_1092 = vector.broadcast %mul3A_1091 : i32 to vector<16xi32>
    %mul3A_1093 = arith.muli %get3A_1085, %mul3A_1092 : vector<16xi32>
    %add3A_1094 = vector.broadcast %mul3A_84 : i32 to vector<16xi32>
    %add3A_1095 = arith.addi %add3A_1094, %mul3A_1093 : vector<16xi32>
    %add3A_1096 = arith.addi %add3A_1095, %add3A_1090 : vector<16xi32>
    %swap3A_1097 = arith.constant 6 : i32
    %swap3A_1098 = arith.index_cast %swap3A_1097 : i32 to index
    %swap3A_1099 = arith.constant 32 : index
    %swap3A_1100 = tpu.vector_load %arg6[%swap3A_1098, %swap3A_1099] {strides = array<i32>} : memref<8x128xi32, #tpu.memory_space<vmem>>, vector<1x16xi32>,
    %swap3A_1101 = vector.shape_cast %swap3A_1100 : vector<1x16xi32> to vector<16xi32>
    %swap3A_1102 = vector.shape_cast %add3A_1096 : vector<16xi32> to vector<1x16xi32>
    tpu.vector_store %arg6[%swap3A_1098, %swap3A_1099], %swap3A_1102 {strides = array<i32>} : memref<8x128xi32, #tpu.memory_space<vmem>>, vector<1x16xi32>,
    %get3A_1103 = arith.constant 816 : index
    %get3A_1104 = tpu.vector_load %arg5[%get3A_1103] {strides = array<i32>} : memref<1024xi32, #tpu.memory_space<vmem>>, vector<16xi32>,
    %get3A_1105 = vector.shape_cast %get3A_1104 : vector<16xi32> to vector<16xi32>
    %add3A_1106 = arith.constant 816 : i32
    %add3A_1107 = arith.addi %mul3A_34, %add3A_1106 : i32
    %iota3A_1108 = tpu.iota {dimensions = array<i32: 0>} : vector<16xi32>
    %add3A_1109 = vector.broadcast %add3A_1107 : i32 to vector<16xi32>
    %add3A_1110 = arith.addi %add3A_1109, %iota3A_1108 : vector<16xi32>
    %mul3A_1111 = arith.constant 4096 : i32
    %mul3A_1112 = vector.broadcast %mul3A_1111 : i32 to vector<16xi32>
    %mul3A_1113 = arith.muli %get3A_1105, %mul3A_1112 : vector<16xi32>
    %add3A_1114 = vector.broadcast %mul3A_84 : i32 to vector<16xi32>
    %add3A_1115 = arith.addi %add3A_1114, %mul3A_1113 : vector<16xi32>
    %add3A_1116 = arith.addi %add3A_1115, %add3A_1110 : vector<16xi32>
    %swap3A_1117 = arith.constant 6 : i32
    %swap3A_1118 = arith.index_cast %swap3A_1117 : i32 to index
    %swap3A_1119 = arith.constant 48 : index
    %swap3A_1120 = tpu.vector_load %arg6[%swap3A_1118, %swap3A_1119] {strides = array<i32>} : memref<8x128xi32, #tpu.memory_space<vmem>>, vector<1x16xi32>,
    %swap3A_1121 = vector.shape_cast %swap3A_1120 : vector<1x16xi32> to vector<16xi32>
    %swap3A_1122 = vector.shape_cast %add3A_1116 : vector<16xi32> to vector<1x16xi32>
    tpu.vector_store %arg6[%swap3A_1118, %swap3A_1119], %swap3A_1122 {strides = array<i32>} : memref<8x128xi32, #tpu.memory_space<vmem>>, vector<1x16xi32>,
    %get3A_1123 = arith.constant 832 : index
    %get3A_1124 = tpu.vector_load %arg5[%get3A_1123] {strides = array<i32>} : memref<1024xi32, #tpu.memory_space<vmem>>, vector<16xi32>,
    %get3A_1125 = vector.shape_cast %get3A_1124 : vector<16xi32> to vector<16xi32>
    %add3A_1126 = arith.constant 832 : i32
    %add3A_1127 = arith.addi %mul3A_34, %add3A_1126 : i32
    %iota3A_1128 = tpu.iota {dimensions = array<i32: 0>} : vector<16xi32>
    %add3A_1129 = vector.broadcast %add3A_1127 : i32 to vector<16xi32>
    %add3A_1130 = arith.addi %add3A_1129, %iota3A_1128 : vector<16xi32>
    %mul3A_1131 = arith.constant 4096 : i32
    %mul3A_1132 = vector.broadcast %mul3A_1131 : i32 to vector<16xi32>
    %mul3A_1133 = arith.muli %get3A_1125, %mul3A_1132 : vector<16xi32>
    %add3A_1134 = vector.broadcast %mul3A_84 : i32 to vector<16xi32>
    %add3A_1135 = arith.addi %add3A_1134, %mul3A_1133 : vector<16xi32>
    %add3A_1136 = arith.addi %add3A_1135, %add3A_1130 : vector<16xi32>
    %swap3A_1137 = arith.constant 6 : i32
    %swap3A_1138 = arith.index_cast %swap3A_1137 : i32 to index
    %swap3A_1139 = arith.constant 64 : index
    %swap3A_1140 = tpu.vector_load %arg6[%swap3A_1138, %swap3A_1139] {strides = array<i32>} : memref<8x128xi32, #tpu.memory_space<vmem>>, vector<1x16xi32>,
    %swap3A_1141 = vector.shape_cast %swap3A_1140 : vector<1x16xi32> to vector<16xi32>
    %swap3A_1142 = vector.shape_cast %add3A_1136 : vector<16xi32> to vector<1x16xi32>
    tpu.vector_store %arg6[%swap3A_1138, %swap3A_1139], %swap3A_1142 {strides = array<i32>} : memref<8x128xi32, #tpu.memory_space<vmem>>, vector<1x16xi32>,
    %get3A_1143 = arith.constant 848 : index
    %get3A_1144 = tpu.vector_load %arg5[%get3A_1143] {strides = array<i32>} : memref<1024xi32, #tpu.memory_space<vmem>>, vector<16xi32>,
    %get3A_1145 = vector.shape_cast %get3A_1144 : vector<16xi32> to vector<16xi32>
    %add3A_1146 = arith.constant 848 : i32
    %add3A_1147 = arith.addi %mul3A_34, %add3A_1146 : i32
    %iota3A_1148 = tpu.iota {dimensions = array<i32: 0>} : vector<16xi32>
    %add3A_1149 = vector.broadcast %add3A_1147 : i32 to vector<16xi32>
    %add3A_1150 = arith.addi %add3A_1149, %iota3A_1148 : vector<16xi32>
    %mul3A_1151 = arith.constant 4096 : i32
    %mul3A_1152 = vector.broadcast %mul3A_1151 : i32 to vector<16xi32>
    %mul3A_1153 = arith.muli %get3A_1145, %mul3A_1152 : vector<16xi32>
    %add3A_1154 = vector.broadcast %mul3A_84 : i32 to vector<16xi32>
    %add3A_1155 = arith.addi %add3A_1154, %mul3A_1153 : vector<16xi32>
    %add3A_1156 = arith.addi %add3A_1155, %add3A_1150 : vector<16xi32>
    %swap3A_1157 = arith.constant 6 : i32
    %swap3A_1158 = arith.index_cast %swap3A_1157 : i32 to index
    %swap3A_1159 = arith.constant 80 : index
    %swap3A_1160 = tpu.vector_load %arg6[%swap3A_1158, %swap3A_1159] {strides = array<i32>} : memref<8x128xi32, #tpu.memory_space<vmem>>, vector<1x16xi32>,
    %swap3A_1161 = vector.shape_cast %swap3A_1160 : vector<1x16xi32> to vector<16xi32>
    %swap3A_1162 = vector.shape_cast %add3A_1156 : vector<16xi32> to vector<1x16xi32>
    tpu.vector_store %arg6[%swap3A_1158, %swap3A_1159], %swap3A_1162 {strides = array<i32>} : memref<8x128xi32, #tpu.memory_space<vmem>>, vector<1x16xi32>,
    %get3A_1163 = arith.constant 864 : index
    %get3A_1164 = tpu.vector_load %arg5[%get3A_1163] {strides = array<i32>} : memref<1024xi32, #tpu.memory_space<vmem>>, vector<16xi32>,
    %get3A_1165 = vector.shape_cast %get3A_1164 : vector<16xi32> to vector<16xi32>
    %add3A_1166 = arith.constant 864 : i32
    %add3A_1167 = arith.addi %mul3A_34, %add3A_1166 : i32
    %iota3A_1168 = tpu.iota {dimensions = array<i32: 0>} : vector<16xi32>
    %add3A_1169 = vector.broadcast %add3A_1167 : i32 to vector<16xi32>
    %add3A_1170 = arith.addi %add3A_1169, %iota3A_1168 : vector<16xi32>
    %mul3A_1171 = arith.constant 4096 : i32
    %mul3A_1172 = vector.broadcast %mul3A_1171 : i32 to vector<16xi32>
    %mul3A_1173 = arith.muli %get3A_1165, %mul3A_1172 : vector<16xi32>
    %add3A_1174 = vector.broadcast %mul3A_84 : i32 to vector<16xi32>
    %add3A_1175 = arith.addi %add3A_1174, %mul3A_1173 : vector<16xi32>
    %add3A_1176 = arith.addi %add3A_1175, %add3A_1170 : vector<16xi32>
    %swap3A_1177 = arith.constant 6 : i32
    %swap3A_1178 = arith.index_cast %swap3A_1177 : i32 to index
    %swap3A_1179 = arith.constant 96 : index
    %swap3A_1180 = tpu.vector_load %arg6[%swap3A_1178, %swap3A_1179] {strides = array<i32>} : memref<8x128xi32, #tpu.memory_space<vmem>>, vector<1x16xi32>,
    %swap3A_1181 = vector.shape_cast %swap3A_1180 : vector<1x16xi32> to vector<16xi32>
    %swap3A_1182 = vector.shape_cast %add3A_1176 : vector<16xi32> to vector<1x16xi32>
    tpu.vector_store %arg6[%swap3A_1178, %swap3A_1179], %swap3A_1182 {strides = array<i32>} : memref<8x128xi32, #tpu.memory_space<vmem>>, vector<1x16xi32>,
    %get3A_1183 = arith.constant 880 : index
    %get3A_1184 = tpu.vector_load %arg5[%get3A_1183] {strides = array<i32>} : memref<1024xi32, #tpu.memory_space<vmem>>, vector<16xi32>,
    %get3A_1185 = vector.shape_cast %get3A_1184 : vector<16xi32> to vector<16xi32>
    %add3A_1186 = arith.constant 880 : i32
    %add3A_1187 = arith.addi %mul3A_34, %add3A_1186 : i32
    %iota3A_1188 = tpu.iota {dimensions = array<i32: 0>} : vector<16xi32>
    %add3A_1189 = vector.broadcast %add3A_1187 : i32 to vector<16xi32>
    %add3A_1190 = arith.addi %add3A_1189, %iota3A_1188 : vector<16xi32>
    %mul3A_1191 = arith.constant 4096 : i32
    %mul3A_1192 = vector.broadcast %mul3A_1191 : i32 to vector<16xi32>
    %mul3A_1193 = arith.muli %get3A_1185, %mul3A_1192 : vector<16xi32>
    %add3A_1194 = vector.broadcast %mul3A_84 : i32 to vector<16xi32>
    %add3A_1195 = arith.addi %add3A_1194, %mul3A_1193 : vector<16xi32>
    %add3A_1196 = arith.addi %add3A_1195, %add3A_1190 : vector<16xi32>
    %swap3A_1197 = arith.constant 6 : i32
    %swap3A_1198 = arith.index_cast %swap3A_1197 : i32 to index
    %swap3A_1199 = arith.constant 112 : index
    %swap3A_1200 = tpu.vector_load %arg6[%swap3A_1198, %swap3A_1199] {strides = array<i32>} : memref<8x128xi32, #tpu.memory_space<vmem>>, vector<1x16xi32>,
    %swap3A_1201 = vector.shape_cast %swap3A_1200 : vector<1x16xi32> to vector<16xi32>
    %swap3A_1202 = vector.shape_cast %add3A_1196 : vector<16xi32> to vector<1x16xi32>
    tpu.vector_store %arg6[%swap3A_1198, %swap3A_1199], %swap3A_1202 {strides = array<i32>} : memref<8x128xi32, #tpu.memory_space<vmem>>, vector<1x16xi32>,
    %get3A_1203 = arith.constant 896 : index
    %get3A_1204 = tpu.vector_load %arg5[%get3A_1203] {strides = array<i32>} : memref<1024xi32, #tpu.memory_space<vmem>>, vector<16xi32>,
    %get3A_1205 = vector.shape_cast %get3A_1204 : vector<16xi32> to vector<16xi32>
    %add3A_1206 = arith.constant 896 : i32
    %add3A_1207 = arith.addi %mul3A_34, %add3A_1206 : i32
    %iota3A_1208 = tpu.iota {dimensions = array<i32: 0>} : vector<16xi32>
    %add3A_1209 = vector.broadcast %add3A_1207 : i32 to vector<16xi32>
    %add3A_1210 = arith.addi %add3A_1209, %iota3A_1208 : vector<16xi32>
    %mul3A_1211 = arith.constant 4096 : i32
    %mul3A_1212 = vector.broadcast %mul3A_1211 : i32 to vector<16xi32>
    %mul3A_1213 = arith.muli %get3A_1205, %mul3A_1212 : vector<16xi32>
    %add3A_1214 = vector.broadcast %mul3A_84 : i32 to vector<16xi32>
    %add3A_1215 = arith.addi %add3A_1214, %mul3A_1213 : vector<16xi32>
    %add3A_1216 = arith.addi %add3A_1215, %add3A_1210 : vector<16xi32>
    %swap3A_1217 = arith.constant 7 : i32
    %swap3A_1218 = arith.index_cast %swap3A_1217 : i32 to index
    %swap3A_1219 = arith.constant 0 : index
    %swap3A_1220 = tpu.vector_load %arg6[%swap3A_1218, %swap3A_1219] {strides = array<i32>} : memref<8x128xi32, #tpu.memory_space<vmem>>, vector<1x16xi32>,
    %swap3A_1221 = vector.shape_cast %swap3A_1220 : vector<1x16xi32> to vector<16xi32>
    %swap3A_1222 = vector.shape_cast %add3A_1216 : vector<16xi32> to vector<1x16xi32>
    tpu.vector_store %arg6[%swap3A_1218, %swap3A_1219], %swap3A_1222 {strides = array<i32>} : memref<8x128xi32, #tpu.memory_space<vmem>>, vector<1x16xi32>,
    %get3A_1223 = arith.constant 912 : index
    %get3A_1224 = tpu.vector_load %arg5[%get3A_1223] {strides = array<i32>} : memref<1024xi32, #tpu.memory_space<vmem>>, vector<16xi32>,
    %get3A_1225 = vector.shape_cast %get3A_1224 : vector<16xi32> to vector<16xi32>
    %add3A_1226 = arith.constant 912 : i32
    %add3A_1227 = arith.addi %mul3A_34, %add3A_1226 : i32
    %iota3A_1228 = tpu.iota {dimensions = array<i32: 0>} : vector<16xi32>
    %add3A_1229 = vector.broadcast %add3A_1227 : i32 to vector<16xi32>
    %add3A_1230 = arith.addi %add3A_1229, %iota3A_1228 : vector<16xi32>
    %mul3A_1231 = arith.constant 4096 : i32
    %mul3A_1232 = vector.broadcast %mul3A_1231 : i32 to vector<16xi32>
    %mul3A_1233 = arith.muli %get3A_1225, %mul3A_1232 : vector<16xi32>
    %add3A_1234 = vector.broadcast %mul3A_84 : i32 to vector<16xi32>
    %add3A_1235 = arith.addi %add3A_1234, %mul3A_1233 : vector<16xi32>
    %add3A_1236 = arith.addi %add3A_1235, %add3A_1230 : vector<16xi32>
    %swap3A_1237 = arith.constant 7 : i32
    %swap3A_1238 = arith.index_cast %swap3A_1237 : i32 to index
    %swap3A_1239 = arith.constant 16 : index
    %swap3A_1240 = tpu.vector_load %arg6[%swap3A_1238, %swap3A_1239] {strides = array<i32>} : memref<8x128xi32, #tpu.memory_space<vmem>>, vector<1x16xi32>,
    %swap3A_1241 = vector.shape_cast %swap3A_1240 : vector<1x16xi32> to vector<16xi32>
    %swap3A_1242 = vector.shape_cast %add3A_1236 : vector<16xi32> to vector<1x16xi32>
    tpu.vector_store %arg6[%swap3A_1238, %swap3A_1239], %swap3A_1242 {strides = array<i32>} : memref<8x128xi32, #tpu.memory_space<vmem>>, vector<1x16xi32>,
    %get3A_1243 = arith.constant 928 : index
    %get3A_1244 = tpu.vector_load %arg5[%get3A_1243] {strides = array<i32>} : memref<1024xi32, #tpu.memory_space<vmem>>, vector<16xi32>,
    %get3A_1245 = vector.shape_cast %get3A_1244 : vector<16xi32> to vector<16xi32>
    %add3A_1246 = arith.constant 928 : i32
    %add3A_1247 = arith.addi %mul3A_34, %add3A_1246 : i32
    %iota3A_1248 = tpu.iota {dimensions = array<i32: 0>} : vector<16xi32>
    %add3A_1249 = vector.broadcast %add3A_1247 : i32 to vector<16xi32>
    %add3A_1250 = arith.addi %add3A_1249, %iota3A_1248 : vector<16xi32>
    %mul3A_1251 = arith.constant 4096 : i32
    %mul3A_1252 = vector.broadcast %mul3A_1251 : i32 to vector<16xi32>
    %mul3A_1253 = arith.muli %get3A_1245, %mul3A_1252 : vector<16xi32>
    %add3A_1254 = vector.broadcast %mul3A_84 : i32 to vector<16xi32>
    %add3A_1255 = arith.addi %add3A_1254, %mul3A_1253 : vector<16xi32>
    %add3A_1256 = arith.addi %add3A_1255, %add3A_1250 : vector<16xi32>
    %swap3A_1257 = arith.constant 7 : i32
    %swap3A_1258 = arith.index_cast %swap3A_1257 : i32 to index
    %swap3A_1259 = arith.constant 32 : index
    %swap3A_1260 = tpu.vector_load %arg6[%swap3A_1258, %swap3A_1259] {strides = array<i32>} : memref<8x128xi32, #tpu.memory_space<vmem>>, vector<1x16xi32>,
    %swap3A_1261 = vector.shape_cast %swap3A_1260 : vector<1x16xi32> to vector<16xi32>
    %swap3A_1262 = vector.shape_cast %add3A_1256 : vector<16xi32> to vector<1x16xi32>
    tpu.vector_store %arg6[%swap3A_1258, %swap3A_1259], %swap3A_1262 {strides = array<i32>} : memref<8x128xi32, #tpu.memory_space<vmem>>, vector<1x16xi32>,
    %get3A_1263 = arith.constant 944 : index
    %get3A_1264 = tpu.vector_load %arg5[%get3A_1263] {strides = array<i32>} : memref<1024xi32, #tpu.memory_space<vmem>>, vector<16xi32>,
    %get3A_1265 = vector.shape_cast %get3A_1264 : vector<16xi32> to vector<16xi32>
    %add3A_1266 = arith.constant 944 : i32
    %add3A_1267 = arith.addi %mul3A_34, %add3A_1266 : i32
    %iota3A_1268 = tpu.iota {dimensions = array<i32: 0>} : vector<16xi32>
    %add3A_1269 = vector.broadcast %add3A_1267 : i32 to vector<16xi32>
    %add3A_1270 = arith.addi %add3A_1269, %iota3A_1268 : vector<16xi32>
    %mul3A_1271 = arith.constant 4096 : i32
    %mul3A_1272 = vector.broadcast %mul3A_1271 : i32 to vector<16xi32>
    %mul3A_1273 = arith.muli %get3A_1265, %mul3A_1272 : vector<16xi32>
    %add3A_1274 = vector.broadcast %mul3A_84 : i32 to vector<16xi32>
    %add3A_1275 = arith.addi %add3A_1274, %mul3A_1273 : vector<16xi32>
    %add3A_1276 = arith.addi %add3A_1275, %add3A_1270 : vector<16xi32>
    %swap3A_1277 = arith.constant 7 : i32
    %swap3A_1278 = arith.index_cast %swap3A_1277 : i32 to index
    %swap3A_1279 = arith.constant 48 : index
    %swap3A_1280 = tpu.vector_load %arg6[%swap3A_1278, %swap3A_1279] {strides = array<i32>} : memref<8x128xi32, #tpu.memory_space<vmem>>, vector<1x16xi32>,
    %swap3A_1281 = vector.shape_cast %swap3A_1280 : vector<1x16xi32> to vector<16xi32>
    %swap3A_1282 = vector.shape_cast %add3A_1276 : vector<16xi32> to vector<1x16xi32>
    tpu.vector_store %arg6[%swap3A_1278, %swap3A_1279], %swap3A_1282 {strides = array<i32>} : memref<8x128xi32, #tpu.memory_space<vmem>>, vector<1x16xi32>,
    %get3A_1283 = arith.constant 960 : index
    %get3A_1284 = tpu.vector_load %arg5[%get3A_1283] {strides = array<i32>} : memref<1024xi32, #tpu.memory_space<vmem>>, vector<16xi32>,
    %get3A_1285 = vector.shape_cast %get3A_1284 : vector<16xi32> to vector<16xi32>
    %add3A_1286 = arith.constant 960 : i32
    %add3A_1287 = arith.addi %mul3A_34, %add3A_1286 : i32
    %iota3A_1288 = tpu.iota {dimensions = array<i32: 0>} : vector<16xi32>
    %add3A_1289 = vector.broadcast %add3A_1287 : i32 to vector<16xi32>
    %add3A_1290 = arith.addi %add3A_1289, %iota3A_1288 : vector<16xi32>
    %mul3A_1291 = arith.constant 4096 : i32
    %mul3A_1292 = vector.broadcast %mul3A_1291 : i32 to vector<16xi32>
    %mul3A_1293 = arith.muli %get3A_1285, %mul3A_1292 : vector<16xi32>
    %add3A_1294 = vector.broadcast %mul3A_84 : i32 to vector<16xi32>
    %add3A_1295 = arith.addi %add3A_1294, %mul3A_1293 : vector<16xi32>
    %add3A_1296 = arith.addi %add3A_1295, %add3A_1290 : vector<16xi32>
    %swap3A_1297 = arith.constant 7 : i32
    %swap3A_1298 = arith.index_cast %swap3A_1297 : i32 to index
    %swap3A_1299 = arith.constant 64 : index
    %swap3A_1300 = tpu.vector_load %arg6[%swap3A_1298, %swap3A_1299] {strides = array<i32>} : memref<8x128xi32, #tpu.memory_space<vmem>>, vector<1x16xi32>,
    %swap3A_1301 = vector.shape_cast %swap3A_1300 : vector<1x16xi32> to vector<16xi32>
    %swap3A_1302 = vector.shape_cast %add3A_1296 : vector<16xi32> to vector<1x16xi32>
    tpu.vector_store %arg6[%swap3A_1298, %swap3A_1299], %swap3A_1302 {strides = array<i32>} : memref<8x128xi32, #tpu.memory_space<vmem>>, vector<1x16xi32>,
    %get3A_1303 = arith.constant 976 : index
    %get3A_1304 = tpu.vector_load %arg5[%get3A_1303] {strides = array<i32>} : memref<1024xi32, #tpu.memory_space<vmem>>, vector<16xi32>,
    %get3A_1305 = vector.shape_cast %get3A_1304 : vector<16xi32> to vector<16xi32>
    %add3A_1306 = arith.constant 976 : i32
    %add3A_1307 = arith.addi %mul3A_34, %add3A_1306 : i32
    %iota3A_1308 = tpu.iota {dimensions = array<i32: 0>} : vector<16xi32>
    %add3A_1309 = vector.broadcast %add3A_1307 : i32 to vector<16xi32>
    %add3A_1310 = arith.addi %add3A_1309, %iota3A_1308 : vector<16xi32>
    %mul3A_1311 = arith.constant 4096 : i32
    %mul3A_1312 = vector.broadcast %mul3A_1311 : i32 to vector<16xi32>
    %mul3A_1313 = arith.muli %get3A_1305, %mul3A_1312 : vector<16xi32>
    %add3A_1314 = vector.broadcast %mul3A_84 : i32 to vector<16xi32>
    %add3A_1315 = arith.addi %add3A_1314, %mul3A_1313 : vector<16xi32>
    %add3A_1316 = arith.addi %add3A_1315, %add3A_1310 : vector<16xi32>
    %swap3A_1317 = arith.constant 7 : i32
    %swap3A_1318 = arith.index_cast %swap3A_1317 : i32 to index
    %swap3A_1319 = arith.constant 80 : index
    %swap3A_1320 = tpu.vector_load %arg6[%swap3A_1318, %swap3A_1319] {strides = array<i32>} : memref<8x128xi32, #tpu.memory_space<vmem>>, vector<1x16xi32>,
    %swap3A_1321 = vector.shape_cast %swap3A_1320 : vector<1x16xi32> to vector<16xi32>
    %swap3A_1322 = vector.shape_cast %add3A_1316 : vector<16xi32> to vector<1x16xi32>
    tpu.vector_store %arg6[%swap3A_1318, %swap3A_1319], %swap3A_1322 {strides = array<i32>} : memref<8x128xi32, #tpu.memory_space<vmem>>, vector<1x16xi32>,
    %get3A_1323 = arith.constant 992 : index
    %get3A_1324 = tpu.vector_load %arg5[%get3A_1323] {strides = array<i32>} : memref<1024xi32, #tpu.memory_space<vmem>>, vector<16xi32>,
    %get3A_1325 = vector.shape_cast %get3A_1324 : vector<16xi32> to vector<16xi32>
    %add3A_1326 = arith.constant 992 : i32
    %add3A_1327 = arith.addi %mul3A_34, %add3A_1326 : i32
    %iota3A_1328 = tpu.iota {dimensions = array<i32: 0>} : vector<16xi32>
    %add3A_1329 = vector.broadcast %add3A_1327 : i32 to vector<16xi32>
    %add3A_1330 = arith.addi %add3A_1329, %iota3A_1328 : vector<16xi32>
    %mul3A_1331 = arith.constant 4096 : i32
    %mul3A_1332 = vector.broadcast %mul3A_1331 : i32 to vector<16xi32>
    %mul3A_1333 = arith.muli %get3A_1325, %mul3A_1332 : vector<16xi32>
    %add3A_1334 = vector.broadcast %mul3A_84 : i32 to vector<16xi32>
    %add3A_1335 = arith.addi %add3A_1334, %mul3A_1333 : vector<16xi32>
    %add3A_1336 = arith.addi %add3A_1335, %add3A_1330 : vector<16xi32>
    %swap3A_1337 = arith.constant 7 : i32
    %swap3A_1338 = arith.index_cast %swap3A_1337 : i32 to index
    %swap3A_1339 = arith.constant 96 : index
    %swap3A_1340 = tpu.vector_load %arg6[%swap3A_1338, %swap3A_1339] {strides = array<i32>} : memref<8x128xi32, #tpu.memory_space<vmem>>, vector<1x16xi32>,
    %swap3A_1341 = vector.shape_cast %swap3A_1340 : vector<1x16xi32> to vector<16xi32>
    %swap3A_1342 = vector.shape_cast %add3A_1336 : vector<16xi32> to vector<1x16xi32>
    tpu.vector_store %arg6[%swap3A_1338, %swap3A_1339], %swap3A_1342 {strides = array<i32>} : memref<8x128xi32, #tpu.memory_space<vmem>>, vector<1x16xi32>,
    %get3A_1343 = arith.constant 1008 : index
    %get3A_1344 = tpu.vector_load %arg5[%get3A_1343] {strides = array<i32>} : memref<1024xi32, #tpu.memory_space<vmem>>, vector<16xi32>,
    %get3A_1345 = vector.shape_cast %get3A_1344 : vector<16xi32> to vector<16xi32>
    %add3A_1346 = arith.constant 1008 : i32
    %add3A_1347 = arith.addi %mul3A_34, %add3A_1346 : i32
    %iota3A_1348 = tpu.iota {dimensions = array<i32: 0>} : vector<16xi32>
    %add3A_1349 = vector.broadcast %add3A_1347 : i32 to vector<16xi32>
    %add3A_1350 = arith.addi %add3A_1349, %iota3A_1348 : vector<16xi32>
    %mul3A_1351 = arith.constant 4096 : i32
    %mul3A_1352 = vector.broadcast %mul3A_1351 : i32 to vector<16xi32>
    %mul3A_1353 = arith.muli %get3A_1345, %mul3A_1352 : vector<16xi32>
    %add3A_1354 = vector.broadcast %mul3A_84 : i32 to vector<16xi32>
    %add3A_1355 = arith.addi %add3A_1354, %mul3A_1353 : vector<16xi32>
    %add3A_1356 = arith.addi %add3A_1355, %add3A_1350 : vector<16xi32>
    %swap3A_1357 = arith.constant 7 : i32
    %swap3A_1358 = arith.index_cast %swap3A_1357 : i32 to index
    %swap3A_1359 = arith.constant 112 : index
    %swap3A_1360 = tpu.vector_load %arg6[%swap3A_1358, %swap3A_1359] {strides = array<i32>} : memref<8x128xi32, #tpu.memory_space<vmem>>, vector<1x16xi32>,
    %swap3A_1361 = vector.shape_cast %swap3A_1360 : vector<1x16xi32> to vector<16xi32>
    %swap3A_1362 = vector.shape_cast %add3A_1356 : vector<16xi32> to vector<1x16xi32>
    tpu.vector_store %arg6[%swap3A_1358, %swap3A_1359], %swap3A_1362 {strides = array<i32>} : memref<8x128xi32, #tpu.memory_space<vmem>>, vector<1x16xi32>,
    %dma_start3A = arith.constant 0 : i32
    %dma_start3A_1363 = arith.constant 0 : i32
    %dma_start3A_1364 = tpu.memref_slice %arg6[%dma_start3A, %dma_start3A_1363] : memref<8x128xi32, #tpu.memory_space<vmem>> -> memref<1x128xi32, #tpu.memory_space<vmem>>
    %dma_start3A_1365 = tpu.memref_squeeze %dma_start3A_1364 : memref<1x128xi32, #tpu.memory_space<vmem>> -> memref<128xi32, #tpu.memory_space<vmem>>
    %dma_start3A_1366 = arith.constant 0 : i32
    %dma_start3A_1367 = tpu.memref_slice %arg3[%dma_start3A_1366] : memref<33554432xi32, #tpu.memory_space<hbm>> -> memref<33554432xi32, #tpu.memory_space<hbm>>
    tpu.enqueue_indirect_dma source(%arg7 : memref<128xi32, #tpu.memory_space<vmem>>) target(%dma_start3A_1367 : memref<33554432xi32, #tpu.memory_space<hbm>>) offsets(%dma_start3A_1365 : memref<128xi32, #tpu.memory_space<vmem>>) semaphore(%arg8 : memref<!tpu.dma_semaphore, #tpu.memory_space<semaphore_mem>>)
    %dma_start3A_1368 = arith.constant 1 : i32
    %dma_start3A_1369 = arith.constant 0 : i32
    %dma_start3A_1370 = tpu.memref_slice %arg6[%dma_start3A_1368, %dma_start3A_1369] : memref<8x128xi32, #tpu.memory_space<vmem>> -> memref<1x128xi32, #tpu.memory_space<vmem>>
    %dma_start3A_1371 = tpu.memref_squeeze %dma_start3A_1370 : memref<1x128xi32, #tpu.memory_space<vmem>> -> memref<128xi32, #tpu.memory_space<vmem>>
    %dma_start3A_1372 = arith.constant 0 : i32
    %dma_start3A_1373 = tpu.memref_slice %arg3[%dma_start3A_1372] : memref<33554432xi32, #tpu.memory_space<hbm>> -> memref<33554432xi32, #tpu.memory_space<hbm>>
    tpu.enqueue_indirect_dma source(%arg7 : memref<128xi32, #tpu.memory_space<vmem>>) target(%dma_start3A_1373 : memref<33554432xi32, #tpu.memory_space<hbm>>) offsets(%dma_start3A_1371 : memref<128xi32, #tpu.memory_space<vmem>>) semaphore(%arg8 : memref<!tpu.dma_semaphore, #tpu.memory_space<semaphore_mem>>)
    %dma_start3A_1374 = arith.constant 2 : i32
    %dma_start3A_1375 = arith.constant 0 : i32
    %dma_start3A_1376 = tpu.memref_slice %arg6[%dma_start3A_1374, %dma_start3A_1375] : memref<8x128xi32, #tpu.memory_space<vmem>> -> memref<1x128xi32, #tpu.memory_space<vmem>>
    %dma_start3A_1377 = tpu.memref_squeeze %dma_start3A_1376 : memref<1x128xi32, #tpu.memory_space<vmem>> -> memref<128xi32, #tpu.memory_space<vmem>>
    %dma_start3A_1378 = arith.constant 0 : i32
    %dma_start3A_1379 = tpu.memref_slice %arg3[%dma_start3A_1378] : memref<33554432xi32, #tpu.memory_space<hbm>> -> memref<33554432xi32, #tpu.memory_space<hbm>>
    tpu.enqueue_indirect_dma source(%arg7 : memref<128xi32, #tpu.memory_space<vmem>>) target(%dma_start3A_1379 : memref<33554432xi32, #tpu.memory_space<hbm>>) offsets(%dma_start3A_1377 : memref<128xi32, #tpu.memory_space<vmem>>) semaphore(%arg8 : memref<!tpu.dma_semaphore, #tpu.memory_space<semaphore_mem>>)
    %dma_start3A_1380 = arith.constant 3 : i32
    %dma_start3A_1381 = arith.constant 0 : i32
    %dma_start3A_1382 = tpu.memref_slice %arg6[%dma_start3A_1380, %dma_start3A_1381] : memref<8x128xi32, #tpu.memory_space<vmem>> -> memref<1x128xi32, #tpu.memory_space<vmem>>
    %dma_start3A_1383 = tpu.memref_squeeze %dma_start3A_1382 : memref<1x128xi32, #tpu.memory_space<vmem>> -> memref<128xi32, #tpu.memory_space<vmem>>
    %dma_start3A_1384 = arith.constant 0 : i32
    %dma_start3A_1385 = tpu.memref_slice %arg3[%dma_start3A_1384] : memref<33554432xi32, #tpu.memory_space<hbm>> -> memref<33554432xi32, #tpu.memory_space<hbm>>
    tpu.enqueue_indirect_dma source(%arg7 : memref<128xi32, #tpu.memory_space<vmem>>) target(%dma_start3A_1385 : memref<33554432xi32, #tpu.memory_space<hbm>>) offsets(%dma_start3A_1383 : memref<128xi32, #tpu.memory_space<vmem>>) semaphore(%arg8 : memref<!tpu.dma_semaphore, #tpu.memory_space<semaphore_mem>>)
    %dma_start3A_1386 = arith.constant 4 : i32
    %dma_start3A_1387 = arith.constant 0 : i32
    %dma_start3A_1388 = tpu.memref_slice %arg6[%dma_start3A_1386, %dma_start3A_1387] : memref<8x128xi32, #tpu.memory_space<vmem>> -> memref<1x128xi32, #tpu.memory_space<vmem>>
    %dma_start3A_1389 = tpu.memref_squeeze %dma_start3A_1388 : memref<1x128xi32, #tpu.memory_space<vmem>> -> memref<128xi32, #tpu.memory_space<vmem>>
    %dma_start3A_1390 = arith.constant 0 : i32
    %dma_start3A_1391 = tpu.memref_slice %arg3[%dma_start3A_1390] : memref<33554432xi32, #tpu.memory_space<hbm>> -> memref<33554432xi32, #tpu.memory_space<hbm>>
    tpu.enqueue_indirect_dma source(%arg7 : memref<128xi32, #tpu.memory_space<vmem>>) target(%dma_start3A_1391 : memref<33554432xi32, #tpu.memory_space<hbm>>) offsets(%dma_start3A_1389 : memref<128xi32, #tpu.memory_space<vmem>>) semaphore(%arg8 : memref<!tpu.dma_semaphore, #tpu.memory_space<semaphore_mem>>)
    %dma_start3A_1392 = arith.constant 5 : i32
    %dma_start3A_1393 = arith.constant 0 : i32
    %dma_start3A_1394 = tpu.memref_slice %arg6[%dma_start3A_1392, %dma_start3A_1393] : memref<8x128xi32, #tpu.memory_space<vmem>> -> memref<1x128xi32, #tpu.memory_space<vmem>>
    %dma_start3A_1395 = tpu.memref_squeeze %dma_start3A_1394 : memref<1x128xi32, #tpu.memory_space<vmem>> -> memref<128xi32, #tpu.memory_space<vmem>>
    %dma_start3A_1396 = arith.constant 0 : i32
    %dma_start3A_1397 = tpu.memref_slice %arg3[%dma_start3A_1396] : memref<33554432xi32, #tpu.memory_space<hbm>> -> memref<33554432xi32, #tpu.memory_space<hbm>>
    tpu.enqueue_indirect_dma source(%arg7 : memref<128xi32, #tpu.memory_space<vmem>>) target(%dma_start3A_1397 : memref<33554432xi32, #tpu.memory_space<hbm>>) offsets(%dma_start3A_1395 : memref<128xi32, #tpu.memory_space<vmem>>) semaphore(%arg8 : memref<!tpu.dma_semaphore, #tpu.memory_space<semaphore_mem>>)
    %dma_start3A_1398 = arith.constant 6 : i32
    %dma_start3A_1399 = arith.constant 0 : i32
    %dma_start3A_1400 = tpu.memref_slice %arg6[%dma_start3A_1398, %dma_start3A_1399] : memref<8x128xi32, #tpu.memory_space<vmem>> -> memref<1x128xi32, #tpu.memory_space<vmem>>
    %dma_start3A_1401 = tpu.memref_squeeze %dma_start3A_1400 : memref<1x128xi32, #tpu.memory_space<vmem>> -> memref<128xi32, #tpu.memory_space<vmem>>
    %dma_start3A_1402 = arith.constant 0 : i32
    %dma_start3A_1403 = tpu.memref_slice %arg3[%dma_start3A_1402] : memref<33554432xi32, #tpu.memory_space<hbm>> -> memref<33554432xi32, #tpu.memory_space<hbm>>
    tpu.enqueue_indirect_dma source(%arg7 : memref<128xi32, #tpu.memory_space<vmem>>) target(%dma_start3A_1403 : memref<33554432xi32, #tpu.memory_space<hbm>>) offsets(%dma_start3A_1401 : memref<128xi32, #tpu.memory_space<vmem>>) semaphore(%arg8 : memref<!tpu.dma_semaphore, #tpu.memory_space<semaphore_mem>>)
    %dma_start3A_1404 = arith.constant 7 : i32
    %dma_start3A_1405 = arith.constant 0 : i32
    %dma_start3A_1406 = tpu.memref_slice %arg6[%dma_start3A_1404, %dma_start3A_1405] : memref<8x128xi32, #tpu.memory_space<vmem>> -> memref<1x128xi32, #tpu.memory_space<vmem>>
    %dma_start3A_1407 = tpu.memref_squeeze %dma_start3A_1406 : memref<1x128xi32, #tpu.memory_space<vmem>> -> memref<128xi32, #tpu.memory_space<vmem>>
    %dma_start3A_1408 = arith.constant 0 : i32
    %dma_start3A_1409 = tpu.memref_slice %arg3[%dma_start3A_1408] : memref<33554432xi32, #tpu.memory_space<hbm>> -> memref<33554432xi32, #tpu.memory_space<hbm>>
    tpu.enqueue_indirect_dma source(%arg7 : memref<128xi32, #tpu.memory_space<vmem>>) target(%dma_start3A_1409 : memref<33554432xi32, #tpu.memory_space<hbm>>) offsets(%dma_start3A_1407 : memref<128xi32, #tpu.memory_space<vmem>>) semaphore(%arg8 : memref<!tpu.dma_semaphore, #tpu.memory_space<semaphore_mem>>)
    %dma_wait3A = arith.constant 0 : i32
    %dma_wait3A_1410 = arith.constant 0 : i32
    %dma_wait3A_1411 = tpu.memref_slice %arg6[%dma_wait3A, %dma_wait3A_1410] : memref<8x128xi32, #tpu.memory_space<vmem>> -> memref<1x128xi32, #tpu.memory_space<vmem>>
    %dma_wait3A_1412 = tpu.memref_squeeze %dma_wait3A_1411 : memref<1x128xi32, #tpu.memory_space<vmem>> -> memref<128xi32, #tpu.memory_space<vmem>>
    %dma_wait3A_1413 = arith.constant 0 : i32
    %dma_wait3A_1414 = tpu.memref_slice %arg3[%dma_wait3A_1413] : memref<33554432xi32, #tpu.memory_space<hbm>> -> memref<33554432xi32, #tpu.memory_space<hbm>>
    tpu.wait_indirect_dma semaphore(%arg8 : memref<!tpu.dma_semaphore, #tpu.memory_space<semaphore_mem>>) src(%arg7 : memref<128xi32, #tpu.memory_space<vmem>>) dst(%dma_wait3A_1414 : memref<33554432xi32, #tpu.memory_space<hbm>>)
    %dma_wait3A_1415 = arith.constant 1 : i32
    %dma_wait3A_1416 = arith.constant 0 : i32
    %dma_wait3A_1417 = tpu.memref_slice %arg6[%dma_wait3A_1415, %dma_wait3A_1416] : memref<8x128xi32, #tpu.memory_space<vmem>> -> memref<1x128xi32, #tpu.memory_space<vmem>>
    %dma_wait3A_1418 = tpu.memref_squeeze %dma_wait3A_1417 : memref<1x128xi32, #tpu.memory_space<vmem>> -> memref<128xi32, #tpu.memory_space<vmem>>
    %dma_wait3A_1419 = arith.constant 0 : i32
    %dma_wait3A_1420 = tpu.memref_slice %arg3[%dma_wait3A_1419] : memref<33554432xi32, #tpu.memory_space<hbm>> -> memref<33554432xi32, #tpu.memory_space<hbm>>
    tpu.wait_indirect_dma semaphore(%arg8 : memref<!tpu.dma_semaphore, #tpu.memory_space<semaphore_mem>>) src(%arg7 : memref<128xi32, #tpu.memory_space<vmem>>) dst(%dma_wait3A_1420 : memref<33554432xi32, #tpu.memory_space<hbm>>)
    %dma_wait3A_1421 = arith.constant 2 : i32
    %dma_wait3A_1422 = arith.constant 0 : i32
    %dma_wait3A_1423 = tpu.memref_slice %arg6[%dma_wait3A_1421, %dma_wait3A_1422] : memref<8x128xi32, #tpu.memory_space<vmem>> -> memref<1x128xi32, #tpu.memory_space<vmem>>
    %dma_wait3A_1424 = tpu.memref_squeeze %dma_wait3A_1423 : memref<1x128xi32, #tpu.memory_space<vmem>> -> memref<128xi32, #tpu.memory_space<vmem>>
    %dma_wait3A_1425 = arith.constant 0 : i32
    %dma_wait3A_1426 = tpu.memref_slice %arg3[%dma_wait3A_1425] : memref<33554432xi32, #tpu.memory_space<hbm>> -> memref<33554432xi32, #tpu.memory_space<hbm>>
    tpu.wait_indirect_dma semaphore(%arg8 : memref<!tpu.dma_semaphore, #tpu.memory_space<semaphore_mem>>) src(%arg7 : memref<128xi32, #tpu.memory_space<vmem>>) dst(%dma_wait3A_1426 : memref<33554432xi32, #tpu.memory_space<hbm>>)
    %dma_wait3A_1427 = arith.constant 3 : i32
    %dma_wait3A_1428 = arith.constant 0 : i32
    %dma_wait3A_1429 = tpu.memref_slice %arg6[%dma_wait3A_1427, %dma_wait3A_1428] : memref<8x128xi32, #tpu.memory_space<vmem>> -> memref<1x128xi32, #tpu.memory_space<vmem>>
    %dma_wait3A_1430 = tpu.memref_squeeze %dma_wait3A_1429 : memref<1x128xi32, #tpu.memory_space<vmem>> -> memref<128xi32, #tpu.memory_space<vmem>>
    %dma_wait3A_1431 = arith.constant 0 : i32
    %dma_wait3A_1432 = tpu.memref_slice %arg3[%dma_wait3A_1431] : memref<33554432xi32, #tpu.memory_space<hbm>> -> memref<33554432xi32, #tpu.memory_space<hbm>>
    tpu.wait_indirect_dma semaphore(%arg8 : memref<!tpu.dma_semaphore, #tpu.memory_space<semaphore_mem>>) src(%arg7 : memref<128xi32, #tpu.memory_space<vmem>>) dst(%dma_wait3A_1432 : memref<33554432xi32, #tpu.memory_space<hbm>>)
    %dma_wait3A_1433 = arith.constant 4 : i32
    %dma_wait3A_1434 = arith.constant 0 : i32
    %dma_wait3A_1435 = tpu.memref_slice %arg6[%dma_wait3A_1433, %dma_wait3A_1434] : memref<8x128xi32, #tpu.memory_space<vmem>> -> memref<1x128xi32, #tpu.memory_space<vmem>>
    %dma_wait3A_1436 = tpu.memref_squeeze %dma_wait3A_1435 : memref<1x128xi32, #tpu.memory_space<vmem>> -> memref<128xi32, #tpu.memory_space<vmem>>
    %dma_wait3A_1437 = arith.constant 0 : i32
    %dma_wait3A_1438 = tpu.memref_slice %arg3[%dma_wait3A_1437] : memref<33554432xi32, #tpu.memory_space<hbm>> -> memref<33554432xi32, #tpu.memory_space<hbm>>
    tpu.wait_indirect_dma semaphore(%arg8 : memref<!tpu.dma_semaphore, #tpu.memory_space<semaphore_mem>>) src(%arg7 : memref<128xi32, #tpu.memory_space<vmem>>) dst(%dma_wait3A_1438 : memref<33554432xi32, #tpu.memory_space<hbm>>)
    %dma_wait3A_1439 = arith.constant 5 : i32
    %dma_wait3A_1440 = arith.constant 0 : i32
    %dma_wait3A_1441 = tpu.memref_slice %arg6[%dma_wait3A_1439, %dma_wait3A_1440] : memref<8x128xi32, #tpu.memory_space<vmem>> -> memref<1x128xi32, #tpu.memory_space<vmem>>
    %dma_wait3A_1442 = tpu.memref_squeeze %dma_wait3A_1441 : memref<1x128xi32, #tpu.memory_space<vmem>> -> memref<128xi32, #tpu.memory_space<vmem>>
    %dma_wait3A_1443 = arith.constant 0 : i32
    %dma_wait3A_1444 = tpu.memref_slice %arg3[%dma_wait3A_1443] : memref<33554432xi32, #tpu.memory_space<hbm>> -> memref<33554432xi32, #tpu.memory_space<hbm>>
    tpu.wait_indirect_dma semaphore(%arg8 : memref<!tpu.dma_semaphore, #tpu.memory_space<semaphore_mem>>) src(%arg7 : memref<128xi32, #tpu.memory_space<vmem>>) dst(%dma_wait3A_1444 : memref<33554432xi32, #tpu.memory_space<hbm>>)
    %dma_wait3A_1445 = arith.constant 6 : i32
    %dma_wait3A_1446 = arith.constant 0 : i32
    %dma_wait3A_1447 = tpu.memref_slice %arg6[%dma_wait3A_1445, %dma_wait3A_1446] : memref<8x128xi32, #tpu.memory_space<vmem>> -> memref<1x128xi32, #tpu.memory_space<vmem>>
    %dma_wait3A_1448 = tpu.memref_squeeze %dma_wait3A_1447 : memref<1x128xi32, #tpu.memory_space<vmem>> -> memref<128xi32, #tpu.memory_space<vmem>>
    %dma_wait3A_1449 = arith.constant 0 : i32
    %dma_wait3A_1450 = tpu.memref_slice %arg3[%dma_wait3A_1449] : memref<33554432xi32, #tpu.memory_space<hbm>> -> memref<33554432xi32, #tpu.memory_space<hbm>>
    tpu.wait_indirect_dma semaphore(%arg8 : memref<!tpu.dma_semaphore, #tpu.memory_space<semaphore_mem>>) src(%arg7 : memref<128xi32, #tpu.memory_space<vmem>>) dst(%dma_wait3A_1450 : memref<33554432xi32, #tpu.memory_space<hbm>>)
    %dma_wait3A_1451 = arith.constant 7 : i32
    %dma_wait3A_1452 = arith.constant 0 : i32
    %dma_wait3A_1453 = tpu.memref_slice %arg6[%dma_wait3A_1451, %dma_wait3A_1452] : memref<8x128xi32, #tpu.memory_space<vmem>> -> memref<1x128xi32, #tpu.memory_space<vmem>>
    %dma_wait3A_1454 = tpu.memref_squeeze %dma_wait3A_1453 : memref<1x128xi32, #tpu.memory_space<vmem>> -> memref<128xi32, #tpu.memory_space<vmem>>
    %dma_wait3A_1455 = arith.constant 0 : i32
    %dma_wait3A_1456 = tpu.memref_slice %arg3[%dma_wait3A_1455] : memref<33554432xi32, #tpu.memory_space<hbm>> -> memref<33554432xi32, #tpu.memory_space<hbm>>
    tpu.wait_indirect_dma semaphore(%arg8 : memref<!tpu.dma_semaphore, #tpu.memory_space<semaphore_mem>>) src(%arg7 : memref<128xi32, #tpu.memory_space<vmem>>) dst(%dma_wait3A_1456 : memref<33554432xi32, #tpu.memory_space<hbm>>)
    return
  }
}

#map = affine_map<(d0, d1) -> (0)>
module attributes {stable_mosaic.version = 14 : i64} {
  func.func @_sc_fill(%arg0: i32, %arg1: i32, %arg2: memref<32768xi32, #tpu.memory_space<hbm>>, %arg3: memref<33554432xi32, #tpu.memory_space<hbm>>, %arg4: memref<32768xi32, #tpu.memory_space<vmem>>, %arg5: memref<!tpu.dma_semaphore, #tpu.memory_space<semaphore_mem>>) attributes {dimension_semantics = [#tpu.dimension_semantics<core_parallel>, #tpu.dimension_semantics<subcore_parallel>], iteration_bounds = array<i64: 2, 16>, scalar_prefetch = 0 : i64, scratch_operands = 2 : i64, tpu.core_type = #tpu.core_type<sc_vector_subcore>, window_params = [{transform_indices = #map}, {transform_indices = #map}]} {
    %mul3A = arith.constant 2 : i32
    %mul3A_0 = arith.muli %arg1, %mul3A : i32
    %add3A = arith.addi %mul3A_0, %arg0 : i32
    "tpu.region"() ({
      %run_scoped3A = tpu.sem_alloc : memref<!tpu.dma_semaphore, #tpu.memory_space<semaphore_mem>>
      tpu.enqueue_dma source(%arg2 : memref<32768xi32, #tpu.memory_space<hbm>>) target(%arg4 : memref<32768xi32, #tpu.memory_space<vmem>>) target_semaphore(%run_scoped3A : memref<!tpu.dma_semaphore, #tpu.memory_space<semaphore_mem>>)
      tpu.wait_dma2 semaphore(%run_scoped3A : memref<!tpu.dma_semaphore, #tpu.memory_space<semaphore_mem>>) src(%arg2 : memref<32768xi32, #tpu.memory_space<hbm>>) dst(%arg4 : memref<32768xi32, #tpu.memory_space<vmem>>)
      tpu.yield
    }) : () -> ()
    %mul3A_1 = arith.constant 524288 : i32
    %mul3A_2 = arith.muli %add3A, %mul3A_1 : i32
    %add3A_3 = arith.constant 16777216 : i32
    %add3A_4 = arith.addi %add3A_3, %mul3A_2 : i32
    %add3A_5 = arith.constant 0 : i32
    %add3A_6 = arith.addi %add3A_4, %add3A_5 : i32
    %dma_start3A = tpu.memref_slice %arg3[%add3A_6] : memref<33554432xi32, #tpu.memory_space<hbm>> -> memref<32768xi32, #tpu.memory_space<hbm>>
    %dma_start3A_7 = tpu.memref_slice %arg3[%add3A_6] : memref<33554432xi32, #tpu.memory_space<hbm>> -> memref<32768xi32, #tpu.memory_space<hbm>>
    tpu.enqueue_dma source(%arg4 : memref<32768xi32, #tpu.memory_space<vmem>>) target(%dma_start3A_7 : memref<32768xi32, #tpu.memory_space<hbm>>) target_semaphore(%arg5 : memref<!tpu.dma_semaphore, #tpu.memory_space<semaphore_mem>>)
    %add3A_8 = arith.constant 32768 : i32
    %add3A_9 = arith.addi %add3A_4, %add3A_8 : i32
    %dma_start3A_10 = tpu.memref_slice %arg3[%add3A_9] : memref<33554432xi32, #tpu.memory_space<hbm>> -> memref<32768xi32, #tpu.memory_space<hbm>>
    %dma_start3A_11 = tpu.memref_slice %arg3[%add3A_9] : memref<33554432xi32, #tpu.memory_space<hbm>> -> memref<32768xi32, #tpu.memory_space<hbm>>
    tpu.enqueue_dma source(%arg4 : memref<32768xi32, #tpu.memory_space<vmem>>) target(%dma_start3A_11 : memref<32768xi32, #tpu.memory_space<hbm>>) target_semaphore(%arg5 : memref<!tpu.dma_semaphore, #tpu.memory_space<semaphore_mem>>)
    %add3A_12 = arith.constant 65536 : i32
    %add3A_13 = arith.addi %add3A_4, %add3A_12 : i32
    %dma_start3A_14 = tpu.memref_slice %arg3[%add3A_13] : memref<33554432xi32, #tpu.memory_space<hbm>> -> memref<32768xi32, #tpu.memory_space<hbm>>
    %dma_start3A_15 = tpu.memref_slice %arg3[%add3A_13] : memref<33554432xi32, #tpu.memory_space<hbm>> -> memref<32768xi32, #tpu.memory_space<hbm>>
    tpu.enqueue_dma source(%arg4 : memref<32768xi32, #tpu.memory_space<vmem>>) target(%dma_start3A_15 : memref<32768xi32, #tpu.memory_space<hbm>>) target_semaphore(%arg5 : memref<!tpu.dma_semaphore, #tpu.memory_space<semaphore_mem>>)
    %add3A_16 = arith.constant 98304 : i32
    %add3A_17 = arith.addi %add3A_4, %add3A_16 : i32
    %dma_start3A_18 = tpu.memref_slice %arg3[%add3A_17] : memref<33554432xi32, #tpu.memory_space<hbm>> -> memref<32768xi32, #tpu.memory_space<hbm>>
    %dma_start3A_19 = tpu.memref_slice %arg3[%add3A_17] : memref<33554432xi32, #tpu.memory_space<hbm>> -> memref<32768xi32, #tpu.memory_space<hbm>>
    tpu.enqueue_dma source(%arg4 : memref<32768xi32, #tpu.memory_space<vmem>>) target(%dma_start3A_19 : memref<32768xi32, #tpu.memory_space<hbm>>) target_semaphore(%arg5 : memref<!tpu.dma_semaphore, #tpu.memory_space<semaphore_mem>>)
    %add3A_20 = arith.constant 131072 : i32
    %add3A_21 = arith.addi %add3A_4, %add3A_20 : i32
    %dma_start3A_22 = tpu.memref_slice %arg3[%add3A_21] : memref<33554432xi32, #tpu.memory_space<hbm>> -> memref<32768xi32, #tpu.memory_space<hbm>>
    %dma_start3A_23 = tpu.memref_slice %arg3[%add3A_21] : memref<33554432xi32, #tpu.memory_space<hbm>> -> memref<32768xi32, #tpu.memory_space<hbm>>
    tpu.enqueue_dma source(%arg4 : memref<32768xi32, #tpu.memory_space<vmem>>) target(%dma_start3A_23 : memref<32768xi32, #tpu.memory_space<hbm>>) target_semaphore(%arg5 : memref<!tpu.dma_semaphore, #tpu.memory_space<semaphore_mem>>)
    %add3A_24 = arith.constant 163840 : i32
    %add3A_25 = arith.addi %add3A_4, %add3A_24 : i32
    %dma_start3A_26 = tpu.memref_slice %arg3[%add3A_25] : memref<33554432xi32, #tpu.memory_space<hbm>> -> memref<32768xi32, #tpu.memory_space<hbm>>
    %dma_start3A_27 = tpu.memref_slice %arg3[%add3A_25] : memref<33554432xi32, #tpu.memory_space<hbm>> -> memref<32768xi32, #tpu.memory_space<hbm>>
    tpu.enqueue_dma source(%arg4 : memref<32768xi32, #tpu.memory_space<vmem>>) target(%dma_start3A_27 : memref<32768xi32, #tpu.memory_space<hbm>>) target_semaphore(%arg5 : memref<!tpu.dma_semaphore, #tpu.memory_space<semaphore_mem>>)
    %add3A_28 = arith.constant 196608 : i32
    %add3A_29 = arith.addi %add3A_4, %add3A_28 : i32
    %dma_start3A_30 = tpu.memref_slice %arg3[%add3A_29] : memref<33554432xi32, #tpu.memory_space<hbm>> -> memref<32768xi32, #tpu.memory_space<hbm>>
    %dma_start3A_31 = tpu.memref_slice %arg3[%add3A_29] : memref<33554432xi32, #tpu.memory_space<hbm>> -> memref<32768xi32, #tpu.memory_space<hbm>>
    tpu.enqueue_dma source(%arg4 : memref<32768xi32, #tpu.memory_space<vmem>>) target(%dma_start3A_31 : memref<32768xi32, #tpu.memory_space<hbm>>) target_semaphore(%arg5 : memref<!tpu.dma_semaphore, #tpu.memory_space<semaphore_mem>>)
    %add3A_32 = arith.constant 229376 : i32
    %add3A_33 = arith.addi %add3A_4, %add3A_32 : i32
    %dma_start3A_34 = tpu.memref_slice %arg3[%add3A_33] : memref<33554432xi32, #tpu.memory_space<hbm>> -> memref<32768xi32, #tpu.memory_space<hbm>>
    %dma_start3A_35 = tpu.memref_slice %arg3[%add3A_33] : memref<33554432xi32, #tpu.memory_space<hbm>> -> memref<32768xi32, #tpu.memory_space<hbm>>
    tpu.enqueue_dma source(%arg4 : memref<32768xi32, #tpu.memory_space<vmem>>) target(%dma_start3A_35 : memref<32768xi32, #tpu.memory_space<hbm>>) target_semaphore(%arg5 : memref<!tpu.dma_semaphore, #tpu.memory_space<semaphore_mem>>)
    %add3A_36 = arith.constant 262144 : i32
    %add3A_37 = arith.addi %add3A_4, %add3A_36 : i32
    %dma_start3A_38 = tpu.memref_slice %arg3[%add3A_37] : memref<33554432xi32, #tpu.memory_space<hbm>> -> memref<32768xi32, #tpu.memory_space<hbm>>
    %dma_start3A_39 = tpu.memref_slice %arg3[%add3A_37] : memref<33554432xi32, #tpu.memory_space<hbm>> -> memref<32768xi32, #tpu.memory_space<hbm>>
    tpu.enqueue_dma source(%arg4 : memref<32768xi32, #tpu.memory_space<vmem>>) target(%dma_start3A_39 : memref<32768xi32, #tpu.memory_space<hbm>>) target_semaphore(%arg5 : memref<!tpu.dma_semaphore, #tpu.memory_space<semaphore_mem>>)
    %add3A_40 = arith.constant 294912 : i32
    %add3A_41 = arith.addi %add3A_4, %add3A_40 : i32
    %dma_start3A_42 = tpu.memref_slice %arg3[%add3A_41] : memref<33554432xi32, #tpu.memory_space<hbm>> -> memref<32768xi32, #tpu.memory_space<hbm>>
    %dma_start3A_43 = tpu.memref_slice %arg3[%add3A_41] : memref<33554432xi32, #tpu.memory_space<hbm>> -> memref<32768xi32, #tpu.memory_space<hbm>>
    tpu.enqueue_dma source(%arg4 : memref<32768xi32, #tpu.memory_space<vmem>>) target(%dma_start3A_43 : memref<32768xi32, #tpu.memory_space<hbm>>) target_semaphore(%arg5 : memref<!tpu.dma_semaphore, #tpu.memory_space<semaphore_mem>>)
    %add3A_44 = arith.constant 327680 : i32
    %add3A_45 = arith.addi %add3A_4, %add3A_44 : i32
    %dma_start3A_46 = tpu.memref_slice %arg3[%add3A_45] : memref<33554432xi32, #tpu.memory_space<hbm>> -> memref<32768xi32, #tpu.memory_space<hbm>>
    %dma_start3A_47 = tpu.memref_slice %arg3[%add3A_45] : memref<33554432xi32, #tpu.memory_space<hbm>> -> memref<32768xi32, #tpu.memory_space<hbm>>
    tpu.enqueue_dma source(%arg4 : memref<32768xi32, #tpu.memory_space<vmem>>) target(%dma_start3A_47 : memref<32768xi32, #tpu.memory_space<hbm>>) target_semaphore(%arg5 : memref<!tpu.dma_semaphore, #tpu.memory_space<semaphore_mem>>)
    %add3A_48 = arith.constant 360448 : i32
    %add3A_49 = arith.addi %add3A_4, %add3A_48 : i32
    %dma_start3A_50 = tpu.memref_slice %arg3[%add3A_49] : memref<33554432xi32, #tpu.memory_space<hbm>> -> memref<32768xi32, #tpu.memory_space<hbm>>
    %dma_start3A_51 = tpu.memref_slice %arg3[%add3A_49] : memref<33554432xi32, #tpu.memory_space<hbm>> -> memref<32768xi32, #tpu.memory_space<hbm>>
    tpu.enqueue_dma source(%arg4 : memref<32768xi32, #tpu.memory_space<vmem>>) target(%dma_start3A_51 : memref<32768xi32, #tpu.memory_space<hbm>>) target_semaphore(%arg5 : memref<!tpu.dma_semaphore, #tpu.memory_space<semaphore_mem>>)
    %add3A_52 = arith.constant 393216 : i32
    %add3A_53 = arith.addi %add3A_4, %add3A_52 : i32
    %dma_start3A_54 = tpu.memref_slice %arg3[%add3A_53] : memref<33554432xi32, #tpu.memory_space<hbm>> -> memref<32768xi32, #tpu.memory_space<hbm>>
    %dma_start3A_55 = tpu.memref_slice %arg3[%add3A_53] : memref<33554432xi32, #tpu.memory_space<hbm>> -> memref<32768xi32, #tpu.memory_space<hbm>>
    tpu.enqueue_dma source(%arg4 : memref<32768xi32, #tpu.memory_space<vmem>>) target(%dma_start3A_55 : memref<32768xi32, #tpu.memory_space<hbm>>) target_semaphore(%arg5 : memref<!tpu.dma_semaphore, #tpu.memory_space<semaphore_mem>>)
    %add3A_56 = arith.constant 425984 : i32
    %add3A_57 = arith.addi %add3A_4, %add3A_56 : i32
    %dma_start3A_58 = tpu.memref_slice %arg3[%add3A_57] : memref<33554432xi32, #tpu.memory_space<hbm>> -> memref<32768xi32, #tpu.memory_space<hbm>>
    %dma_start3A_59 = tpu.memref_slice %arg3[%add3A_57] : memref<33554432xi32, #tpu.memory_space<hbm>> -> memref<32768xi32, #tpu.memory_space<hbm>>
    tpu.enqueue_dma source(%arg4 : memref<32768xi32, #tpu.memory_space<vmem>>) target(%dma_start3A_59 : memref<32768xi32, #tpu.memory_space<hbm>>) target_semaphore(%arg5 : memref<!tpu.dma_semaphore, #tpu.memory_space<semaphore_mem>>)
    %add3A_60 = arith.constant 458752 : i32
    %add3A_61 = arith.addi %add3A_4, %add3A_60 : i32
    %dma_start3A_62 = tpu.memref_slice %arg3[%add3A_61] : memref<33554432xi32, #tpu.memory_space<hbm>> -> memref<32768xi32, #tpu.memory_space<hbm>>
    %dma_start3A_63 = tpu.memref_slice %arg3[%add3A_61] : memref<33554432xi32, #tpu.memory_space<hbm>> -> memref<32768xi32, #tpu.memory_space<hbm>>
    tpu.enqueue_dma source(%arg4 : memref<32768xi32, #tpu.memory_space<vmem>>) target(%dma_start3A_63 : memref<32768xi32, #tpu.memory_space<hbm>>) target_semaphore(%arg5 : memref<!tpu.dma_semaphore, #tpu.memory_space<semaphore_mem>>)
    %add3A_64 = arith.constant 491520 : i32
    %add3A_65 = arith.addi %add3A_4, %add3A_64 : i32
    %dma_start3A_66 = tpu.memref_slice %arg3[%add3A_65] : memref<33554432xi32, #tpu.memory_space<hbm>> -> memref<32768xi32, #tpu.memory_space<hbm>>
    %dma_start3A_67 = tpu.memref_slice %arg3[%add3A_65] : memref<33554432xi32, #tpu.memory_space<hbm>> -> memref<32768xi32, #tpu.memory_space<hbm>>
    tpu.enqueue_dma source(%arg4 : memref<32768xi32, #tpu.memory_space<vmem>>) target(%dma_start3A_67 : memref<32768xi32, #tpu.memory_space<hbm>>) target_semaphore(%arg5 : memref<!tpu.dma_semaphore, #tpu.memory_space<semaphore_mem>>)
    %dma_wait3A = tpu.memref_slice %arg3[%add3A_6] : memref<33554432xi32, #tpu.memory_space<hbm>> -> memref<32768xi32, #tpu.memory_space<hbm>>
    %dma_wait3A_68 = tpu.memref_slice %arg3[%add3A_6] : memref<33554432xi32, #tpu.memory_space<hbm>> -> memref<32768xi32, #tpu.memory_space<hbm>>
    tpu.wait_dma2 semaphore(%arg5 : memref<!tpu.dma_semaphore, #tpu.memory_space<semaphore_mem>>) src(%arg4 : memref<32768xi32, #tpu.memory_space<vmem>>) dst(%dma_wait3A_68 : memref<32768xi32, #tpu.memory_space<hbm>>)
    %dma_wait3A_69 = tpu.memref_slice %arg3[%add3A_9] : memref<33554432xi32, #tpu.memory_space<hbm>> -> memref<32768xi32, #tpu.memory_space<hbm>>
    %dma_wait3A_70 = tpu.memref_slice %arg3[%add3A_9] : memref<33554432xi32, #tpu.memory_space<hbm>> -> memref<32768xi32, #tpu.memory_space<hbm>>
    tpu.wait_dma2 semaphore(%arg5 : memref<!tpu.dma_semaphore, #tpu.memory_space<semaphore_mem>>) src(%arg4 : memref<32768xi32, #tpu.memory_space<vmem>>) dst(%dma_wait3A_70 : memref<32768xi32, #tpu.memory_space<hbm>>)
    %dma_wait3A_71 = tpu.memref_slice %arg3[%add3A_13] : memref<33554432xi32, #tpu.memory_space<hbm>> -> memref<32768xi32, #tpu.memory_space<hbm>>
    %dma_wait3A_72 = tpu.memref_slice %arg3[%add3A_13] : memref<33554432xi32, #tpu.memory_space<hbm>> -> memref<32768xi32, #tpu.memory_space<hbm>>
    tpu.wait_dma2 semaphore(%arg5 : memref<!tpu.dma_semaphore, #tpu.memory_space<semaphore_mem>>) src(%arg4 : memref<32768xi32, #tpu.memory_space<vmem>>) dst(%dma_wait3A_72 : memref<32768xi32, #tpu.memory_space<hbm>>)
    %dma_wait3A_73 = tpu.memref_slice %arg3[%add3A_17] : memref<33554432xi32, #tpu.memory_space<hbm>> -> memref<32768xi32, #tpu.memory_space<hbm>>
    %dma_wait3A_74 = tpu.memref_slice %arg3[%add3A_17] : memref<33554432xi32, #tpu.memory_space<hbm>> -> memref<32768xi32, #tpu.memory_space<hbm>>
    tpu.wait_dma2 semaphore(%arg5 : memref<!tpu.dma_semaphore, #tpu.memory_space<semaphore_mem>>) src(%arg4 : memref<32768xi32, #tpu.memory_space<vmem>>) dst(%dma_wait3A_74 : memref<32768xi32, #tpu.memory_space<hbm>>)
    %dma_wait3A_75 = tpu.memref_slice %arg3[%add3A_21] : memref<33554432xi32, #tpu.memory_space<hbm>> -> memref<32768xi32, #tpu.memory_space<hbm>>
    %dma_wait3A_76 = tpu.memref_slice %arg3[%add3A_21] : memref<33554432xi32, #tpu.memory_space<hbm>> -> memref<32768xi32, #tpu.memory_space<hbm>>
    tpu.wait_dma2 semaphore(%arg5 : memref<!tpu.dma_semaphore, #tpu.memory_space<semaphore_mem>>) src(%arg4 : memref<32768xi32, #tpu.memory_space<vmem>>) dst(%dma_wait3A_76 : memref<32768xi32, #tpu.memory_space<hbm>>)
    %dma_wait3A_77 = tpu.memref_slice %arg3[%add3A_25] : memref<33554432xi32, #tpu.memory_space<hbm>> -> memref<32768xi32, #tpu.memory_space<hbm>>
    %dma_wait3A_78 = tpu.memref_slice %arg3[%add3A_25] : memref<33554432xi32, #tpu.memory_space<hbm>> -> memref<32768xi32, #tpu.memory_space<hbm>>
    tpu.wait_dma2 semaphore(%arg5 : memref<!tpu.dma_semaphore, #tpu.memory_space<semaphore_mem>>) src(%arg4 : memref<32768xi32, #tpu.memory_space<vmem>>) dst(%dma_wait3A_78 : memref<32768xi32, #tpu.memory_space<hbm>>)
    %dma_wait3A_79 = tpu.memref_slice %arg3[%add3A_29] : memref<33554432xi32, #tpu.memory_space<hbm>> -> memref<32768xi32, #tpu.memory_space<hbm>>
    %dma_wait3A_80 = tpu.memref_slice %arg3[%add3A_29] : memref<33554432xi32, #tpu.memory_space<hbm>> -> memref<32768xi32, #tpu.memory_space<hbm>>
    tpu.wait_dma2 semaphore(%arg5 : memref<!tpu.dma_semaphore, #tpu.memory_space<semaphore_mem>>) src(%arg4 : memref<32768xi32, #tpu.memory_space<vmem>>) dst(%dma_wait3A_80 : memref<32768xi32, #tpu.memory_space<hbm>>)
    %dma_wait3A_81 = tpu.memref_slice %arg3[%add3A_33] : memref<33554432xi32, #tpu.memory_space<hbm>> -> memref<32768xi32, #tpu.memory_space<hbm>>
    %dma_wait3A_82 = tpu.memref_slice %arg3[%add3A_33] : memref<33554432xi32, #tpu.memory_space<hbm>> -> memref<32768xi32, #tpu.memory_space<hbm>>
    tpu.wait_dma2 semaphore(%arg5 : memref<!tpu.dma_semaphore, #tpu.memory_space<semaphore_mem>>) src(%arg4 : memref<32768xi32, #tpu.memory_space<vmem>>) dst(%dma_wait3A_82 : memref<32768xi32, #tpu.memory_space<hbm>>)
    %dma_wait3A_83 = tpu.memref_slice %arg3[%add3A_37] : memref<33554432xi32, #tpu.memory_space<hbm>> -> memref<32768xi32, #tpu.memory_space<hbm>>
    %dma_wait3A_84 = tpu.memref_slice %arg3[%add3A_37] : memref<33554432xi32, #tpu.memory_space<hbm>> -> memref<32768xi32, #tpu.memory_space<hbm>>
    tpu.wait_dma2 semaphore(%arg5 : memref<!tpu.dma_semaphore, #tpu.memory_space<semaphore_mem>>) src(%arg4 : memref<32768xi32, #tpu.memory_space<vmem>>) dst(%dma_wait3A_84 : memref<32768xi32, #tpu.memory_space<hbm>>)
    %dma_wait3A_85 = tpu.memref_slice %arg3[%add3A_41] : memref<33554432xi32, #tpu.memory_space<hbm>> -> memref<32768xi32, #tpu.memory_space<hbm>>
    %dma_wait3A_86 = tpu.memref_slice %arg3[%add3A_41] : memref<33554432xi32, #tpu.memory_space<hbm>> -> memref<32768xi32, #tpu.memory_space<hbm>>
    tpu.wait_dma2 semaphore(%arg5 : memref<!tpu.dma_semaphore, #tpu.memory_space<semaphore_mem>>) src(%arg4 : memref<32768xi32, #tpu.memory_space<vmem>>) dst(%dma_wait3A_86 : memref<32768xi32, #tpu.memory_space<hbm>>)
    %dma_wait3A_87 = tpu.memref_slice %arg3[%add3A_45] : memref<33554432xi32, #tpu.memory_space<hbm>> -> memref<32768xi32, #tpu.memory_space<hbm>>
    %dma_wait3A_88 = tpu.memref_slice %arg3[%add3A_45] : memref<33554432xi32, #tpu.memory_space<hbm>> -> memref<32768xi32, #tpu.memory_space<hbm>>
    tpu.wait_dma2 semaphore(%arg5 : memref<!tpu.dma_semaphore, #tpu.memory_space<semaphore_mem>>) src(%arg4 : memref<32768xi32, #tpu.memory_space<vmem>>) dst(%dma_wait3A_88 : memref<32768xi32, #tpu.memory_space<hbm>>)
    %dma_wait3A_89 = tpu.memref_slice %arg3[%add3A_49] : memref<33554432xi32, #tpu.memory_space<hbm>> -> memref<32768xi32, #tpu.memory_space<hbm>>
    %dma_wait3A_90 = tpu.memref_slice %arg3[%add3A_49] : memref<33554432xi32, #tpu.memory_space<hbm>> -> memref<32768xi32, #tpu.memory_space<hbm>>
    tpu.wait_dma2 semaphore(%arg5 : memref<!tpu.dma_semaphore, #tpu.memory_space<semaphore_mem>>) src(%arg4 : memref<32768xi32, #tpu.memory_space<vmem>>) dst(%dma_wait3A_90 : memref<32768xi32, #tpu.memory_space<hbm>>)
    %dma_wait3A_91 = tpu.memref_slice %arg3[%add3A_53] : memref<33554432xi32, #tpu.memory_space<hbm>> -> memref<32768xi32, #tpu.memory_space<hbm>>
    %dma_wait3A_92 = tpu.memref_slice %arg3[%add3A_53] : memref<33554432xi32, #tpu.memory_space<hbm>> -> memref<32768xi32, #tpu.memory_space<hbm>>
    tpu.wait_dma2 semaphore(%arg5 : memref<!tpu.dma_semaphore, #tpu.memory_space<semaphore_mem>>) src(%arg4 : memref<32768xi32, #tpu.memory_space<vmem>>) dst(%dma_wait3A_92 : memref<32768xi32, #tpu.memory_space<hbm>>)
    %dma_wait3A_93 = tpu.memref_slice %arg3[%add3A_57] : memref<33554432xi32, #tpu.memory_space<hbm>> -> memref<32768xi32, #tpu.memory_space<hbm>>
    %dma_wait3A_94 = tpu.memref_slice %arg3[%add3A_57] : memref<33554432xi32, #tpu.memory_space<hbm>> -> memref<32768xi32, #tpu.memory_space<hbm>>
    tpu.wait_dma2 semaphore(%arg5 : memref<!tpu.dma_semaphore, #tpu.memory_space<semaphore_mem>>) src(%arg4 : memref<32768xi32, #tpu.memory_space<vmem>>) dst(%dma_wait3A_94 : memref<32768xi32, #tpu.memory_space<hbm>>)
    %dma_wait3A_95 = tpu.memref_slice %arg3[%add3A_61] : memref<33554432xi32, #tpu.memory_space<hbm>> -> memref<32768xi32, #tpu.memory_space<hbm>>
    %dma_wait3A_96 = tpu.memref_slice %arg3[%add3A_61] : memref<33554432xi32, #tpu.memory_space<hbm>> -> memref<32768xi32, #tpu.memory_space<hbm>>
    tpu.wait_dma2 semaphore(%arg5 : memref<!tpu.dma_semaphore, #tpu.memory_space<semaphore_mem>>) src(%arg4 : memref<32768xi32, #tpu.memory_space<vmem>>) dst(%dma_wait3A_96 : memref<32768xi32, #tpu.memory_space<hbm>>)
    %dma_wait3A_97 = tpu.memref_slice %arg3[%add3A_65] : memref<33554432xi32, #tpu.memory_space<hbm>> -> memref<32768xi32, #tpu.memory_space<hbm>>
    %dma_wait3A_98 = tpu.memref_slice %arg3[%add3A_65] : memref<33554432xi32, #tpu.memory_space<hbm>> -> memref<32768xi32, #tpu.memory_space<hbm>>
    tpu.wait_dma2 semaphore(%arg5 : memref<!tpu.dma_semaphore, #tpu.memory_space<semaphore_mem>>) src(%arg4 : memref<32768xi32, #tpu.memory_space<vmem>>) dst(%dma_wait3A_98 : memref<32768xi32, #tpu.memory_space<hbm>>)
    return
  }
}

module attributes {stable_mosaic.version = 14 : i64} {
  func.func @_vq_block(%arg0: i32, %arg1: memref<1x32x4096xf32, #tpu.memory_space<vmem>>, %arg2: memref<512x32xf32, #tpu.memory_space<vmem>>, %arg3: memref<1x1x4096xf32, #tpu.memory_space<vmem>>, %arg4: memref<1x512xf32, #tpu.memory_space<vmem>>, %arg5: memref<16x512x4096xi32, #tpu.memory_space<any>>, %arg6: memref<1x32x4096xf32, #tpu.memory_space<vmem>>, %arg7: memref<1x1xf32, #tpu.memory_space<smem>>, %arg8: memref<1x1x4096xi32, #tpu.memory_space<vmem>>, %arg9: memref<1x512x4096xi32, #tpu.memory_space<vmem>>) attributes {dimension_semantics = [#tpu.dimension_semantics<arbitrary>], iteration_bounds = array<i64: 16>, scalar_prefetch = 0 : i64, scratch_operands = 0 : i64, tpu.core_type = #tpu.core_type<tc>, window_params = [{transform_indices = @transform_0, window_bounds = array<i64: 1, 32, 4096>}, {pipeline_mode = #tpu.pipeline_mode<synchronous>, transform_indices = @transform_1, window_bounds = array<i64: 512, 32>}, {transform_indices = @transform_2, window_bounds = array<i64: 1, 1, 4096>}, {pipeline_mode = #tpu.pipeline_mode<synchronous>, transform_indices = @transform_3, window_bounds = array<i64: 1, 512>}, {}, {transform_indices = @transform_5, window_bounds = array<i64: 1, 32, 4096>}, {transform_indices = @transform_6, window_bounds = array<i64: 1, 1>}, {transform_indices = @transform_7, window_bounds = array<i64: 1, 1, 4096>}, {transform_indices = @transform_8, window_bounds = array<i64: 1, 512, 4096>}]} {
    %get3A = arith.constant 0 : index
    %get3A_0 = arith.constant 0 : index
    %get3A_1 = arith.constant 0 : index
    %get3A_2 = vector.load %arg1[%get3A, %get3A_0, %get3A_1] : memref<1x32x4096xf32, #tpu.memory_space<vmem>>, vector<1x32x4096xf32>
    %get3A_3 = vector.shape_cast %get3A_2 : vector<1x32x4096xf32> to vector<32x4096xf32>
    %get3A_4 = arith.constant 0 : index
    %get3A_5 = arith.constant 0 : index
    %get3A_6 = vector.load %arg2[%get3A_4, %get3A_5] : memref<512x32xf32, #tpu.memory_space<vmem>>, vector<512x32xf32>
    %transpose3A = tpu.transpose %get3A_3, [1, 0] : vector<32x4096xf32> -> vector<4096x32xf32>
    %mul3A = arith.constant -2.000000e+00 : f32
    %mul3A_7 = vector.broadcast %mul3A : f32 to vector<512x32xf32>
    %mul3A_8 = arith.mulf %get3A_6, %mul3A_7 : vector<512x32xf32>
    %dot_general3A = arith.constant dense<0.000000e+00> : vector<4096x512xf32>
    %dot_general3A_9 = tpu.matmul %transpose3A, %mul3A_8, %dot_general3A {dimension_numbers = #tpu.dot_dimension_numbers<[1], [1], [0], [0], [0, 0, 1, 0], [], []>, transpose_lhs_hint = false} : vector<4096x32xf32>, vector<512x32xf32>, vector<4096x512xf32> -> vector<4096x512xf32>
    %get3A_10 = arith.constant 0 : index
    %get3A_11 = arith.constant 0 : index
    %get3A_12 = arith.constant 0 : index
    %get3A_13 = vector.load %arg3[%get3A_10, %get3A_11, %get3A_12] : memref<1x1x4096xf32, #tpu.memory_space<vmem>>, vector<1x1x4096xf32>
    %get3A_14 = vector.shape_cast %get3A_13 : vector<1x1x4096xf32> to vector<1x4096xf32>
    %transpose3A_15 = tpu.transpose %get3A_14, [1, 0] : vector<1x4096xf32> -> vector<4096x1xf32>
    %get3A_16 = arith.constant 0 : index
    %get3A_17 = arith.constant 0 : index
    %get3A_18 = vector.load %arg4[%get3A_16, %get3A_17] : memref<1x512xf32, #tpu.memory_space<vmem>>, vector<1x512xf32>
    %add3A = vector.broadcast %transpose3A_15 : vector<4096x1xf32> to vector<4096x512xf32>
    %add3A_19 = vector.broadcast %get3A_18 : vector<1x512xf32> to vector<4096x512xf32>
    %add3A_20 = arith.addf %add3A, %add3A_19 : vector<4096x512xf32>
    %add3A_21 = arith.addf %add3A_20, %dot_general3A_9 : vector<4096x512xf32>
    %argmin3A = tpu.reduce_index %add3A_21 {axis = 1 : i32, kind = #tpu.reduction_kind<arg_min>} : vector<4096x512xf32> -> vector<4096xi32>
    %broadcast_in_dim3A = vector.shape_cast %argmin3A : vector<4096xi32> to vector<1x4096xi32>
    %swap3A = arith.constant 0 : index
    %swap3A_22 = arith.constant 0 : index
    %swap3A_23 = arith.constant 0 : index
    %swap3A_24 = vector.load %arg8[%swap3A, %swap3A_22, %swap3A_23] : memref<1x1x4096xi32, #tpu.memory_space<vmem>>, vector<1x1x4096xi32>
    %swap3A_25 = vector.shape_cast %swap3A_24 : vector<1x1x4096xi32> to vector<1x4096xi32>
    %swap3A_26 = vector.shape_cast %broadcast_in_dim3A : vector<1x4096xi32> to vector<1x1x4096xi32>
    tpu.vector_store %arg8[%swap3A, %swap3A_22, %swap3A_23], %swap3A_26 {strides = array<i32>} : memref<1x1x4096xi32, #tpu.memory_space<vmem>>, vector<1x1x4096xi32>,
    %iota3A = tpu.iota {dimensions = array<i32: 0>} : vector<512x4096xi32>
    %broadcast_in_dim3A_27 = vector.shape_cast %argmin3A : vector<4096xi32> to vector<1x4096xi32>
    %eq3A = vector.broadcast %broadcast_in_dim3A_27 : vector<1x4096xi32> to vector<512x4096xi32>
    %eq3A_28 = arith.cmpi eq, %iota3A, %eq3A : vector<512x4096xi32>
    %lt3A = arith.constant 8 : i32
    %lt3A_29 = arith.cmpi slt, %arg0, %lt3A : i32
    %convert_element_type3A = arith.extui %lt3A_29 : i1 to i32
    %cond3A = arith.constant 0 : i32
    %cond3A_30 = arith.cmpi ne, %convert_element_type3A, %cond3A : i32
    scf.if %cond3A_30 {
      %convert_element_type3A_59 = arith.extui %eq3A_28 : vector<512x4096xi1> to vector<512x4096xi32>
      %swap3A_60 = arith.constant 0 : index
      %swap3A_61 = arith.constant 0 : index
      %swap3A_62 = arith.constant 0 : index
      %swap3A_63 = vector.load %arg9[%swap3A_60, %swap3A_61, %swap3A_62] : memref<1x512x4096xi32, #tpu.memory_space<vmem>>, vector<1x512x4096xi32>
      %swap3A_64 = vector.shape_cast %swap3A_63 : vector<1x512x4096xi32> to vector<512x4096xi32>
      %swap3A_65 = vector.shape_cast %convert_element_type3A_59 : vector<512x4096xi32> to vector<1x512x4096xi32>
      tpu.vector_store %arg9[%swap3A_60, %swap3A_61, %swap3A_62], %swap3A_65 {strides = array<i32>} : memref<1x512x4096xi32, #tpu.memory_space<vmem>>, vector<1x512x4096xi32>,
    } else {
    }
    %convert_element_type3A_31 = arith.extui %eq3A_28 : vector<512x4096xi1> to vector<512x4096xi32>
    %convert_element_type3A_32 = arith.sitofp %convert_element_type3A_31 : vector<512x4096xi32> to vector<512x4096xf32>
    %dot_general3A_33 = arith.constant dense<0.000000e+00> : vector<32x4096xf32>
    %dot_general3A_34 = tpu.matmul %get3A_6, %convert_element_type3A_32, %dot_general3A_33 {dimension_numbers = #tpu.dot_dimension_numbers<[0], [0], [1], [1], [0, 1, 1, 1], [], []>, transpose_lhs_hint = false} : vector<512x32xf32>, vector<512x4096xf32>, vector<32x4096xf32> -> vector<32x4096xf32>
    %swap3A_35 = arith.constant 0 : index
    %swap3A_36 = arith.constant 0 : index
    %swap3A_37 = arith.constant 0 : index
    %swap3A_38 = vector.load %arg6[%swap3A_35, %swap3A_36, %swap3A_37] : memref<1x32x4096xf32, #tpu.memory_space<vmem>>, vector<1x32x4096xf32>
    %swap3A_39 = vector.shape_cast %swap3A_38 : vector<1x32x4096xf32> to vector<32x4096xf32>
    %swap3A_40 = vector.shape_cast %dot_general3A_34 : vector<32x4096xf32> to vector<1x32x4096xf32>
    tpu.vector_store %arg6[%swap3A_35, %swap3A_36, %swap3A_37], %swap3A_40 {strides = array<i32>} : memref<1x32x4096xf32, #tpu.memory_space<vmem>>, vector<1x32x4096xf32>,
    %sub3A = arith.subf %dot_general3A_34, %get3A_3 : vector<32x4096xf32>
    %integer_pow3A = arith.mulf %sub3A, %sub3A : vector<32x4096xf32>
    %reduce_sum3A = vector.shape_cast %integer_pow3A : vector<32x4096xf32> to vector<1x32x4096xf32>
    %reduce_sum3A_41 = arith.constant dense<0.000000e+00> : vector<1xf32>
    %reduce_sum3A_42 = vector.multi_reduction <add>, %reduce_sum3A, %reduce_sum3A_41 [1, 2] : vector<1x32x4096xf32> to vector<1xf32>
    %reduce_sum3A_43 = vector.shape_cast %reduce_sum3A_42 : vector<1xf32> to vector<1x1x1xf32>
    %reduce_sum3A_44 = vector.extract %reduce_sum3A_43[0, 0, 0] : f32 from vector<1x1x1xf32>
    %eq3A_45 = arith.constant 0 : i32
    %eq3A_46 = arith.cmpi eq, %arg0, %eq3A_45 : i32
    %convert_element_type3A_47 = arith.extui %eq3A_46 : i1 to i32
    %cond3A_48 = arith.constant 0 : i32
    %cond3A_49 = arith.cmpi ne, %convert_element_type3A_47, %cond3A_48 : i32
    scf.if %cond3A_49 {
      %swap3A_59 = arith.constant 0 : index
      %swap3A_60 = arith.constant 0 : index
      %swap3A_61 = memref.load %arg7[%swap3A_59, %swap3A_60] : memref<1x1xf32, #tpu.memory_space<smem>>
      memref.store %reduce_sum3A_44, %arg7[%swap3A_59, %swap3A_60] : memref<1x1xf32, #tpu.memory_space<smem>>
    } else {
    }
    %ne3A = arith.constant 0 : i32
    %ne3A_50 = arith.cmpi ne, %arg0, %ne3A : i32
    %convert_element_type3A_51 = arith.extui %ne3A_50 : i1 to i32
    %cond3A_52 = arith.constant 0 : i32
    %cond3A_53 = arith.cmpi ne, %convert_element_type3A_51, %cond3A_52 : i32
    scf.if %cond3A_53 {
      %get3A_59 = arith.constant 0 : index
      %get3A_60 = arith.constant 0 : index
      %get3A_61 = memref.load %arg7[%get3A_59, %get3A_60] : memref<1x1xf32, #tpu.memory_space<smem>>
      %add3A_62 = arith.addf %get3A_61, %reduce_sum3A_44 : f32
      %swap3A_63 = arith.constant 0 : index
      %swap3A_64 = arith.constant 0 : index
      %swap3A_65 = memref.load %arg7[%swap3A_63, %swap3A_64] : memref<1x1xf32, #tpu.memory_space<smem>>
      memref.store %add3A_62, %arg7[%swap3A_63, %swap3A_64] : memref<1x1xf32, #tpu.memory_space<smem>>
    } else {
    }
    %eq3A_54 = arith.constant 15 : i32
    %eq3A_55 = arith.cmpi eq, %arg0, %eq3A_54 : i32
    %convert_element_type3A_56 = arith.extui %eq3A_55 : i1 to i32
    %cond3A_57 = arith.constant 0 : i32
    %cond3A_58 = arith.cmpi ne, %convert_element_type3A_56, %cond3A_57 : i32
    scf.if %cond3A_58 {
      %get3A_59 = arith.constant 0 : index
      %get3A_60 = arith.constant 0 : index
      %get3A_61 = memref.load %arg7[%get3A_59, %get3A_60] : memref<1x1xf32, #tpu.memory_space<smem>>
      %mul3A_62 = arith.constant 6.00814815E-7 : f32
      %mul3A_63 = arith.mulf %get3A_61, %mul3A_62 : f32
      %swap3A_64 = arith.constant 0 : index
      %swap3A_65 = arith.constant 0 : index
      %swap3A_66 = memref.load %arg7[%swap3A_64, %swap3A_65] : memref<1x1xf32, #tpu.memory_space<smem>>
      memref.store %mul3A_63, %arg7[%swap3A_64, %swap3A_65] : memref<1x1xf32, #tpu.memory_space<smem>>
    } else {
    }
    return
  }
  func.func @transform_0(%arg0: i32) -> (i32, i32, i32) {
    %c0_i32 = arith.constant 0 : i32
    %c0_i32_0 = arith.constant 0 : i32
    %c0_i32_1 = arith.constant 0 : i32
    return %arg0, %c0_i32, %c0_i32_0 : i32, i32, i32
  }
  func.func @transform_1(%arg0: i32) -> (i32, i32) {
    %c0_i32 = arith.constant 0 : i32
    %c0_i32_0 = arith.constant 0 : i32
    %c0_i32_1 = arith.constant 0 : i32
    return %c0_i32, %c0_i32_0 : i32, i32
  }
  func.func @transform_2(%arg0: i32) -> (i32, i32, i32) {
    %c0_i32 = arith.constant 0 : i32
    %c0_i32_0 = arith.constant 0 : i32
    %c0_i32_1 = arith.constant 0 : i32
    return %arg0, %c0_i32, %c0_i32_0 : i32, i32, i32
  }
  func.func @transform_3(%arg0: i32) -> (i32, i32) {
    %c0_i32 = arith.constant 0 : i32
    %c0_i32_0 = arith.constant 0 : i32
    %c0_i32_1 = arith.constant 0 : i32
    return %c0_i32, %c0_i32_0 : i32, i32
  }
  func.func @transform_5(%arg0: i32) -> (i32, i32, i32) {
    %c0_i32 = arith.constant 0 : i32
    %c0_i32_0 = arith.constant 0 : i32
    %c0_i32_1 = arith.constant 0 : i32
    return %arg0, %c0_i32, %c0_i32_0 : i32, i32, i32
  }
  func.func @transform_6(%arg0: i32) -> (i32, i32) {
    %c0_i32 = arith.constant 0 : i32
    %c0_i32_0 = arith.constant 0 : i32
    %c0_i32_1 = arith.constant 0 : i32
    return %c0_i32, %c0_i32_0 : i32, i32
  }
  func.func @transform_7(%arg0: i32) -> (i32, i32, i32) {
    %c0_i32 = arith.constant 0 : i32
    %c0_i32_0 = arith.constant 0 : i32
    %c0_i32_1 = arith.constant 0 : i32
    return %arg0, %c0_i32, %c0_i32_0 : i32, i32, i32
  }
  func.func @transform_8(%arg0: i32) -> (i32, i32, i32) {
    %min3A = arith.constant 7 : i32
    %min3A_0 = arith.minsi %arg0, %min3A : i32
    %c0_i32 = arith.constant 0 : i32
    %c0_i32_1 = arith.constant 0 : i32
    %c0_i32_2 = arith.constant 0 : i32
    return %min3A_0, %c0_i32, %c0_i32_1 : i32, i32, i32
  }
}

</mosaic_0001>

<sc_bundles>
// kernel: kernel.5.cloned.1.call-start
scs
__scs_entry_jumppad:
0x0: {  	(pc) =	sbr.rel $0x88, $3  }
0x1: {  	(tag) =	ssettag $0x0;
	lr =	simm.s32 $0x1  }
0x2: {  	[smem:$0x3F9F] =	sst lr;
	_ =	strace $0xD0000000  }
0x3: {  	_ = 	snop  }
0x4: {  	_ = 	snop  }
0x5: {  	_ = 	snop  }
0x6: {  	_ = 	snop  }
0x7: {  	_ = 	snop  }
__scs_overlays_trampoline_lowered:
0x8: {  	[smem:$0x3FAE] =	sst s0  }
0x9: {  	[smem:$0x3FAF] =	sst s1  }
0xa: {  	[smem:$0x3FB0] =	sst s2  }
0xb: {  	[smem:$0x3FB1] =	sst s3  }
0xc: {  	[smem:$0x3FB2] =	sst s4  }
0xd: {  	[smem:$0x3FB3] =	sst s5  }
0xe: {  	[smem:$0x3FB4] =	sst s6  }
0xf: {  	[smem:$0x3FB5] =	sst s7  }
0x10: {  	[smem:$0x3FB6] =	sst s8  }
0x11: {  	[smem:$0x3FB7] =	sst s9;
	s0 =	simm.s32 @!p0 $0x0  }
0x12: {  	s1 =	sld [smem:$0x3F9D];
	s0 =	simm.s32 @p0 $0x1  }
0x13: {  	[smem:$0x3FB8] =	sst s0;
	s0 =	simm.s32 @!p1 $0x0  }
0x14: {  	s2 =	sld [smem:$0x3F9C];
	s0 =	simm.s32 @p1 $0x1  }
0x15: {  	[smem:$0x3FB9] =	sst s0;
	s0 =	simm.s32 @!p2 $0x0  }
0x16: {  	s3 =	sld [smem:$0x3FDB];
	s0 =	simm.s32 @p2 $0x1  }
0x17: {  	s4 =	simm.s32 $0x1BF5;
	[smem:$0x3FBB] =	sst s0  }
0x18: {  	s0 =	sld [smem:$0x3F9E];
	_ =	swait.ge [sflag:s4], $0x0  }
0x19: {  	s7 =	sld [smem:$0x3F9F]  }
0x1a: {  	s8 =	sadd.s32 $0xFFFFE003, lr  }
0x1b: {  	s9 =	sadd.s32 $0xFFFFFEF7, lr;
	s5 =	simm.s32 $0xFFFFFFFF;
	p2 =	slt.u32 s8, $0xFFFFF086  }
0x1c: {  	p1 =	slt.u32 s9, $0xF7A;
	s5 =	simm.s32 @!p2 $0x0  }
0x1d: {  	s5 =	simm.s32 @p1 $0x1;
	p0 =	seq.s32 s7, s2  }
0x1e: {  	s7 =	smul.u32 @!p0 $0xF7A, s2;
	p2 =	seq.s32 @!p0 s5, $0x0  }
0x1f: {  	s9 =	smul.u32 $0xF7A, s1;
	s8 =	simm.s32 @!p0 $0x1BF5;
	p2 =	por !p2, p0  }
0x20: {  	[sflag:s8] =	ssyncset.s32 @!p0 $0xFFFFF086;
	s6 =	sadd.s32 @!p0 s3, s7;
	s7 =	simm.s32 @!p0 $0x108  }
0x21: {  	s3 =	sadd.s32 s3, s9;
	s6 =	sadd.s32 @!p0 $0x88, s6;
	s7 =	simm.s32 @p2 $0x1082  }
0x22: {  	[simem:s7], [sflag:s8] =	dma.local @!p0 [hbm:s6], $0xF7A  }
0x23: {  	s9 =	sor.u32 $0xD0000000, s2;
	s6 =	simm.s32 $0x108;
	_ =	swait.ge @!p0 [sflag:s8], $0x0  }
0x24: {  	s3 =	sadd.s32 $0x88, s3;
	s6 =	simm.s32 @!p1 $0x1082;
	[sflag:s4] =	ssyncset.s32 $0xFFFFF086  }
0x25: {  	[simem:s6], [sflag:s4] =	dma.local [hbm:s3], $0xF7A  }
0x26: {  	[smem:$0x3F9F] =	sst s1;
	(tag) =	ssettag s2;
	_ =	strace s9  }
0x27: {  	s1 =	sld [smem:$0x3FAF]  }
0x28: {  	s2 =	sld [smem:$0x3FB0]  }
0x29: {  	s4 =	sld [smem:$0x3FB2]  }
0x2a: {  	p0 =	seq.s32 s5, $0x0;
	s5 =	sld [smem:$0x3FB3]  }
0x2b: {  	s6 =	sld [smem:$0x3FB4]  }
0x2c: {  	s7 =	sld [smem:$0x3FB5]  }
0x2d: {  	s3 =	simm.s32 $0x108;
	s8 =	sld [smem:$0x3FB6]  }
0x2e: {  	s3 =	simm.s32 @!p0 $0x1082;
	s9 =	sld [smem:$0x3FB7]  }
0x2f: {  	lr =	sadd.s32 s0, s3;
	s0 =	sld [smem:$0x3FAE]  }
0x30: {  	s3 =	sld [smem:$0x3FB1]  }
0x31: {  	[smem:$0x3FBA] =	sst s10  }
0x32: {  	s10 =	sld [smem:$0x3FB8];
	_ =	sdelay $0x3  }
0x33: {  	p0 =	seq.s32 s10, $0x1;
	s10 =	sld [smem:$0x3FBA];
	_ =	sdelay $0x3  }
0x34: {  	[smem:$0x3FBA] =	sst s10  }
0x35: {  	s10 =	sld [smem:$0x3FB9];
	_ =	sdelay $0x3  }
0x36: {  	p1 =	seq.s32 s10, $0x1;
	s10 =	sld [smem:$0x3FBA];
	_ =	sdelay $0x3  }
0x37: {  	[smem:$0x3FBA] =	sst s10  }
0x38: {  	s10 =	sld [smem:$0x3FBB]  }
0x39: {  	_ = 	snop;
	(pc) =	sbr.ind lr, $3  }
0x3a: {  	_ = 	snop  }
0x3b: {  	_ = 	snop  }
0x3c: {  	p2 =	seq.s32 s10, $0x1;
	s10 =	sld [smem:$0x3FBA]  }
0x3d: {  	_ =	shalt  }
0x3e: {  	_ =	shalt  }
0x3f: {  	_ =	shalt  }
0x40: {  	_ =	shalt  }
0x41: {  	_ =	shalt  }
0x42: {  	_ =	shalt  }
0x43: {  	_ =	shalt  }
0x44: {  	_ =	shalt  }
0x45: {  	_ =	shalt  }
0x46: {  	_ =	shalt  }
0x47: {  	_ =	shalt  }
0x48: {  	_ =	shalt  }
0x49: {  	_ =	shalt  }
0x4a: {  	_ =	shalt  }
0x4b: {  	_ =	shalt  }
0x4c: {  	_ =	shalt  }
0x4d: {  	_ =	shalt  }
0x4e: {  	_ =	shalt  }
0x4f: {  	_ =	shalt  }
0x50: {  	_ =	shalt  }
0x51: {  	_ =	shalt  }
0x52: {  	_ =	shalt  }
0x53: {  	_ =	shalt  }
0x54: {  	_ =	shalt  }
0x55: {  	_ =	shalt  }
0x56: {  	_ =	shalt  }
0x57: {  	_ =	shalt  }
0x58: {  	_ =	shalt  }
0x59: {  	_ =	shalt  }
0x5a: {  	_ =	shalt  }
0x5b: {  	_ =	shalt  }
0x5c: {  	_ =	shalt  }
0x5d: {  	_ =	shalt  }
0x5e: {  	_ =	shalt  }
0x5f: {  	_ =	shalt  }
0x60: {  	_ =	shalt  }
0x61: {  	_ =	shalt  }
0x62: {  	_ =	shalt  }
0x63: {  	_ =	shalt  }
0x64: {  	_ =	shalt  }
0x65: {  	_ =	shalt  }
0x66: {  	_ =	shalt  }
0x67: {  	_ =	shalt  }
0x68: {  	_ =	shalt  }
0x69: {  	_ =	shalt  }
0x6a: {  	_ =	shalt  }
0x6b: {  	_ =	shalt  }
0x6c: {  	_ =	shalt  }
0x6d: {  	_ =	shalt  }
0x6e: {  	_ =	shalt  }
0x6f: {  	_ =	shalt  }
0x70: {  	_ =	shalt  }
0x71: {  	_ =	shalt  }
0x72: {  	_ =	shalt  }
0x73: {  	_ =	shalt  }
0x74: {  	_ =	shalt  }
0x75: {  	_ =	shalt  }
0x76: {  	_ =	shalt  }
0x77: {  	_ =	shalt  }
0x78: {  	_ =	shalt  }
0x79: {  	_ =	shalt  }
0x7a: {  	_ =	shalt  }
0x7b: {  	_ =	shalt  }
0x7c: {  	_ =	shalt  }
0x7d: {  	_ =	shalt  }
0x7e: {  	_ =	shalt  }
0x7f: {  	_ =	shalt  }
0x80: {  	_ =	shalt  }
0x81: {  	_ =	shalt  }
0x82: {  	_ =	shalt  }
0x83: {  	_ =	shalt  }
0x84: {  	_ =	shalt  }
0x85: {  	_ =	shalt  }
0x86: {  	_ =	shalt  }
0x87: {  	_ =	shalt  }
.Lfunc_end0:
.L_simem_size_0:
called_computation.2_lowered:
.L_overlay_start_0:
0x88: {  	s2 =	sld [smem:$0x3FD9]  }
0x89: {  	s3 =	sld [smem:$0x3FFE];
	_ =	sdelay $0x1  }
0x8a: {  	s1 =	srdreg.scid  }
0x8b: {  	s0 =	sand.u32 $0x1, s1  }
0x8c: {  	s14 =	sshll.u32 s0, $0xA;
	s2 =	sadd.s32 s3, s2  }
0x8d: {  	s2 =	sadd.s32 s2, s14  }
0x8e: {  	[smem:$0x3FC6] =	sst s2  }
0x8f: {  	_ = 	snop  }
0x90: {  	s2 =	sld [smem:$0x3FD0];
	_ =	sdelay $0x2  }
0x91: {  	s15 =	simm.s32 $0xA;
	s4 =	simm.s32 $0x10  }
0x92: {  	[smem:s4], [sflag:s15] =	dma.local [hbm:s2], $0x1  }
0x93: {  	_ =	swait.eq [sflag:s15], $0x1  }
0x94: {  	[sflag:s15] =	ssyncset.done $0x0  }
0x95: {  	[sflag:s15] =	ssyncadd.s32 $0xFFFFFFFF  }
0x96: {  	s16 =	sld [smem:$0x10];
	(tm) =	ssettm $0x1  }
0x97: {  	s17 =	sld [smem:$0x3FFB];
	_ =	sdelay $0x3  }
0x98: {  	_ =	strace s17  }
0x99: {  	s3 =	sld [smem:$0x3FFC];
	_ =	sdelay $0x3  }
0x9a: {  	_ =	strace s3  }
0x9b: {  	s3 =	sld [smem:$0x3FFD];
	_ =	sdelay $0x3  }
0x9c: {  	_ =	strace s3  }
0x9d: {  	_ =	strace $0x8FFFFFFF  }
0x9e: {  	s18 =	sld [smem:$0x3FDB];
	_ =	sdelay $0x1  }
0x9f: {  	s19 =	simm.s32 $_scs_section_size  }
0xa0: {  	s5 =	simm.s32 $_size__tile_overlayer_lowered;
	s6 =	simm.s32 $_tile_overlayer_lowered  }
0xa1: {  	s22 =	simm.s32 $0x1BFF;
	s21 =	sshll.u32 s6, $0x1;
	s3 =	sadd.s32 s19, s18  }
0xa2: {  	s7 =	simm.s32 $0x0;
	s20 =	sshll.u32 s5, $0x1;
	s5 =	sadd.s32 s21, s3  }
0xa3: {  	[timem:s7], [sflag:s22] =	dma.local [hbm:s5], s20  }
0xa4: {  	_ =	swait.ge [sflag:s22], s20  }
0xa5: {  	s4 =	ssub.s32 $0x0, s20;
	[sflag:s22] =	ssyncset.done $0x0  }
0xa6: {  	[sflag:s22] =	ssyncadd.s32 s4;
	_ =	sdelay $0x1  }
0xa7: {  	s23 =	simm.s32 $0x1B8B  }
0xa8: {  	_ =	swait.ge [sflag:s23], $0x1  }
0xa9: {  	[sflag:s23] =	ssyncset.done $0x0  }
0xaa: {  	s25 =	simm.s32 $0x1B8E;
	s24 =	sld [smem:$0x3FFE];
	[sflag:s23] =	ssyncadd.s32 $0xFFFFFFFF  }
0xab: {  	s26 =	simm.s32 $execute0_lowered;
	[smem:$0x3FD2] =	sst s25  }
0xac: {  	s5 =	sshll.u32 s26, $0x1;
	_ =	strace $0x80000046;
	[dreg:$0x1] =	wrdreg $0xFFFFFFFF  }
0xad: {  	s28 =	simm.s32 $_size_execute0_lowered;
	s3 =	sadd.s32 s3, s5;
	[dreg:$0x0] =	wrdreg $0x0  }
0xae: {  	s5 =	sshll.u32 s28, $0x1;
	[dreg:$0x2] =	wrdreg s3  }
0xaf: {  	[dreg:$0x3] =	wrdreg s5  }
0xb0: {  	[dreg:$0x4] =	wrdreg $0xC0  }
0xb1: {  	_ =	task [dreg:s7], $0x5FFFF  }
0xb2: {  	[dreg:$0x1] =	wrdreg $0xFFFFFFFF  }
0xb3: {  	[dreg:$0x0] =	wrdreg $0x60  }
0xb4: {  	[dreg:$0x2] =	wrdreg s16  }
0xb5: {  	[dreg:$0x3] =	wrdreg s24  }
0xb6: {  	[dreg:$0x4] =	wrdreg $0x9  }
0xb7: {  	_ =	task.clear_ibuf [dreg:s7], $0x5FFFF;
	_ =	strace $0x90000046  }
0xb8: {  	s29 =	simm.s32 $0x9;
	_ =	strace $0x80000048  }
0xb9: {  	_ =	swait.ge [sflag:s29], $0x1  }
0xba: {  	[sflag:s29] =	ssyncadd.s32 $0xFFFFFFFF  }
0xbb: {  	_ =	strace $0x90000048  }
0xbc: {  	_ =	sfence  }
0xbd: {  	s30 =	sld [smem:$0x0];
	_ =	sdelay $0x2  }
0xbe: {  	s31 =	sshll.u32 s1, $0xD;
	s1 =	sshrl.u32 s1, $0x2  }
0xbf: {  	s3 =	sand.u32 $0x4000, s31;
	s1 =	sadd.s32 s1, s30  }
0xc0: {  	s0 =	sor.u32 s3, s0;
	s1 =	sshll.u32 s1, $0x11  }
0xc1: {  	s0 =	sor.u32 s1, s0  }
0xc2: {  	s0 =	sadd.s32 $0x8F2B, s0  }
0xc3: {  	[sflag:s0] =	ssyncadd.remote.s32 $0x1  }
0xc4: {  	_ =	sfence.sel $0xFFFF  }
0xc5: {  	[dreg:$0x0] =	wrdreg $0xFFFFFFFF;
	(pc) =	sbr.abs _section_cstart, $3  }
0xc6: {  	[dreg:$0x1] =	wrdreg $0xFFFFFFFF  }
0xc7: {  	_ =	task.clear_ibuf [dreg:s7], $0x2FFFF;
	_ =	strace $0x9FFFFFFF  }
0xc8: {  	(tm) =	ssettm $0x7FFFFFFF  }
0xc9: {  	_ =	shalt  }
tec
execute0_lowered:
.L_overlay_start_1:
0x0: {  	(tag) =	ssettag $0x1  }
0x1: {  	s1 =	rddreg [dreg:$0x0]  }
0x2: {  	s5 =	rddreg [dreg:$0x1]  }
0x3: {  	s0 =	rddreg [dreg:$0x2]  }
0x4: {  	s3 =	simm.s32 $0x0;
	s4 =	srdreg.scid;
	s2 =	stileid.u32  }
0x5: {  	[smem:$0x7FF] =	sst s3;
	s22 =	sand.u32 $0x1, s4;
	s6 =	sshll.u32 s2, $0x11  }
0x6: {  	s4 =	simm.s32 $0x2;
	_ =	strace $0x80000047;
	s7 =	sshll.u32 s22, $0x10  }
0x7: {  	[tilespmem:s3], [sflag:$0x2] =	stream.linear.gather [hbm4b:s1+s3], $0x8000, $0x38;
	[tilespmem:$0x8000] =	vst v63  }
0x8: {  	s6 =	sor.u32 s7, s6;
	_ =	swait.ge [sflag:s4], $0x8000  }
0x9: {  	s20 =	sadd.s32 s6, s5;
	[sflag:s4] =	ssyncset.done $0x0  }
0xa: {  	s5 =	sadd.s32 $0x201200, s20;
	[sflag:s4] =	ssyncadd.s32 $0xFFFF8000  }
0xb: {  	[hbm4b:s5+s3] =	stream.linear.scatter [tilespmem:s3], [sflag:$0x1], $0x8000, $0x38;
	[tilespmem:$0x8000] =	vst v63  }
0xc: {  	s6 =	sadd.s32 $0x202200, s20  }
0xd: {  	[hbm4b:s6+s3] =	stream.linear.scatter [tilespmem:s3], [sflag:$0x1], $0x8000, $0x38;
	[tilespmem:$0x8000] =	vst v63  }
0xe: {  	s7 =	sadd.s32 $0x203200, s20  }
0xf: {  	[hbm4b:s7+s3] =	stream.linear.scatter [tilespmem:s3], [sflag:$0x1], $0x8000, $0x38;
	[tilespmem:$0x8000] =	vst v63  }
0x10: {  	s8 =	sadd.s32 $0x204200, s20  }
0x11: {  	[hbm4b:s8+s3] =	stream.linear.scatter [tilespmem:s3], [sflag:$0x1], $0x8000, $0x38;
	[tilespmem:$0x8000] =	vst v63  }
0x12: {  	s9 =	sadd.s32 $0x205200, s20  }
0x13: {  	[hbm4b:s9+s3] =	stream.linear.scatter [tilespmem:s3], [sflag:$0x1], $0x8000, $0x38;
	[tilespmem:$0x8000] =	vst v63  }
0x14: {  	s10 =	sadd.s32 $0x206200, s20  }
0x15: {  	[hbm4b:s10+s3] =	stream.linear.scatter [tilespmem:s3], [sflag:$0x1], $0x8000, $0x38;
	[tilespmem:$0x8000] =	vst v63  }
0x16: {  	s11 =	sadd.s32 $0x207200, s20  }
0x17: {  	[hbm4b:s11+s3] =	stream.linear.scatter [tilespmem:s3], [sflag:$0x1], $0x8000, $0x38;
	[tilespmem:$0x8000] =	vst v63  }
0x18: {  	s12 =	sadd.s32 $0x208200, s20  }
0x19: {  	[hbm4b:s12+s3] =	stream.linear.scatter [tilespmem:s3], [sflag:$0x1], $0x8000, $0x38;
	[tilespmem:$0x8000] =	vst v63  }
0x1a: {  	s13 =	sadd.s32 $0x209200, s20  }
0x1b: {  	[hbm4b:s13+s3] =	stream.linear.scatter [tilespmem:s3], [sflag:$0x1], $0x8000, $0x38;
	[tilespmem:$0x8000] =	vst v63  }
0x1c: {  	s14 =	sadd.s32 $0x20A200, s20  }
0x1d: {  	[hbm4b:s14+s3] =	stream.linear.scatter [tilespmem:s3], [sflag:$0x1], $0x8000, $0x38;
	[tilespmem:$0x8000] =	vst v63  }
0x1e: {  	s15 =	sadd.s32 $0x20B200, s20  }
0x1f: {  	[hbm4b:s15+s3] =	stream.linear.scatter [tilespmem:s3], [sflag:$0x1], $0x8000, $0x38;
	[tilespmem:$0x8000] =	vst v63  }
0x20: {  	s16 =	sadd.s32 $0x20C200, s20  }
0x21: {  	[hbm4b:s16+s3] =	stream.linear.scatter [tilespmem:s3], [sflag:$0x1], $0x8000, $0x38;
	[tilespmem:$0x8000] =	vst v63  }
0x22: {  	s17 =	sadd.s32 $0x20D200, s20  }
0x23: {  	[hbm4b:s17+s3] =	stream.linear.scatter [tilespmem:s3], [sflag:$0x1], $0x8000, $0x38;
	[tilespmem:$0x8000] =	vst v63  }
0x24: {  	s18 =	sadd.s32 $0x20E200, s20  }
0x25: {  	[hbm4b:s18+s3] =	stream.linear.scatter [tilespmem:s3], [sflag:$0x1], $0x8000, $0x38;
	[tilespmem:$0x8000] =	vst v63  }
0x26: {  	s19 =	sadd.s32 $0x20F200, s20  }
0x27: {  	[hbm4b:s19+s3] =	stream.linear.scatter [tilespmem:s3], [sflag:$0x1], $0x8000, $0x38;
	[tilespmem:$0x8000] =	vst v63  }
0x28: {  	s21 =	sadd.s32 $0x210200, s20;
	s20 =	simm.s32 $0x1  }
0x29: {  	[hbm4b:s21+s3] =	stream.linear.scatter [tilespmem:s3], [sflag:$0x1], $0x8000, $0x38;
	[tilespmem:$0x8000] =	vst v63  }
0x2a: {  	_ =	swait.ge [sflag:s20], $0x8000  }
0x2b: {  	[sflag:s20] =	ssyncset.done $0x0  }
0x2c: {  	[sflag:s20] =	ssyncadd.s32 $0xFFFF8000  }
0x2d: {  	_ =	swait.ge [sflag:s20], $0x8000  }
0x2e: {  	[sflag:s20] =	ssyncset.done $0x0  }
0x2f: {  	[sflag:s20] =	ssyncadd.s32 $0xFFFF8000  }
0x30: {  	_ =	swait.ge [sflag:s20], $0x8000  }
0x31: {  	[sflag:s20] =	ssyncset.done $0x0  }
0x32: {  	[sflag:s20] =	ssyncadd.s32 $0xFFFF8000  }
0x33: {  	_ =	swait.ge [sflag:s20], $0x8000  }
0x34: {  	[sflag:s20] =	ssyncset.done $0x0  }
0x35: {  	[sflag:s20] =	ssyncadd.s32 $0xFFFF8000  }
0x36: {  	_ =	swait.ge [sflag:s20], $0x8000  }
0x37: {  	[sflag:s20] =	ssyncset.done $0x0  }
0x38: {  	[sflag:s20] =	ssyncadd.s32 $0xFFFF8000  }
0x39: {  	_ =	swait.ge [sflag:s20], $0x8000  }
0x3a: {  	[sflag:s20] =	ssyncset.done $0x0  }
0x3b: {  	[sflag:s20] =	ssyncadd.s32 $0xFFFF8000  }
0x3c: {  	_ =	swait.ge [sflag:s20], $0x8000  }
0x3d: {  	[sflag:s20] =	ssyncset.done $0x0  }
0x3e: {  	[sflag:s20] =	ssyncadd.s32 $0xFFFF8000  }
0x3f: {  	_ =	swait.ge [sflag:s20], $0x8000  }
0x40: {  	[sflag:s20] =	ssyncset.done $0x0  }
0x41: {  	[sflag:s20] =	ssyncadd.s32 $0xFFFF8000  }
0x42: {  	_ =	swait.ge [sflag:s20], $0x8000  }
0x43: {  	[sflag:s20] =	ssyncset.done $0x0  }
0x44: {  	[sflag:s20] =	ssyncadd.s32 $0xFFFF8000  }
0x45: {  	_ =	swait.ge [sflag:s20], $0x8000  }
0x46: {  	[sflag:s20] =	ssyncset.done $0x0  }
0x47: {  	[sflag:s20] =	ssyncadd.s32 $0xFFFF8000  }
0x48: {  	_ =	swait.ge [sflag:s20], $0x8000  }
0x49: {  	[sflag:s20] =	ssyncset.done $0x0  }
0x4a: {  	[sflag:s20] =	ssyncadd.s32 $0xFFFF8000  }
0x4b: {  	_ =	swait.ge [sflag:s20], $0x8000  }
0x4c: {  	[sflag:s20] =	ssyncset.done $0x0  }
0x4d: {  	[sflag:s20] =	ssyncadd.s32 $0xFFFF8000  }
0x4e: {  	_ =	swait.ge [sflag:s20], $0x8000  }
0x4f: {  	s22 =	ssub.s32 $0x2, s22;
	[sflag:s20] =	ssyncset.done $0x0  }
0x50: {  	s23 =	sshrl.u32 s22, $0x1;
	[sflag:s20] =	ssyncadd.s32 $0xFFFF8000  }
0x51: {  	s22 =	ssub.s32 s22, s23;
	_ =	swait.ge [sflag:s20], $0x8000  }
0x52: {  	s22 =	smax.u32 s22, $0x1;
	[sflag:s20] =	ssyncset.done $0x0  }
0x53: {  	p0 =	sne.s32 s22, $0x1;
	[sflag:s20] =	ssyncadd.s32 $0xFFFF8000  }
.Ltmp0:
0x54: {  	_ =	swait.ge [sflag:s20], $0x8000;
	(pc) =	sbr.rel @!p0 .LBB2_2-.Ltmp0, $4  }
0x55: {  	[sflag:s20] =	ssyncset.done $0x0  }
0x56: {  	[sflag:s20] =	ssyncadd.s32 $0xFFFF8000  }
0x57: {  	_ =	swait.ge [sflag:s20], $0x8000  }
0x58: {  	s22 =	sadd.s32 $0xFFFFFFFF, s22;
	[sflag:s20] =	ssyncset.done $0x0  }
.LBB2_1:
0x59: {  	p0 =	sne.s32 s22, $0x1;
	s22 =	sadd.s32 $0xFFFFFFFF, s22;
	[sflag:s20] =	ssyncadd.s32 $0xFFFF8000  }
0x5a: {  	[tilespmem:s3], [sflag:$0x2] =	stream.linear.gather [hbm4b:s1+s3], $0x8000, $0x38;
	[tilespmem:$0x8000] =	vst v63  }
0x5b: {  	_ =	swait.ge [sflag:s4], $0x8000  }
0x5c: {  	[sflag:s4] =	ssyncset.done $0x0  }
0x5d: {  	[sflag:s4] =	ssyncadd.s32 $0xFFFF8000  }
0x5e: {  	[hbm4b:s5+s3] =	stream.linear.scatter [tilespmem:s3], [sflag:$0x1], $0x8000, $0x38;
	[tilespmem:$0x8000] =	vst v63  }
0x5f: {  	_ = 	snop  }
0x60: {  	[hbm4b:s6+s3] =	stream.linear.scatter [tilespmem:s3], [sflag:$0x1], $0x8000, $0x38;
	[tilespmem:$0x8000] =	vst v63  }
0x61: {  	_ = 	snop  }
0x62: {  	[hbm4b:s7+s3] =	stream.linear.scatter [tilespmem:s3], [sflag:$0x1], $0x8000, $0x38;
	[tilespmem:$0x8000] =	vst v63  }
0x63: {  	_ = 	snop  }
0x64: {  	[hbm4b:s8+s3] =	stream.linear.scatter [tilespmem:s3], [sflag:$0x1], $0x8000, $0x38;
	[tilespmem:$0x8000] =	vst v63  }
0x65: {  	_ = 	snop  }
0x66: {  	[hbm4b:s9+s3] =	stream.linear.scatter [tilespmem:s3], [sflag:$0x1], $0x8000, $0x38;
	[tilespmem:$0x8000] =	vst v63  }
0x67: {  	_ = 	snop  }
0x68: {  	[hbm4b:s10+s3] =	stream.linear.scatter [tilespmem:s3], [sflag:$0x1], $0x8000, $0x38;
	[tilespmem:$0x8000] =	vst v63  }
0x69: {  	_ = 	snop  }
0x6a: {  	[hbm4b:s11+s3] =	stream.linear.scatter [tilespmem:s3], [sflag:$0x1], $0x8000, $0x38;
	[tilespmem:$0x8000] =	vst v63  }
0x6b: {  	_ = 	snop  }
0x6c: {  	[hbm4b:s12+s3] =	stream.linear.scatter [tilespmem:s3], [sflag:$0x1], $0x8000, $0x38;
	[tilespmem:$0x8000] =	vst v63  }
0x6d: {  	_ = 	snop  }
0x6e: {  	[hbm4b:s13+s3] =	stream.linear.scatter [tilespmem:s3], [sflag:$0x1], $0x8000, $0x38;
	[tilespmem:$0x8000] =	vst v63  }
0x6f: {  	_ = 	snop  }
0x70: {  	[hbm4b:s14+s3] =	stream.linear.scatter [tilespmem:s3], [sflag:$0x1], $0x8000, $0x38;
	[tilespmem:$0x8000] =	vst v63  }
0x71: {  	_ = 	snop  }
0x72: {  	[hbm4b:s15+s3] =	stream.linear.scatter [tilespmem:s3], [sflag:$0x1], $0x8000, $0x38;
	[tilespmem:$0x8000] =	vst v63  }
0x73: {  	_ = 	snop  }
0x74: {  	[hbm4b:s16+s3] =	stream.linear.scatter [tilespmem:s3], [sflag:$0x1], $0x8000, $0x38;
	[tilespmem:$0x8000] =	vst v63  }
0x75: {  	_ = 	snop  }
0x76: {  	[hbm4b:s17+s3] =	stream.linear.scatter [tilespmem:s3], [sflag:$0x1], $0x8000, $0x38;
	[tilespmem:$0x8000] =	vst v63  }
0x77: {  	_ = 	snop  }
0x78: {  	[hbm4b:s18+s3] =	stream.linear.scatter [tilespmem:s3], [sflag:$0x1], $0x8000, $0x38;
	[tilespmem:$0x8000] =	vst v63  }
0x79: {  	_ = 	snop  }
0x7a: {  	[hbm4b:s19+s3] =	stream.linear.scatter [tilespmem:s3], [sflag:$0x1], $0x8000, $0x38;
	[tilespmem:$0x8000] =	vst v63  }
0x7b: {  	_ = 	snop  }
0x7c: {  	[hbm4b:s21+s3] =	stream.linear.scatter [tilespmem:s3], [sflag:$0x1], $0x8000, $0x38;
	[tilespmem:$0x8000] =	vst v63  }
0x7d: {  	_ =	swait.ge [sflag:s20], $0x8000  }
0x7e: {  	[sflag:s20] =	ssyncset.done $0x0  }
0x7f: {  	[sflag:s20] =	ssyncadd.s32 $0xFFFF8000  }
0x80: {  	_ =	swait.ge [sflag:s20], $0x8000  }
0x81: {  	[sflag:s20] =	ssyncset.done $0x0  }
0x82: {  	[sflag:s20] =	ssyncadd.s32 $0xFFFF8000  }
0x83: {  	_ =	swait.ge [sflag:s20], $0x8000  }
0x84: {  	[sflag:s20] =	ssyncset.done $0x0  }
0x85: {  	[sflag:s20] =	ssyncadd.s32 $0xFFFF8000  }
0x86: {  	_ =	swait.ge [sflag:s20], $0x8000  }
0x87: {  	[sflag:s20] =	ssyncset.done $0x0  }
0x88: {  	[sflag:s20] =	ssyncadd.s32 $0xFFFF8000  }
0x89: {  	_ =	swait.ge [sflag:s20], $0x8000  }
0x8a: {  	[sflag:s20] =	ssyncset.done $0x0  }
0x8b: {  	[sflag:s20] =	ssyncadd.s32 $0xFFFF8000  }
0x8c: {  	_ =	swait.ge [sflag:s20], $0x8000  }
0x8d: {  	[sflag:s20] =	ssyncset.done $0x0  }
0x8e: {  	[sflag:s20] =	ssyncadd.s32 $0xFFFF8000  }
0x8f: {  	_ =	swait.ge [sflag:s20], $0x8000  }
0x90: {  	[sflag:s20] =	ssyncset.done $0x0  }
0x91: {  	[sflag:s20] =	ssyncadd.s32 $0xFFFF8000  }
0x92: {  	_ =	swait.ge [sflag:s20], $0x8000  }
0x93: {  	[sflag:s20] =	ssyncset.done $0x0  }
0x94: {  	[sflag:s20] =	ssyncadd.s32 $0xFFFF8000  }
0x95: {  	_ =	swait.ge [sflag:s20], $0x8000  }
0x96: {  	[sflag:s20] =	ssyncset.done $0x0  }
0x97: {  	[sflag:s20] =	ssyncadd.s32 $0xFFFF8000  }
0x98: {  	_ =	swait.ge [sflag:s20], $0x8000  }
0x99: {  	[sflag:s20] =	ssyncset.done $0x0  }
0x9a: {  	[sflag:s20] =	ssyncadd.s32 $0xFFFF8000  }
0x9b: {  	_ =	swait.ge [sflag:s20], $0x8000  }
0x9c: {  	[sflag:s20] =	ssyncset.done $0x0  }
0x9d: {  	[sflag:s20] =	ssyncadd.s32 $0xFFFF8000  }
0x9e: {  	_ =	swait.ge [sflag:s20], $0x8000  }
0x9f: {  	[sflag:s20] =	ssyncset.done $0x0  }
0xa0: {  	[sflag:s20] =	ssyncadd.s32 $0xFFFF8000  }
0xa1: {  	_ =	swait.ge [sflag:s20], $0x8000  }
0xa2: {  	[sflag:s20] =	ssyncset.done $0x0  }
0xa3: {  	[sflag:s20] =	ssyncadd.s32 $0xFFFF8000  }
0xa4: {  	_ =	swait.ge [sflag:s20], $0x8000  }
0xa5: {  	[sflag:s20] =	ssyncset.done $0x0  }
0xa6: {  	[sflag:s20] =	ssyncadd.s32 $0xFFFF8000  }
.Ltmp1:
0xa7: {  	_ =	swait.ge [sflag:s20], $0x8000;
	(pc) =	sbr.rel @p0 .LBB2_1-.Ltmp1, $4  }
0xa8: {  	[sflag:s20] =	ssyncset.done $0x0  }
0xa9: {  	[sflag:s20] =	ssyncadd.s32 $0xFFFF8000  }
0xaa: {  	_ =	swait.ge [sflag:s20], $0x8000  }
0xab: {  	[sflag:s20] =	ssyncset.done $0x0  }
.LBB2_2:
0xac: {  	[sflag:s20] =	ssyncadd.s32 $0xFFFF8000  }
0xad: {  	_ =	sfence.sel $0x180000  }
0xae: {  	[bflag:$0x0] =	sbarrier.arrive $0xFFFF  }
0xaf: {  	p0 =	sne.s32 s2, $0x0;
	_ =	strace $0x90000047  }
0xb0: {  	s0 =	sadd.s32 @!p0 $0x100000, s0;
	[bflag:$0x2] =	sbarrier.arrive $0xFFFF  }
0xb1: {  	[sflag:s0] =	ssyncadd.tile.s32 @!p0 $0x1;
	_ =	shalt  }
.Lfunc_end2:
_tile_overlayer_lowered:
.L_overlay_start_2:
0xb2: {  	(tag) =	ssettag $0x2  }
0xb3: {  	s0 =	rddreg [dreg:$0x0];
	s2 =	stileid.u32  }
0xb4: {  	s1 =	rddreg [dreg:$0x1];
	p0 =	sne.s32 s2, $0x0  }
0xb5: {  	s3 =	rddreg [dreg:$0x2];
	[bflag:$0x3] =	sbarrier.arrive $0xFFFF;
	s2 =	simm.s32 @!p0 $0x1C02  }
0xb6: {  	[timem:s3], [sflag:s2] =	dma.local @!p0 [hbm:s0], s1  }
0xb7: {  	s0 =	simm.s32 @!p0 $0x2  }
0xb8: {  	_ =	swait.ge @!p0 [sflag:s0], s1  }
0xb9: {  	s1 =	ssub.s32 @!p0 $0x0, s1;
	[sflag:s0] =	ssyncset.done @!p0 $0x0  }
0xba: {  	[sflag:s0] =	ssyncadd.s32 @!p0 s1  }
0xbb: {  	[bflag:$0x3] =	sbarrier.arrive $0xFFFF  }
0xbc: {  	_ =	shalt  }

// kernel: kernel.8.cloned.1.call-start
scs
__scs_entry_jumppad:
0x0: {  	(pc) =	sbr.rel $0x88, $3  }
0x1: {  	(tag) =	ssettag $0x0;
	lr =	simm.s32 $0x1  }
0x2: {  	[smem:$0x3F9F] =	sst lr;
	_ =	strace $0xD0000000  }
0x3: {  	_ = 	snop  }
0x4: {  	_ = 	snop  }
0x5: {  	_ = 	snop  }
0x6: {  	_ = 	snop  }
0x7: {  	_ = 	snop  }
__scs_overlays_trampoline_lowered:
0x8: {  	[smem:$0x3FAE] =	sst s0  }
0x9: {  	[smem:$0x3FAF] =	sst s1  }
0xa: {  	[smem:$0x3FB0] =	sst s2  }
0xb: {  	[smem:$0x3FB1] =	sst s3  }
0xc: {  	[smem:$0x3FB2] =	sst s4  }
0xd: {  	[smem:$0x3FB3] =	sst s5  }
0xe: {  	[smem:$0x3FB4] =	sst s6  }
0xf: {  	[smem:$0x3FB5] =	sst s7  }
0x10: {  	[smem:$0x3FB6] =	sst s8  }
0x11: {  	[smem:$0x3FB7] =	sst s9;
	s0 =	simm.s32 @!p0 $0x0  }
0x12: {  	s1 =	sld [smem:$0x3F9D];
	s0 =	simm.s32 @p0 $0x1  }
0x13: {  	[smem:$0x3FB8] =	sst s0;
	s0 =	simm.s32 @!p1 $0x0  }
0x14: {  	s2 =	sld [smem:$0x3F9C];
	s0 =	simm.s32 @p1 $0x1  }
0x15: {  	[smem:$0x3FB9] =	sst s0;
	s0 =	simm.s32 @!p2 $0x0  }
0x16: {  	s3 =	sld [smem:$0x3FDB];
	s0 =	simm.s32 @p2 $0x1  }
0x17: {  	s4 =	simm.s32 $0x1BF5;
	[smem:$0x3FBB] =	sst s0  }
0x18: {  	s0 =	sld [smem:$0x3F9E];
	_ =	swait.ge [sflag:s4], $0x0  }
0x19: {  	s7 =	sld [smem:$0x3F9F]  }
0x1a: {  	s8 =	sadd.s32 $0xFFFFE003, lr  }
0x1b: {  	s9 =	sadd.s32 $0xFFFFFEF7, lr;
	s5 =	simm.s32 $0xFFFFFFFF;
	p2 =	slt.u32 s8, $0xFFFFF086  }
0x1c: {  	p1 =	slt.u32 s9, $0xF7A;
	s5 =	simm.s32 @!p2 $0x0  }
0x1d: {  	s5 =	simm.s32 @p1 $0x1;
	p0 =	seq.s32 s7, s2  }
0x1e: {  	s7 =	smul.u32 @!p0 $0xF7A, s2;
	p2 =	seq.s32 @!p0 s5, $0x0  }
0x1f: {  	s9 =	smul.u32 $0xF7A, s1;
	s8 =	simm.s32 @!p0 $0x1BF5;
	p2 =	por !p2, p0  }
0x20: {  	[sflag:s8] =	ssyncset.s32 @!p0 $0xFFFFF086;
	s6 =	sadd.s32 @!p0 s3, s7;
	s7 =	simm.s32 @!p0 $0x108  }
0x21: {  	s3 =	sadd.s32 s3, s9;
	s6 =	sadd.s32 @!p0 $0x88, s6;
	s7 =	simm.s32 @p2 $0x1082  }
0x22: {  	[simem:s7], [sflag:s8] =	dma.local @!p0 [hbm:s6], $0xF7A  }
0x23: {  	s9 =	sor.u32 $0xD0000000, s2;
	s6 =	simm.s32 $0x108;
	_ =	swait.ge @!p0 [sflag:s8], $0x0  }
0x24: {  	s3 =	sadd.s32 $0x88, s3;
	s6 =	simm.s32 @!p1 $0x1082;
	[sflag:s4] =	ssyncset.s32 $0xFFFFF086  }
0x25: {  	[simem:s6], [sflag:s4] =	dma.local [hbm:s3], $0xF7A  }
0x26: {  	[smem:$0x3F9F] =	sst s1;
	(tag) =	ssettag s2;
	_ =	strace s9  }
0x27: {  	s1 =	sld [smem:$0x3FAF]  }
0x28: {  	s2 =	sld [smem:$0x3FB0]  }
0x29: {  	s4 =	sld [smem:$0x3FB2]  }
0x2a: {  	p0 =	seq.s32 s5, $0x0;
	s5 =	sld [smem:$0x3FB3]  }
0x2b: {  	s6 =	sld [smem:$0x3FB4]  }
0x2c: {  	s7 =	sld [smem:$0x3FB5]  }
0x2d: {  	s3 =	simm.s32 $0x108;
	s8 =	sld [smem:$0x3FB6]  }
0x2e: {  	s3 =	simm.s32 @!p0 $0x1082;
	s9 =	sld [smem:$0x3FB7]  }
0x2f: {  	lr =	sadd.s32 s0, s3;
	s0 =	sld [smem:$0x3FAE]  }
0x30: {  	s3 =	sld [smem:$0x3FB1]  }
0x31: {  	[smem:$0x3FBA] =	sst s10  }
0x32: {  	s10 =	sld [smem:$0x3FB8];
	_ =	sdelay $0x3  }
0x33: {  	p0 =	seq.s32 s10, $0x1;
	s10 =	sld [smem:$0x3FBA];
	_ =	sdelay $0x3  }
0x34: {  	[smem:$0x3FBA] =	sst s10  }
0x35: {  	s10 =	sld [smem:$0x3FB9];
	_ =	sdelay $0x3  }
0x36: {  	p1 =	seq.s32 s10, $0x1;
	s10 =	sld [smem:$0x3FBA];
	_ =	sdelay $0x3  }
0x37: {  	[smem:$0x3FBA] =	sst s10  }
0x38: {  	s10 =	sld [smem:$0x3FBB]  }
0x39: {  	_ = 	snop;
	(pc) =	sbr.ind lr, $3  }
0x3a: {  	_ = 	snop  }
0x3b: {  	_ = 	snop  }
0x3c: {  	p2 =	seq.s32 s10, $0x1;
	s10 =	sld [smem:$0x3FBA]  }
0x3d: {  	_ =	shalt  }
0x3e: {  	_ =	shalt  }
0x3f: {  	_ =	shalt  }
0x40: {  	_ =	shalt  }
0x41: {  	_ =	shalt  }
0x42: {  	_ =	shalt  }
0x43: {  	_ =	shalt  }
0x44: {  	_ =	shalt  }
0x45: {  	_ =	shalt  }
0x46: {  	_ =	shalt  }
0x47: {  	_ =	shalt  }
0x48: {  	_ =	shalt  }
0x49: {  	_ =	shalt  }
0x4a: {  	_ =	shalt  }
0x4b: {  	_ =	shalt  }
0x4c: {  	_ =	shalt  }
0x4d: {  	_ =	shalt  }
0x4e: {  	_ =	shalt  }
0x4f: {  	_ =	shalt  }
0x50: {  	_ =	shalt  }
0x51: {  	_ =	shalt  }
0x52: {  	_ =	shalt  }
0x53: {  	_ =	shalt  }
0x54: {  	_ =	shalt  }
0x55: {  	_ =	shalt  }
0x56: {  	_ =	shalt  }
0x57: {  	_ =	shalt  }
0x58: {  	_ =	shalt  }
0x59: {  	_ =	shalt  }
0x5a: {  	_ =	shalt  }
0x5b: {  	_ =	shalt  }
0x5c: {  	_ =	shalt  }
0x5d: {  	_ =	shalt  }
0x5e: {  	_ =	shalt  }
0x5f: {  	_ =	shalt  }
0x60: {  	_ =	shalt  }
0x61: {  	_ =	shalt  }
0x62: {  	_ =	shalt  }
0x63: {  	_ =	shalt  }
0x64: {  	_ =	shalt  }
0x65: {  	_ =	shalt  }
0x66: {  	_ =	shalt  }
0x67: {  	_ =	shalt  }
0x68: {  	_ =	shalt  }
0x69: {  	_ =	shalt  }
0x6a: {  	_ =	shalt  }
0x6b: {  	_ =	shalt  }
0x6c: {  	_ =	shalt  }
0x6d: {  	_ =	shalt  }
0x6e: {  	_ =	shalt  }
0x6f: {  	_ =	shalt  }
0x70: {  	_ =	shalt  }
0x71: {  	_ =	shalt  }
0x72: {  	_ =	shalt  }
0x73: {  	_ =	shalt  }
0x74: {  	_ =	shalt  }
0x75: {  	_ =	shalt  }
0x76: {  	_ =	shalt  }
0x77: {  	_ =	shalt  }
0x78: {  	_ =	shalt  }
0x79: {  	_ =	shalt  }
0x7a: {  	_ =	shalt  }
0x7b: {  	_ =	shalt  }
0x7c: {  	_ =	shalt  }
0x7d: {  	_ =	shalt  }
0x7e: {  	_ =	shalt  }
0x7f: {  	_ =	shalt  }
0x80: {  	_ =	shalt  }
0x81: {  	_ =	shalt  }
0x82: {  	_ =	shalt  }
0x83: {  	_ =	shalt  }
0x84: {  	_ =	shalt  }
0x85: {  	_ =	shalt  }
0x86: {  	_ =	shalt  }
0x87: {  	_ =	shalt  }
.Lfunc_end0:
.L_simem_size_0:
called_computation.3_lowered:
.L_overlay_start_0:
0x88: {  	s2 =	sld [smem:$0x3FD9]  }
0x89: {  	s3 =	sld [smem:$0x3FFE];
	_ =	sdelay $0x1  }
0x8a: {  	s1 =	srdreg.scid  }
0x8b: {  	s0 =	sand.u32 $0x1, s1  }
0x8c: {  	s16 =	sshll.u32 s0, $0xA;
	s2 =	sadd.s32 s3, s2  }
0x8d: {  	s2 =	sadd.s32 s2, s16  }
0x8e: {  	[smem:$0x3FC6] =	sst s2  }
0x8f: {  	_ = 	snop  }
0x90: {  	(tm) =	ssettm $0x1  }
0x91: {  	s17 =	sld [smem:$0x3FFB];
	_ =	sdelay $0x3  }
0x92: {  	_ =	strace s17  }
0x93: {  	s2 =	sld [smem:$0x3FFC];
	_ =	sdelay $0x3  }
0x94: {  	_ =	strace s2  }
0x95: {  	s2 =	sld [smem:$0x3FFD];
	_ =	sdelay $0x3  }
0x96: {  	_ =	strace s2  }
0x97: {  	_ =	strace $0x8FFFFFFF  }
0x98: {  	s18 =	sld [smem:$0x3FDB];
	_ =	sdelay $0x1  }
0x99: {  	s19 =	simm.s32 $_scs_section_size  }
0x9a: {  	s4 =	simm.s32 $_size__tile_overlayer_lowered;
	s5 =	simm.s32 $_tile_overlayer_lowered  }
0x9b: {  	s22 =	simm.s32 $0x1BFF;
	s21 =	sshll.u32 s5, $0x1;
	s2 =	sadd.s32 s19, s18  }
0x9c: {  	s6 =	simm.s32 $0x0;
	s20 =	sshll.u32 s4, $0x1;
	s4 =	sadd.s32 s21, s2  }
0x9d: {  	[timem:s6], [sflag:s22] =	dma.local [hbm:s4], s20  }
0x9e: {  	_ =	swait.ge [sflag:s22], s20  }
0x9f: {  	s3 =	ssub.s32 $0x0, s20;
	[sflag:s22] =	ssyncset.done $0x0  }
0xa0: {  	[sflag:s22] =	ssyncadd.s32 s3;
	_ =	sdelay $0x1  }
0xa1: {  	s23 =	simm.s32 $0x1B8B  }
0xa2: {  	_ =	swait.ge [sflag:s23], $0x1  }
0xa3: {  	[sflag:s23] =	ssyncset.done $0x0  }
0xa4: {  	s25 =	simm.s32 $0x1B8E;
	s24 =	sld [smem:$0x3FFE];
	[sflag:s23] =	ssyncadd.s32 $0xFFFFFFFF  }
0xa5: {  	s26 =	simm.s32 $execute0_lowered;
	[smem:$0x3FD2] =	sst s25  }
0xa6: {  	s4 =	sshll.u32 s26, $0x1;
	_ =	strace $0x8000004C;
	[dreg:$0x1] =	wrdreg $0xFFFFFFFF  }
0xa7: {  	s28 =	simm.s32 $_size_execute0_lowered;
	s2 =	sadd.s32 s2, s4;
	[dreg:$0x0] =	wrdreg $0x0  }
0xa8: {  	s4 =	sshll.u32 s28, $0x1;
	[dreg:$0x2] =	wrdreg s2  }
0xa9: {  	[dreg:$0x3] =	wrdreg s4  }
0xaa: {  	[dreg:$0x4] =	wrdreg $0xC0  }
0xab: {  	_ =	task [dreg:s6], $0x5FFFF  }
0xac: {  	[dreg:$0x1] =	wrdreg $0xFFFFFFFF  }
0xad: {  	[dreg:$0x0] =	wrdreg $0x60  }
0xae: {  	[dreg:$0x2] =	wrdreg s24  }
0xaf: {  	[dreg:$0x3] =	wrdreg $0x9  }
0xb0: {  	_ =	task.clear_ibuf [dreg:s6], $0x4FFFF;
	_ =	strace $0x9000004C  }
0xb1: {  	s29 =	simm.s32 $0x9;
	_ =	strace $0x8000004E  }
0xb2: {  	_ =	swait.ge [sflag:s29], $0x1  }
0xb3: {  	[sflag:s29] =	ssyncadd.s32 $0xFFFFFFFF  }
0xb4: {  	_ =	strace $0x9000004E  }
0xb5: {  	_ =	sfence  }
0xb6: {  	s30 =	sld [smem:$0x0];
	_ =	sdelay $0x2  }
0xb7: {  	s31 =	sshll.u32 s1, $0xD;
	s1 =	sshrl.u32 s1, $0x2  }
0xb8: {  	s3 =	sand.u32 $0x4000, s31;
	s1 =	sadd.s32 s1, s30  }
0xb9: {  	s0 =	sor.u32 s3, s0;
	s1 =	sshll.u32 s1, $0x11  }
0xba: {  	s0 =	sor.u32 s1, s0  }
0xbb: {  	s0 =	sadd.s32 $0x8F2B, s0  }
0xbc: {  	[sflag:s0] =	ssyncadd.remote.s32 $0x1  }
0xbd: {  	_ =	sfence.sel $0xFFFF  }
0xbe: {  	[dreg:$0x0] =	wrdreg $0xFFFFFFFF;
	(pc) =	sbr.abs _section_cstart, $3  }
0xbf: {  	[dreg:$0x1] =	wrdreg $0xFFFFFFFF  }
0xc0: {  	_ =	task.clear_ibuf [dreg:s6], $0x2FFFF;
	_ =	strace $0x9FFFFFFF  }
0xc1: {  	(tm) =	ssettm $0x7FFFFFFF  }
tec
execute0_lowered:
.L_overlay_start_1:
0x0: {  	(tag) =	ssettag $0x1  }
0x1: {  	s0 =	stileid.u32  }
0x2: {  	s1 =	srdreg.scid;
	s2 =	sshll.u32 s0, $0x1  }
0x3: {  	s4 =	sand.u32 $0x1, s1;
	s18 =	sand.u32 $0x2, s2  }
0x4: {  	s19 =	sshrl.u32 s0, $0x1;
	s1 =	sor.u32 s4, s18  }
0x5: {  	s5 =	sor.u32 $0x8, s19;
	s3 =	sshll.u32 s1, $0xA  }
0x6: {  	s6 =	sshll.u32 s5, $0x15;
	v0 =	vmov s3  }
0x7: {  	v58 =	vlaneseq.u32;
	s1 =	sor.u32 $0x10, s3;
	s20 =	sor.u32 $0x20, s3;
	s21 =	sor.u32 $0x30, s3;
	v0 =	vor.u32 s6, v0  }
0x8: {  	s23 =	sor.u32 $0x50, s3;
	s24 =	sor.u32 $0x60, s3;
	s25 =	sor.u32 $0x70, s3;
	v1 =	vmov s1;
	v2 =	vmov s20;
	v3 =	vmov s21  }
0x9: {  	s26 =	sor.u32 $0x80, s3;
	s28 =	sor.u32 $0x90, s3;
	s31 =	sor.u32 $0xC0, s3;
	v4 =	vmov s23;
	v5 =	vmov s24;
	v50 =	vmov s25  }
0xa: {  	s9 =	sor.u32 $0xF0, s3;
	s12 =	sor.u32 $0x120, s3;
	s15 =	sor.u32 $0x150, s3;
	v51 =	vmov s26;
	v8 =	vmov s28;
	v11 =	vmov s31  }
0xb: {  	s18 =	sor.u32 $0x180, s3;
	s2 =	sor.u32 $0x250, s3;
	v14 =	vmov s9;
	v17 =	vmov s12;
	v20 =	vmov s15  }
0xc: {  	v23 =	vmov s18;
	v53 =	vmov s2;
	v0 =	vbroadcast v0, $0x0  }
0xd: {  	v1 =	vor.u32 s6, v1;
	v2 =	vor.u32 s6, v2;
	v3 =	vor.u32 s6, v3  }
0xe: {  	v4 =	vor.u32 s6, v4;
	v5 =	vor.u32 s6, v5;
	v8 =	vor.u32 s6, v8  }
0xf: {  	s21 =	sor.u32 $0x1B0, s3;
	v11 =	vor.u32 s6, v11;
	v14 =	vor.u32 s6, v14;
	v17 =	vor.u32 s6, v17  }
0x10: {  	s24 =	sor.u32 $0x1E0, s3;
	s28 =	sor.u32 $0x210, s3;
	s31 =	sor.u32 $0x240, s3;
	v20 =	vor.u32 s6, v20;
	v23 =	vor.u32 s6, v23;
	v26 =	vmov s21  }
0x11: {  	s12 =	sor.u32 $0x2B0, s3;
	v29 =	vmov s24;
	v32 =	vmov s28;
	v35 =	vmov s31  }
0x12: {  	s18 =	sor.u32 $0x310, s3;
	v56 =	vmov s12;
	v1 =	vbroadcast v1, $0x0;
	v2 =	vbroadcast v2, $0x0  }
0x13: {  	v60 =	vmov s18;
	v3 =	vbroadcast v3, $0x0;
	v6 =	vbroadcast v4, $0x0  }
0x14: {  	s8 =	sor.u32 $0xE0, s3;
	v7 =	vbroadcast v5, $0x0;
	v4 =	vor.u32 s6, v50;
	v5 =	vor.u32 s6, v51  }
0x15: {  	s14 =	sor.u32 $0x140, s3;
	v10 =	vbroadcast v8, $0x0;
	v13 =	vbroadcast v11, $0x0;
	v11 =	vmov s8  }
0x16: {  	s20 =	sor.u32 $0x1A0, s3;
	v16 =	vbroadcast v14, $0x0;
	v19 =	vbroadcast v17, $0x0;
	v17 =	vmov s14  }
0x17: {  	v22 =	vbroadcast v20, $0x0;
	v25 =	vbroadcast v23, $0x0;
	v23 =	vmov s20  }
0x18: {  	s24 =	sor.u32 $0x370, s3;
	v26 =	vor.u32 s6, v26;
	v29 =	vor.u32 s6, v29;
	v32 =	vor.u32 s6, v32  }
0x19: {  	v35 =	vor.u32 s6, v35;
	v63 =	vmov s24;
	v0 =	vor.u32 v58, v0  }
0x1a: {  	v9 =	vbroadcast v4, $0x0;
	v11 =	vor.u32 s6, v11;
	[tilespmem:$0x1FF80] =	vst v0;
	v0 =	vor.u32 v58, v1  }
0x1b: {  	v17 =	vor.u32 s6, v17;
	v23 =	vor.u32 s6, v23;
	[tilespmem:$0x1FF90] =	vst v0;
	v0 =	vor.u32 v58, v2  }
0x1c: {  	s22 =	sor.u32 $0x40, s3;
	s26 =	sor.u32 $0x200, s3;
	v28 =	vbroadcast v26, $0x0;
	v31 =	vbroadcast v29, $0x0;
	[tilespmem:$0x1FFA0] =	vst v0;
	v0 =	vor.u32 v58, v3  }
0x1d: {  	s8 =	sor.u32 $0x270, s3;
	v29 =	vmov s26;
	v34 =	vbroadcast v32, $0x0;
	[tilespmem:$0x1FFB0] =	vst v0;
	v0 =	vmov s22  }
0x1e: {  	s14 =	sor.u32 $0x2D0, s3;
	s20 =	sor.u32 $0x330, s3;
	v37 =	vbroadcast v35, $0x0;
	v38 =	vmov s8;
	v0 =	vor.u32 s6, v0  }
0x1f: {  	v44 =	vmov s14;
	v50 =	vmov s20;
	v0 =	vbroadcast v0, $0x0  }
0x20: {  	v1 =	vor.u32 v58, v6;
	v29 =	vor.u32 s6, v29;
	v38 =	vor.u32 s6, v38  }
0x21: {  	v44 =	vor.u32 s6, v44;
	v50 =	vor.u32 s6, v50;
	[tilespmem:$0x1FFD0] =	vst v1;
	v0 =	vor.u32 v58, v0  }
0x22: {  	s30 =	sor.u32 $0xB0, s3;
	v1 =	vor.u32 v58, v7;
	v40 =	vbroadcast v38, $0x0;
	[tilespmem:$0x1FFC0] =	vst v0;
	v0 =	vbroadcast v5, $0x0  }
0x23: {  	s29 =	sor.u32 $0xA0, s3;
	[tilespmem:$0x1FFE0] =	vst v1;
	v1 =	vor.u32 v58, v9;
	v9 =	vor.u32 v58, v10;
	v10 =	vmov s30  }
0x24: {  	s7 =	sor.u32 $0xD0, s3;
	v10 =	vor.u32 s6, v10;
	v8 =	vor.u32 v58, v0;
	v0 =	vmov s29  }
0x25: {  	v12 =	vbroadcast v10, $0x0;
	v10 =	vmov s7;
	v0 =	vor.u32 s6, v0  }
0x26: {  	v46 =	vbroadcast v44, $0x0;
	s30 =	sor.u32 $0x230, s3;
	s7 =	sor.u32 $0x260, s3;
	v10 =	vor.u32 s6, v10;
	v0 =	vbroadcast v0, $0x0  }
0x27: {  	s28 =	sor.u32 $0x3B0, s3;
	v52 =	vmov s30;
	v54 =	vmov s7;
	v15 =	vbroadcast v10, $0x0  }
0x28: {  	v35 =	vor.u32 s6, v54;
	v5 =	vmov s28;
	v10 =	vor.u32 v58, v0  }
0x29: {  	s11 =	sor.u32 $0x110, s3;
	v0 =	vbroadcast v11, $0x0;
	v11 =	vor.u32 v58, v12;
	v12 =	vor.u32 v58, v13  }
0x2a: {  	s10 =	sor.u32 $0x100, s3;
	v13 =	vor.u32 v58, v15;
	v15 =	vor.u32 v58, v16;
	v16 =	vmov s11  }
0x2b: {  	s11 =	sor.u32 $0x2A0, s3;
	v16 =	vor.u32 s6, v16;
	v14 =	vor.u32 v58, v0;
	v0 =	vmov s10  }
0x2c: {  	s13 =	sor.u32 $0x130, s3;
	v41 =	vmov s11;
	v18 =	vbroadcast v16, $0x0;
	v0 =	vor.u32 s6, v0  }
0x2d: {  	v16 =	vmov s13;
	s10 =	sor.u32 $0x290, s3;
	v41 =	vor.u32 s6, v41;
	v0 =	vbroadcast v0, $0x0  }
0x2e: {  	s13 =	sor.u32 $0x2C0, s3;
	v16 =	vor.u32 s6, v16;
	v55 =	vmov s10;
	v43 =	vbroadcast v41, $0x0  }
0x2f: {  	v57 =	vmov s13;
	v21 =	vbroadcast v16, $0x0;
	v16 =	vor.u32 v58, v0  }
0x30: {  	s17 =	sor.u32 $0x170, s3;
	v0 =	vbroadcast v17, $0x0;
	v17 =	vor.u32 v58, v18;
	v18 =	vor.u32 v58, v19  }
0x31: {  	s16 =	sor.u32 $0x160, s3;
	v19 =	vor.u32 v58, v21;
	v21 =	vor.u32 v58, v22;
	v22 =	vmov s17  }
0x32: {  	s19 =	sor.u32 $0x190, s3;
	v22 =	vor.u32 s6, v22;
	v20 =	vor.u32 v58, v0;
	v0 =	vmov s16  }
0x33: {  	s17 =	sor.u32 $0x300, s3;
	v24 =	vbroadcast v22, $0x0;
	v22 =	vmov s19;
	v0 =	vor.u32 s6, v0  }
0x34: {  	v47 =	vmov s17;
	v22 =	vor.u32 s6, v22;
	v0 =	vbroadcast v0, $0x0  }
0x35: {  	v41 =	vor.u32 s6, v57;
	v47 =	vor.u32 s6, v47;
	v27 =	vbroadcast v22, $0x0  }
0x36: {  	v22 =	vor.u32 v58, v0;
	v0 =	vbroadcast v23, $0x0;
	v23 =	vor.u32 v58, v24  }
0x37: {  	s23 =	sor.u32 $0x1D0, s3;
	s22 =	sor.u32 $0x1C0, s3;
	v24 =	vor.u32 v58, v25;
	v25 =	vor.u32 v58, v27;
	v27 =	vor.u32 v58, v28  }
0x38: {  	s16 =	sor.u32 $0x2F0, s3;
	v28 =	vmov s23;
	v26 =	vor.u32 v58, v0;
	v0 =	vmov s22  }
0x39: {  	s25 =	sor.u32 $0x1F0, s3;
	v59 =	vmov s16;
	v28 =	vor.u32 s6, v28;
	v0 =	vor.u32 s6, v0  }
0x3a: {  	s19 =	sor.u32 $0x320, s3;
	v30 =	vbroadcast v28, $0x0;
	v28 =	vmov s25;
	v0 =	vbroadcast v0, $0x0  }
0x3b: {  	v49 =	vbroadcast v47, $0x0;
	v61 =	vmov s19;
	v28 =	vor.u32 s6, v28  }
0x3c: {  	s22 =	sor.u32 $0x350, s3;
	s25 =	sor.u32 $0x380, s3;
	v33 =	vbroadcast v28, $0x0;
	v28 =	vor.u32 v58, v0;
	v0 =	vbroadcast v29, $0x0  }
0x3d: {  	s29 =	sor.u32 $0x220, s3;
	v47 =	vor.u32 s6, v61;
	v62 =	vmov s22;
	v4 =	vmov s25  }
0x3e: {  	v29 =	vor.u32 v58, v30;
	v32 =	vor.u32 v58, v0;
	v0 =	vmov s29  }
0x3f: {  	v30 =	vor.u32 v58, v31;
	v31 =	vor.u32 v58, v33;
	v0 =	vor.u32 s6, v0  }
0x40: {  	s23 =	sor.u32 $0x360, s3;
	v33 =	vor.u32 v58, v34;
	v34 =	vor.u32 s6, v52;
	v0 =	vbroadcast v0, $0x0  }
0x41: {  	v36 =	vbroadcast v34, $0x0;
	v34 =	vor.u32 s6, v53;
	v53 =	vmov s23  }
0x42: {  	v39 =	vbroadcast v34, $0x0;
	v34 =	vor.u32 v58, v0;
	v0 =	vbroadcast v35, $0x0  }
0x43: {  	s9 =	sor.u32 $0x280, s3;
	v52 =	vbroadcast v50, $0x0;
	v53 =	vor.u32 s6, v53;
	v35 =	vor.u32 v58, v36  }
0x44: {  	v36 =	vor.u32 v58, v37;
	v38 =	vor.u32 v58, v0;
	v0 =	vmov s9  }
0x45: {  	v37 =	vor.u32 v58, v39;
	v39 =	vor.u32 v58, v40;
	v0 =	vor.u32 s6, v0  }
0x46: {  	s26 =	sor.u32 $0x390, s3;
	v40 =	vor.u32 s6, v55;
	v55 =	vbroadcast v53, $0x0;
	v0 =	vbroadcast v0, $0x0  }
0x47: {  	v42 =	vbroadcast v40, $0x0;
	v40 =	vor.u32 s6, v56;
	v56 =	vmov s26  }
0x48: {  	s30 =	sor.u32 $0x3D0, s3;
	v45 =	vbroadcast v40, $0x0;
	v40 =	vor.u32 v58, v0;
	v0 =	vbroadcast v41, $0x0  }
0x49: {  	s15 =	sor.u32 $0x2E0, s3;
	v53 =	vor.u32 s6, v4;
	v4 =	vmov s30;
	v56 =	vor.u32 s6, v56  }
0x4a: {  	v41 =	vor.u32 v58, v42;
	v44 =	vor.u32 v58, v0;
	v0 =	vmov s15  }
0x4b: {  	v42 =	vor.u32 v58, v43;
	v43 =	vor.u32 v58, v45;
	v0 =	vor.u32 s6, v0  }
0x4c: {  	s9 =	sor.u32 $0x3C0, s3;
	v45 =	vor.u32 v58, v46;
	v46 =	vor.u32 s6, v59;
	v0 =	vbroadcast v0, $0x0  }
0x4d: {  	v48 =	vbroadcast v46, $0x0;
	v46 =	vor.u32 s6, v60;
	v60 =	vmov s9  }
0x4e: {  	v51 =	vbroadcast v46, $0x0;
	v46 =	vor.u32 v58, v0;
	v0 =	vbroadcast v47, $0x0  }
0x4f: {  	s21 =	sor.u32 $0x340, s3;
	v59 =	vbroadcast v56, $0x0;
	v60 =	vor.u32 s6, v60;
	v47 =	vor.u32 v58, v48  }
0x50: {  	v48 =	vor.u32 v58, v49;
	v50 =	vor.u32 v58, v0;
	v0 =	vmov s21  }
0x51: {  	v49 =	vor.u32 v58, v51;
	v51 =	vor.u32 v58, v52;
	v0 =	vor.u32 s6, v0  }
0x52: {  	s10 =	sor.u32 $0x3F0, s3;
	v52 =	vor.u32 s6, v62;
	v62 =	vbroadcast v60, $0x0;
	v0 =	vbroadcast v0, $0x0  }
0x53: {  	s5 =	sshll.u32 s5, $0xC;
	s4 =	ssub.s32 $0x2, s4;
	v54 =	vbroadcast v52, $0x0;
	v52 =	vor.u32 s6, v63;
	v63 =	vmov s10  }
0x54: {  	s5 =	sor.u32 s5, s3;
	s1 =	rddreg [dreg:$0x1];
	s2 =	simm.s32 $0x0;
	v57 =	vbroadcast v52, $0x0;
	v63 =	vor.u32 s6, v63;
	v52 =	vor.u32 v58, v0  }
0x55: {  	s5 =	sshrl.u32 s5, $0x3;
	[smem:$0x7FF] =	sst s2;
	s31 =	sor.u32 $0x3E0, s3;
	v0 =	vbroadcast v53, $0x0;
	v53 =	vor.u32 v58, v54;
	v54 =	vor.u32 v58, v55  }
0x56: {  	s12 =	simm.s32 $0x580;
	s8 =	sor.u32 $0x3A0, s3;
	[tilespmem:$0x1FFF0] =	vst v1;
	s7 =	rddreg [dreg:$0x0];
	v55 =	vor.u32 v58, v57;
	v57 =	vor.u32 v58, v59;
	v59 =	vor.u32 s6, v5  }
0x57: {  	s14 =	simm.s32 $0x680;
	s5 =	sadd.s32 s5, s7;
	_ =	strace $0x8000004D;
	v5 =	vmov s31;
	v56 =	vor.u32 v58, v0;
	v0 =	vmov s8  }
0x58: {  	s11 =	simm.s32 $0x500;
	s13 =	simm.s32 $0x600;
	s17 =	simm.s32 $0x1;
	v3 =	vbroadcast v59, $0x0;
	v60 =	vor.u32 s6, v5;
	v0 =	vor.u32 s6, v0  }
0x59: {  	s16 =	simm.s32 $0x780;
	s29 =	sshrl.u32 s4, $0x1;
	s3 =	sadd.s32 $0x3200, s7;
	v59 =	vor.u32 s6, v4;
	v1 =	vbroadcast v60, $0x0;
	v61 =	vbroadcast v0, $0x0  }
0x5a: {  	s7 =	simm.s32 $0x80;
	s9 =	simm.s32 $0x800;
	s15 =	simm.s32 $0x700;
	v2 =	vbroadcast v63, $0x0;
	v60 =	vor.u32 v58, v3;
	v0 =	vbroadcast v59, $0x0  }
0x5b: {  	s10 =	simm.s32 $0x480;
	s8 =	ssub.s32 s4, s29;
	s4 =	sadd.s32 $0x1200, s5;
	v63 =	vor.u32 v58, v1;
	v59 =	vor.u32 v58, v61;
	v61 =	vor.u32 v58, v62  }
0x5c: {  	s5 =	smax.u32 s8, $0x1;
	s6 =	simm.s32 $0x2;
	s8 =	simm.s32 $0x400;
	v62 =	vor.u32 v58, v0;
	v58 =	vor.u32 v58, v2;
	v0 =	vimm.s32 $0x1  }
.LBB2_1:
0x5d: {  	[tilespmem:s2], [sflag:$0x2] =	stream.linear.gather [hbm4b:s4+s2], $0x400, $0x38;
	[tilespmem:$0x880] =	vst v63  }
0x5e: {  	_ =	swait.ge [sflag:s6], $0x400  }
0x5f: {  	[sflag:s6] =	ssyncset.done $0x0  }
0x60: {  	[sflag:s6] =	ssyncadd.s32 $0xFFFFFC00  }
0x61: {  	v1 =	vld [tilespmem:$0x0]  }
0x62: {  	v7 =	vld [tilespmem:$0x1FF80];
	_ =	sdelay $0x3  }
0x63: {  	v1 =	vshll.u32 v1, $0xC  }
0x64: {  	v2 =	vld [tilespmem:$0x10];
	v1 =	vadd.s32 v7, v1  }
0x65: {  	[tilespmem:$0x400] =	vst v1;
	v1 =	vld [tilespmem:$0x1FF90];
	_ =	sdelay $0x3  }
0x66: {  	v2 =	vshll.u32 v2, $0xC  }
0x67: {  	v3 =	vld [tilespmem:$0x20];
	v1 =	vadd.s32 v1, v2  }
0x68: {  	[tilespmem:$0x410] =	vst v1;
	v1 =	vld [tilespmem:$0x1FFA0];
	_ =	sdelay $0x3  }
0x69: {  	v2 =	vshll.u32 v3, $0xC  }
0x6a: {  	v4 =	vld [tilespmem:$0x30];
	v1 =	vadd.s32 v1, v2  }
0x6b: {  	[tilespmem:$0x420] =	vst v1;
	v1 =	vld [tilespmem:$0x1FFB0];
	_ =	sdelay $0x3  }
0x6c: {  	v2 =	vshll.u32 v4, $0xC  }
0x6d: {  	v5 =	vld [tilespmem:$0x40];
	v1 =	vadd.s32 v1, v2  }
0x6e: {  	[tilespmem:$0x430] =	vst v1;
	v1 =	vld [tilespmem:$0x1FFC0];
	_ =	sdelay $0x3  }
0x6f: {  	v2 =	vshll.u32 v5, $0xC  }
0x70: {  	v6 =	vld [tilespmem:$0x50];
	v1 =	vadd.s32 v1, v2  }
0x71: {  	[tilespmem:$0x440] =	vst v1;
	v1 =	vld [tilespmem:$0x1FFD0];
	_ =	sdelay $0x3  }
0x72: {  	v2 =	vshll.u32 v6, $0xC  }
0x73: {  	v7 =	vld [tilespmem:$0x60];
	v1 =	vadd.s32 v1, v2  }
0x74: {  	[tilespmem:$0x450] =	vst v1;
	v1 =	vld [tilespmem:$0x1FFE0];
	_ =	sdelay $0x2  }
0x75: {  	[tilespmem:$0x800] =	vst v0  }
0x76: {  	[tilespmem:$0x810] =	vst v0;
	v3 =	vld [tilespmem:$0x70];
	v2 =	vshll.u32 v7, $0xC  }
0x77: {  	[tilespmem:$0x820] =	vst v0;
	v4 =	vld [tilespmem:$0x80];
	v1 =	vadd.s32 v1, v2  }
0x78: {  	[tilespmem:$0x460] =	vst v1;
	v1 =	vld [tilespmem:$0x1FFF0]  }
0x79: {  	[tilespmem:$0x830] =	vst v0;
	v5 =	vld [tilespmem:$0x90]  }
0x7a: {  	[tilespmem:$0x840] =	vst v0;
	v6 =	vld [tilespmem:$0xA0]  }
0x7b: {  	[tilespmem:$0x850] =	vst v0;
	v7 =	vld [tilespmem:$0xB0]  }
0x7c: {  	[tilespmem:$0x860] =	vst v0;
	v2 =	vshll.u32 v3, $0xC;
	v3 =	vld [tilespmem:$0xC0]  }
0x7d: {  	[tilespmem:$0x870] =	vst v0;
	v1 =	vadd.s32 v1, v2;
	v2 =	vshll.u32 v4, $0xC;
	v4 =	vld [tilespmem:$0xD0]  }
0x7e: {  	[tilespmem:$0x470] =	vst v1;
	v1 =	vadd.s32 v8, v2;
	v2 =	vshll.u32 v5, $0xC;
	v5 =	vld [tilespmem:$0xE0]  }
0x7f: {  	[tilespmem:$0x480] =	vst v1;
	v1 =	vadd.s32 v9, v2;
	v2 =	vshll.u32 v6, $0xC;
	v6 =	vld [tilespmem:$0xF0]  }
0x80: {  	[tilespmem:$0x490] =	vst v1;
	v1 =	vadd.s32 v10, v2;
	v2 =	vshll.u32 v7, $0xC;
	v7 =	vld [tilespmem:$0x100]  }
0x81: {  	[tilespmem:$0x4A0] =	vst v1;
	v1 =	vadd.s32 v11, v2;
	v2 =	vshll.u32 v3, $0xC;
	v3 =	vld [tilespmem:$0x110]  }
0x82: {  	[tilespmem:$0x4B0] =	vst v1;
	v1 =	vadd.s32 v12, v2;
	v2 =	vshll.u32 v4, $0xC;
	v4 =	vld [tilespmem:$0x120]  }
0x83: {  	[tilespmem:$0x4C0] =	vst v1;
	v1 =	vadd.s32 v13, v2;
	v2 =	vshll.u32 v5, $0xC;
	v5 =	vld [tilespmem:$0x130]  }
0x84: {  	[tilespmem:$0x4D0] =	vst v1;
	v1 =	vadd.s32 v14, v2;
	v2 =	vshll.u32 v6, $0xC;
	v6 =	vld [tilespmem:$0x140]  }
0x85: {  	[tilespmem:$0x4E0] =	vst v1;
	v1 =	vadd.s32 v15, v2;
	v2 =	vshll.u32 v7, $0xC;
	v7 =	vld [tilespmem:$0x150]  }
0x86: {  	[tilespmem:$0x4F0] =	vst v1;
	v1 =	vadd.s32 v16, v2;
	v2 =	vshll.u32 v3, $0xC;
	v3 =	vld [tilespmem:$0x160]  }
0x87: {  	[tilespmem:$0x500] =	vst v1;
	v1 =	vadd.s32 v17, v2;
	v2 =	vshll.u32 v4, $0xC;
	v4 =	vld [tilespmem:$0x170]  }
0x88: {  	[tilespmem:$0x510] =	vst v1;
	v1 =	vadd.s32 v18, v2;
	v2 =	vshll.u32 v5, $0xC;
	v5 =	vld [tilespmem:$0x180]  }
0x89: {  	[tilespmem:$0x520] =	vst v1;
	v1 =	vadd.s32 v19, v2;
	v2 =	vshll.u32 v6, $0xC;
	v6 =	vld [tilespmem:$0x190]  }
0x8a: {  	[tilespmem:$0x530] =	vst v1;
	v1 =	vadd.s32 v20, v2;
	v2 =	vshll.u32 v7, $0xC;
	v7 =	vld [tilespmem:$0x1A0]  }
0x8b: {  	[tilespmem:$0x540] =	vst v1;
	v1 =	vadd.s32 v21, v2;
	v2 =	vshll.u32 v3, $0xC;
	v3 =	vld [tilespmem:$0x1B0]  }
0x8c: {  	[tilespmem:$0x550] =	vst v1;
	v1 =	vadd.s32 v22, v2;
	v2 =	vshll.u32 v4, $0xC;
	v4 =	vld [tilespmem:$0x1C0]  }
0x8d: {  	[tilespmem:$0x560] =	vst v1;
	v1 =	vadd.s32 v23, v2;
	v2 =	vshll.u32 v5, $0xC;
	v5 =	vld [tilespmem:$0x1D0]  }
0x8e: {  	[tilespmem:$0x570] =	vst v1;
	v1 =	vadd.s32 v24, v2;
	v2 =	vshll.u32 v6, $0xC;
	v6 =	vld [tilespmem:$0x1E0]  }
0x8f: {  	[tilespmem:$0x580] =	vst v1;
	v1 =	vadd.s32 v25, v2;
	v2 =	vshll.u32 v7, $0xC;
	v7 =	vld [tilespmem:$0x1F0]  }
0x90: {  	[tilespmem:$0x590] =	vst v1;
	v1 =	vadd.s32 v26, v2;
	v2 =	vshll.u32 v3, $0xC;
	v3 =	vld [tilespmem:$0x200]  }
0x91: {  	[tilespmem:$0x5A0] =	vst v1;
	v1 =	vadd.s32 v27, v2;
	v2 =	vshll.u32 v4, $0xC;
	v4 =	vld [tilespmem:$0x210]  }
0x92: {  	[tilespmem:$0x5B0] =	vst v1;
	v1 =	vadd.s32 v28, v2;
	v2 =	vshll.u32 v5, $0xC;
	v5 =	vld [tilespmem:$0x220]  }
0x93: {  	[tilespmem:$0x5C0] =	vst v1;
	v1 =	vadd.s32 v29, v2;
	v2 =	vshll.u32 v6, $0xC;
	v6 =	vld [tilespmem:$0x230]  }
0x94: {  	[tilespmem:$0x5D0] =	vst v1;
	v1 =	vadd.s32 v30, v2;
	v2 =	vshll.u32 v7, $0xC;
	v7 =	vld [tilespmem:$0x240]  }
0x95: {  	[tilespmem:$0x5E0] =	vst v1;
	v1 =	vadd.s32 v31, v2;
	v2 =	vshll.u32 v3, $0xC;
	v3 =	vld [tilespmem:$0x250]  }
0x96: {  	[tilespmem:$0x5F0] =	vst v1;
	v1 =	vadd.s32 v32, v2;
	v2 =	vshll.u32 v4, $0xC;
	v4 =	vld [tilespmem:$0x260]  }
0x97: {  	[tilespmem:$0x600] =	vst v1;
	v1 =	vadd.s32 v33, v2;
	v2 =	vshll.u32 v5, $0xC;
	v5 =	vld [tilespmem:$0x270]  }
0x98: {  	[tilespmem:$0x610] =	vst v1;
	v1 =	vadd.s32 v34, v2;
	v2 =	vshll.u32 v6, $0xC;
	v6 =	vld [tilespmem:$0x280]  }
0x99: {  	[tilespmem:$0x620] =	vst v1;
	v1 =	vadd.s32 v35, v2;
	v2 =	vshll.u32 v7, $0xC;
	v7 =	vld [tilespmem:$0x290]  }
0x9a: {  	[tilespmem:$0x630] =	vst v1;
	v1 =	vadd.s32 v36, v2;
	v2 =	vshll.u32 v3, $0xC;
	v3 =	vld [tilespmem:$0x2A0]  }
0x9b: {  	[tilespmem:$0x640] =	vst v1;
	v1 =	vadd.s32 v37, v2;
	v2 =	vshll.u32 v4, $0xC;
	v4 =	vld [tilespmem:$0x2B0]  }
0x9c: {  	[tilespmem:$0x650] =	vst v1;
	v1 =	vadd.s32 v38, v2;
	v2 =	vshll.u32 v5, $0xC;
	v5 =	vld [tilespmem:$0x2C0]  }
0x9d: {  	[tilespmem:$0x660] =	vst v1;
	v1 =	vadd.s32 v39, v2;
	v2 =	vshll.u32 v6, $0xC;
	v6 =	vld [tilespmem:$0x2D0]  }
0x9e: {  	[tilespmem:$0x670] =	vst v1;
	v1 =	vadd.s32 v40, v2;
	v2 =	vshll.u32 v7, $0xC;
	v7 =	vld [tilespmem:$0x2E0]  }
0x9f: {  	[tilespmem:$0x680] =	vst v1;
	v1 =	vadd.s32 v41, v2;
	v2 =	vshll.u32 v3, $0xC;
	v3 =	vld [tilespmem:$0x2F0]  }
0xa0: {  	[tilespmem:$0x690] =	vst v1;
	v1 =	vadd.s32 v42, v2;
	v2 =	vshll.u32 v4, $0xC;
	v4 =	vld [tilespmem:$0x300]  }
0xa1: {  	[tilespmem:$0x6A0] =	vst v1;
	v1 =	vadd.s32 v43, v2;
	v2 =	vshll.u32 v5, $0xC;
	v5 =	vld [tilespmem:$0x310]  }
0xa2: {  	[tilespmem:$0x6B0] =	vst v1;
	v1 =	vadd.s32 v44, v2;
	v2 =	vshll.u32 v6, $0xC;
	v6 =	vld [tilespmem:$0x320]  }
0xa3: {  	[tilespmem:$0x6C0] =	vst v1;
	v1 =	vadd.s32 v45, v2;
	v2 =	vshll.u32 v7, $0xC;
	v7 =	vld [tilespmem:$0x330]  }
0xa4: {  	[tilespmem:$0x6D0] =	vst v1;
	v1 =	vadd.s32 v46, v2;
	v2 =	vshll.u32 v3, $0xC;
	v3 =	vld [tilespmem:$0x340]  }
0xa5: {  	[tilespmem:$0x6E0] =	vst v1;
	v1 =	vadd.s32 v47, v2;
	v2 =	vshll.u32 v4, $0xC;
	v4 =	vld [tilespmem:$0x350]  }
0xa6: {  	[tilespmem:$0x6F0] =	vst v1;
	v1 =	vadd.s32 v48, v2;
	v2 =	vshll.u32 v5, $0xC;
	v5 =	vld [tilespmem:$0x360]  }
0xa7: {  	[tilespmem:$0x700] =	vst v1;
	v1 =	vadd.s32 v49, v2;
	v2 =	vshll.u32 v6, $0xC;
	v6 =	vld [tilespmem:$0x370]  }
0xa8: {  	[tilespmem:$0x710] =	vst v1;
	v1 =	vadd.s32 v50, v2;
	v2 =	vshll.u32 v7, $0xC;
	v7 =	vld [tilespmem:$0x380]  }
0xa9: {  	[tilespmem:$0x720] =	vst v1;
	v1 =	vadd.s32 v51, v2;
	v2 =	vshll.u32 v3, $0xC;
	v3 =	vld [tilespmem:$0x390]  }
0xaa: {  	[tilespmem:$0x730] =	vst v1;
	v1 =	vadd.s32 v52, v2;
	v2 =	vshll.u32 v4, $0xC;
	v4 =	vld [tilespmem:$0x3A0]  }
0xab: {  	[tilespmem:$0x740] =	vst v1;
	v1 =	vadd.s32 v53, v2;
	v2 =	vshll.u32 v5, $0xC;
	v5 =	vld [tilespmem:$0x3B0]  }
0xac: {  	[tilespmem:$0x750] =	vst v1;
	v1 =	vadd.s32 v54, v2;
	v2 =	vshll.u32 v6, $0xC;
	v6 =	vld [tilespmem:$0x3C0]  }
0xad: {  	[tilespmem:$0x760] =	vst v1;
	v1 =	vadd.s32 v55, v2;
	v2 =	vshll.u32 v7, $0xC;
	v7 =	vld [tilespmem:$0x3D0]  }
0xae: {  	[tilespmem:$0x770] =	vst v1;
	v1 =	vadd.s32 v56, v2;
	v2 =	vshll.u32 v3, $0xC;
	v3 =	vld [tilespmem:$0x3E0]  }
0xaf: {  	[tilespmem:$0x780] =	vst v1;
	v1 =	vadd.s32 v57, v2;
	v2 =	vshll.u32 v4, $0xC;
	v4 =	vld [tilespmem:$0x3F0]  }
0xb0: {  	[tilespmem:$0x790] =	vst v1;
	v1 =	vadd.s32 v59, v2;
	v2 =	vshll.u32 v5, $0xC  }
0xb1: {  	[tilespmem:$0x7A0] =	vst v1;
	v1 =	vadd.s32 v60, v2;
	v2 =	vshll.u32 v6, $0xC  }
0xb2: {  	[tilespmem:$0x7B0] =	vst v1;
	v1 =	vadd.s32 v61, v2;
	v2 =	vshll.u32 v7, $0xC  }
0xb3: {  	[tilespmem:$0x7C0] =	vst v1;
	v1 =	vadd.s32 v62, v2;
	v2 =	vshll.u32 v3, $0xC  }
0xb4: {  	[tilespmem:$0x7D0] =	vst v1;
	v1 =	vadd.s32 v63, v2;
	v2 =	vshll.u32 v4, $0xC  }
0xb5: {  	[tilespmem:$0x7E0] =	vst v1;
	v1 =	vadd.s32 v58, v2  }
0xb6: {  	[tilespmem:$0x7F0] =	vst v1  }
0xb7: {  	[hbm4b:s3+s7] =	stream.indirect.scatter [tilespmem:s9], [sflag:$0x1], $0x1, s8, s7, $0xb8;
	[tilespmem:$0x880] =	vst v63  }
0xb8: {  	_ = 	snop  }
0xb9: {  	[hbm4b:s3+s7] =	stream.indirect.scatter [tilespmem:s9], [sflag:$0x1], $0x1, s10, s7, $0xb8;
	[tilespmem:$0x880] =	vst v63  }
0xba: {  	_ = 	snop  }
0xbb: {  	[hbm4b:s3+s7] =	stream.indirect.scatter [tilespmem:s9], [sflag:$0x1], $0x1, s11, s7, $0xb8;
	[tilespmem:$0x880] =	vst v63  }
0xbc: {  	_ = 	snop  }
0xbd: {  	[hbm4b:s3+s7] =	stream.indirect.scatter [tilespmem:s9], [sflag:$0x1], $0x1, s12, s7, $0xb8;
	[tilespmem:$0x880] =	vst v63  }
0xbe: {  	_ = 	snop  }
0xbf: {  	[hbm4b:s3+s7] =	stream.indirect.scatter [tilespmem:s9], [sflag:$0x1], $0x1, s13, s7, $0xb8;
	[tilespmem:$0x880] =	vst v63  }
0xc0: {  	_ = 	snop  }
0xc1: {  	[hbm4b:s3+s7] =	stream.indirect.scatter [tilespmem:s9], [sflag:$0x1], $0x1, s14, s7, $0xb8;
	[tilespmem:$0x880] =	vst v63  }
0xc2: {  	_ = 	snop  }
0xc3: {  	[hbm4b:s3+s7] =	stream.indirect.scatter [tilespmem:s9], [sflag:$0x1], $0x1, s15, s7, $0xb8;
	[tilespmem:$0x880] =	vst v63  }
0xc4: {  	_ = 	snop  }
0xc5: {  	[hbm4b:s3+s7] =	stream.indirect.scatter [tilespmem:s9], [sflag:$0x1], $0x1, s16, s7, $0xb8;
	[tilespmem:$0x880] =	vst v63  }
0xc6: {  	_ =	swait.ge [sflag:s17], $0x80  }
0xc7: {  	[sflag:s17] =	ssyncset.done $0x0  }
0xc8: {  	[sflag:s17] =	ssyncadd.s32 $0xFFFFFF80  }
0xc9: {  	_ =	swait.ge [sflag:s17], $0x80  }
0xca: {  	[sflag:s17] =	ssyncset.done $0x0  }
0xcb: {  	[sflag:s17] =	ssyncadd.s32 $0xFFFFFF80  }
0xcc: {  	_ =	swait.ge [sflag:s17], $0x80  }
0xcd: {  	[sflag:s17] =	ssyncset.done $0x0  }
0xce: {  	[sflag:s17] =	ssyncadd.s32 $0xFFFFFF80  }
0xcf: {  	_ =	swait.ge [sflag:s17], $0x80  }
0xd0: {  	[sflag:s17] =	ssyncset.done $0x0  }
0xd1: {  	[sflag:s17] =	ssyncadd.s32 $0xFFFFFF80  }
0xd2: {  	_ =	swait.ge [sflag:s17], $0x80  }
0xd3: {  	[sflag:s17] =	ssyncset.done $0x0  }
0xd4: {  	[sflag:s17] =	ssyncadd.s32 $0xFFFFFF80  }
0xd5: {  	_ =	swait.ge [sflag:s17], $0x80  }
0xd6: {  	[sflag:s17] =	ssyncset.done $0x0  }
0xd7: {  	[sflag:s17] =	ssyncadd.s32 $0xFFFFFF80  }
0xd8: {  	p0 =	sne.s32 s5, $0x1;
	_ =	swait.ge [sflag:s17], $0x80  }
.Ltmp0:
0xd9: {  	[sflag:s17] =	ssyncset.done $0x0;
	(pc) =	sbr.rel @p0 .LBB2_1-.Ltmp0, $4  }
0xda: {  	[sflag:s17] =	ssyncadd.s32 $0xFFFFFF80  }
0xdb: {  	_ =	swait.ge [sflag:s17], $0x80  }
0xdc: {  	[sflag:s17] =	ssyncset.done $0x0  }
0xdd: {  	s5 =	sadd.s32 $0xFFFFFFFF, s5;
	[sflag:s17] =	ssyncadd.s32 $0xFFFFFF80  }
0xde: {  	_ =	sfence.sel $0x180000  }
0xdf: {  	[bflag:$0x0] =	sbarrier.arrive $0xFFFF  }
0xe0: {  	p0 =	sne.s32 s0, $0x0;
	_ =	strace $0x9000004D  }
0xe1: {  	s0 =	sadd.s32 @!p0 $0x100000, s1;
	[bflag:$0x2] =	sbarrier.arrive $0xFFFF  }
0xe2: {  	[sflag:s0] =	ssyncadd.tile.s32 @!p0 $0x1;
	_ =	shalt  }
.Lfunc_end2:
_tile_overlayer_lowered:
.L_overlay_start_2:
0xe3: {  	(tag) =	ssettag $0x2  }
0xe4: {  	s0 =	rddreg [dreg:$0x0];
	s2 =	stileid.u32  }
0xe5: {  	s1 =	rddreg [dreg:$0x1];
	p0 =	sne.s32 s2, $0x0  }
0xe6: {  	s3 =	rddreg [dreg:$0x2];
	[bflag:$0x3] =	sbarrier.arrive $0xFFFF;
	s2 =	simm.s32 @!p0 $0x1C02  }
0xe7: {  	[timem:s3], [sflag:s2] =	dma.local @!p0 [hbm:s0], s1  }
0xe8: {  	s0 =	simm.s32 @!p0 $0x2  }
0xe9: {  	_ =	swait.ge @!p0 [sflag:s0], s1  }
0xea: {  	s1 =	ssub.s32 @!p0 $0x0, s1;
	[sflag:s0] =	ssyncset.done @!p0 $0x0  }
0xeb: {  	[sflag:s0] =	ssyncadd.s32 @!p0 s1  }
0xec: {  	[bflag:$0x3] =	sbarrier.arrive $0xFFFF  }
0xed: {  	_ =	shalt  }

// kernel: sparse-core-data-format-call.1.cloned.1.call-start
scs
called_computation.1_lowered:
.L_overlay_start_0:
0x0: {  	s2 =	sld [smem:$0x3FD9]  }
0x1: {  	s3 =	sld [smem:$0x3FFE];
	_ =	sdelay $0x1  }
0x2: {  	s1 =	srdreg.scid  }
0x3: {  	s0 =	sand.u32 $0x1, s1  }
0x4: {  	s15 =	sshll.u32 s0, $0xA;
	s2 =	sadd.s32 s3, s2  }
0x5: {  	s2 =	sadd.s32 s2, s15  }
0x6: {  	[smem:$0x3FC6] =	sst s2  }
0x7: {  	_ = 	snop  }
0x8: {  	s2 =	sld [smem:$0x3FD0];
	_ =	sdelay $0x2  }
0x9: {  	s16 =	simm.s32 $0xA;
	s4 =	simm.s32 $0x10  }
0xa: {  	[smem:s4], [sflag:s16] =	dma.local [hbm:s2], $0x1  }
0xb: {  	_ =	swait.eq [sflag:s16], $0x1  }
0xc: {  	[sflag:s16] =	ssyncset.done $0x0  }
0xd: {  	[sflag:s16] =	ssyncadd.s32 $0xFFFFFFFF  }
0xe: {  	s17 =	sld [smem:$0x12];
	(tm) =	ssettm $0x1  }
0xf: {  	s18 =	sld [smem:$0x3FFB];
	_ =	sdelay $0x3  }
0x10: {  	_ =	strace s18  }
0x11: {  	s3 =	sld [smem:$0x3FFC];
	_ =	sdelay $0x3  }
0x12: {  	_ =	strace s3  }
0x13: {  	s3 =	sld [smem:$0x3FFD];
	_ =	sdelay $0x3  }
0x14: {  	_ =	strace s3  }
0x15: {  	_ =	strace $0x8FFFFFFF  }
0x16: {  	s19 =	sld [smem:$0x3FDB];
	_ =	sdelay $0x1  }
0x17: {  	s20 =	simm.s32 $_scs_section_size  }
0x18: {  	s5 =	simm.s32 $_size__tile_overlayer_lowered;
	s6 =	simm.s32 $_tile_overlayer_lowered  }
0x19: {  	s23 =	simm.s32 $0x1BFF;
	s22 =	sshll.u32 s6, $0x1;
	s3 =	sadd.s32 s20, s19  }
0x1a: {  	s7 =	simm.s32 $0x0;
	s21 =	sshll.u32 s5, $0x1;
	s5 =	sadd.s32 s22, s3  }
0x1b: {  	[timem:s7], [sflag:s23] =	dma.local [hbm:s5], s21  }
0x1c: {  	_ =	swait.ge [sflag:s23], s21  }
0x1d: {  	s4 =	ssub.s32 $0x0, s21;
	[sflag:s23] =	ssyncset.done $0x0  }
0x1e: {  	[sflag:s23] =	ssyncadd.s32 s4;
	_ =	sdelay $0x1  }
0x1f: {  	s24 =	simm.s32 $0x1B8B  }
0x20: {  	_ =	swait.ge [sflag:s24], $0x1  }
0x21: {  	[sflag:s24] =	ssyncset.done $0x0  }
0x22: {  	s26 =	simm.s32 $0x1B8E;
	s25 =	sld [smem:$0x3FFE];
	[sflag:s24] =	ssyncadd.s32 $0xFFFFFFFF  }
0x23: {  	s27 =	simm.s32 $execute0_lowered;
	[smem:$0x3FD2] =	sst s26  }
0x24: {  	s5 =	sshll.u32 s27, $0x1;
	_ =	strace $0x80000049;
	[dreg:$0x1] =	wrdreg $0xFFFFFFFF  }
0x25: {  	s28 =	simm.s32 $_size_execute0_lowered;
	s3 =	sadd.s32 s3, s5;
	[dreg:$0x0] =	wrdreg $0x0  }
0x26: {  	s5 =	sshll.u32 s28, $0x1;
	[dreg:$0x2] =	wrdreg s3  }
0x27: {  	[dreg:$0x3] =	wrdreg s5  }
0x28: {  	[dreg:$0x4] =	wrdreg $0xC0  }
0x29: {  	_ =	task [dreg:s7], $0x5FFFF  }
0x2a: {  	[dreg:$0x1] =	wrdreg $0xFFFFFFFF  }
0x2b: {  	[dreg:$0x0] =	wrdreg $0x60  }
0x2c: {  	[dreg:$0x2] =	wrdreg s17  }
0x2d: {  	[dreg:$0x3] =	wrdreg s25  }
0x2e: {  	[dreg:$0x4] =	wrdreg $0x9  }
0x2f: {  	_ =	task.clear_ibuf [dreg:s7], $0x5FFFF;
	_ =	strace $0x90000049  }
0x30: {  	s29 =	simm.s32 $0x9;
	_ =	strace $0x8000004B  }
0x31: {  	_ =	swait.ge [sflag:s29], $0x1  }
0x32: {  	[sflag:s29] =	ssyncadd.s32 $0xFFFFFFFF  }
0x33: {  	_ =	strace $0x9000004B  }
0x34: {  	_ =	sfence  }
0x35: {  	s30 =	sld [smem:$0x0];
	_ =	sdelay $0x2  }
0x36: {  	s31 =	sshll.u32 s1, $0xD;
	s1 =	sshrl.u32 s1, $0x2  }
0x37: {  	s3 =	sand.u32 $0x4000, s31;
	s1 =	sadd.s32 s1, s30  }
0x38: {  	s0 =	sor.u32 s3, s0;
	s1 =	sshll.u32 s1, $0x11  }
0x39: {  	s0 =	sor.u32 s1, s0  }
0x3a: {  	s0 =	sadd.s32 $0x8F2B, s0  }
0x3b: {  	[sflag:s0] =	ssyncadd.remote.s32 $0x1  }
0x3c: {  	_ =	sfence.sel $0xFFFF  }
0x3d: {  	[dreg:$0x0] =	wrdreg $0xFFFFFFFF;
	(pc) =	sbr.abs _section_cstart, $3  }
0x3e: {  	[dreg:$0x1] =	wrdreg $0xFFFFFFFF  }
0x3f: {  	_ =	task.clear_ibuf [dreg:s7], $0x2FFFF;
	_ =	strace $0x9FFFFFFF  }
0x40: {  	(tm) =	ssettm $0x7FFFFFFF  }
0x41: {  	_ =	shalt  }
tec
execute0_lowered:
.L_overlay_start_1:
0x0: {  	(tag) =	ssettag $0x1  }
0x1: {  	s2 =	rddreg [dreg:$0x0]  }
0x2: {  	s1 =	rddreg [dreg:$0x1]  }
0x3: {  	s0 =	rddreg [dreg:$0x2];
	_ =	strace $0x8000004A;
	s4 =	srdreg.scid  }
0x4: {  	s6 =	simm.s32 $0x2;
	s11 =	simm.s32 $0x0;
	p0 =	por $0x0, $0x0  }
.Ltmp0:
0x5: {  	s7 =	simm.s32 $0x1000;
	s12 =	simm.s32 $0x0;
	(pc) =	sbr.rel .LBB1_1-.Ltmp0, $4  }
0x6: {  	s9 =	simm.s32 $0x0;
	s3 =	sadd.s32 $0x3200, s1;
	s5 =	sshll.u32 s4, $0x4  }
0x7: {  	s1 =	stileid.u32;
	s4 =	simm.s32 $0x1;
	s5 =	sand.u32 $0x10, s5  }
0x8: {  	s8 =	simm.s32 $0x0;
	[sflag:s4] =	ssyncpa.u1 $0x0;
	s5 =	sor.u32 s1, s5  }
0x9: {  	[sflag:s6] =	ssyncpa.u1 $0x0;
	s6 =	simm.s32 $0x800;
	s10 =	smov.u32 s5  }
.LBB1_7:
0xa: {  	s13 =	sadd.s32 $0x10, s9  }
0xb: {  	s11 =	sadd.s32 $0x20, s10;
	s15 =	smov.u32 s10;
	p2 =	sgt.s32 s13, $0x1F  }
0xc: {  	p1 =	slt.u32 s8, $0x2;
	s15 =	smov.u32 @p2 s11  }
0xd: {  	s8 =	sadd.s32 $0x1, s8;
	s13 =	simm.s32 @p2 $0x0;
	p2 =	sgt.s32 s15, $0x3FF  }
0xe: {  	s15 =	smov.u32 @p2 s5;
	p2 =	sne.s32 s8, $0x42  }
.Ltmp1:
0xf: {  	_ = 	snop;
	(pc) =	sbr.rel @!p2 .LBB1_8-.Ltmp1, $4  }
0x10: {  	s14 =	simm.s32 @!p1 $0x2  }
0x11: {  	s12 =	smov.u32 s10;
	_ =	swait.ge @!p1 [sflag:s14], $0x4000  }
0x12: {  	p0 =	por !p0, !p0;
	s11 =	smov.u32 s9;
	[sflag:s14] =	ssyncset.done @!p1 $0x0  }
0x13: {  	s9 =	smov.u32 s13;
	[sflag:s14] =	ssyncadd.s32 @!p1 $0xFFFFC000;
	s10 =	smov.u32 s15  }
.LBB1_1:
0x14: {  	p1 =	sgt.u32 s8, $0x3F  }
0x15: {  	s13 =	sxor.u32 @!p1 $0xFFFFFFFF, s8;
	s14 =	sshll.u32 @!p1 s10, $0xC  }
0x16: {  	s15 =	sshll.u32 @!p1 s9, $0x7;
	s13 =	sshll.u32 @!p1 s13, $0xE;
	s14 =	sadd.s32 @!p1 s2, s14  }
0x17: {  	s13 =	sand.u32 @!p1 $0x4000, s13;
	s14 =	sadd.s32 @!p1 s15, s14;
	s15 =	simm.s32 @!p1 $0x0  }
0x18: {  	[tilespmem:s13], [sflag:$0x1] =	stream.linear.gather @!p1 [hbm4b:s14+s15], $0x4000, $0x38;
	[tilespmem:$0x10000] =	vst v63  }
0x19: {  	p1 =	seq.s32 s8, $0x0  }
0x1a: {  	p2 =	seq.s32 @!p1 s8, $0x41  }
0x1b: {  	p1 =	por p1, p2  }
.Ltmp2:
0x1c: {  	_ = 	snop;
	(pc) =	sbr.rel @p1 .LBB1_7-.Ltmp2, $1  }
0x1d: {  	_ =	sdelay $0x3  }
0x1e: {  	s13 =	simm.s32 $0x1;
	_ =	swait.ge [sflag:s4], $0x4000;
	s16 =	sshll.u32 s8, $0xE  }
0x1f: {  	s13 =	simm.s32 @!p0 $0x0;
	[sflag:s4] =	ssyncset.done $0x0;
	s31 =	sand.u32 $0x4000, s16  }
0x20: {  	s16 =	simm.s32 $0x0;
	s14 =	sshll.u32 s13, $0xE;
	[sflag:s4] =	ssyncadd.s32 $0xFFFFC000  }
0x21: {  	s13 =	sor.u32 $0x8040, s14;
	s15 =	sor.u32 $0x40, s14;
	s14 =	sor.u32 $0x8000, s31  }
.LBB1_3:
0x22: {  	v0 =	vmov s15;
	_ =	sdelay $0x3  }
0x23: {  	s18 =	simm.s32 $0x0  }
0x24: {  	v6 =	vld.idx.msk [tilespmem:v0+s18+$0x30 ss:$0x1], $0xffff  }
0x25: {  	v7 =	vld.idx.msk [tilespmem:v0+s18+$0xFFFFFFC0 ss:$0x1], $0xffff  }
0x26: {  	v5 =	vld.idx.msk [tilespmem:v0+s18+$0xFFFFFFD0 ss:$0x1], $0xffff  }
0x27: {  	v4 =	vld.idx.msk [tilespmem:v0+s18+$0xFFFFFFE0 ss:$0x1], $0xffff  }
0x28: {  	v3 =	vld.idx.msk [tilespmem:v0+s18+$0xFFFFFFF0 ss:$0x1], $0xffff  }
0x29: {  	v1 =	vld.idx.msk [tilespmem:v0+s18+$0x0 ss:$0x1], $0xffff  }
0x2a: {  	v2 =	vld.idx.msk [tilespmem:v0+s18+$0x10 ss:$0x1], $0xffff;
	[tilespmem:s13+$0x30] =	vst v6  }
0x2b: {  	s17 =	simm.s32 $0x80;
	s19 =	simm.s32 $0x400;
	[tilespmem:s13+$0xFFFFFFC0] =	vst v7;
	v6 =	vld.idx.msk [tilespmem:v0+s18+$0x20 ss:$0x1], $0xffff;
	s18 =	smov.u32 s13  }
.LBB1_4:
0x2c: {  	p1 =	sne.s32 s19, $0xE00;
	v7 =	vld.idx.msk [tilespmem:v0+s17+$0x30 ss:$0x1], $0xffff;
	[tilespmem:s18+$0xFFFFFFD0] =	vst v5  }
0x2d: {  	v8 =	vld.idx.msk [tilespmem:v0+s17+$0xFFFFFFC0 ss:$0x1], $0xffff;
	[tilespmem:s18+$0xFFFFFFE0] =	vst v4  }
0x2e: {  	v5 =	vld.idx.msk [tilespmem:v0+s17+$0xFFFFFFD0 ss:$0x1], $0xffff;
	[tilespmem:s18+$0xFFFFFFF0] =	vst v3  }
.Ltmp3:
0x2f: {  	v4 =	vld.idx.msk [tilespmem:v0+s17+$0xFFFFFFE0 ss:$0x1], $0xffff;
	[tilespmem:s18+$0x0] =	vst v1;
	(pc) =	sbr.rel @p1 .LBB1_4-.Ltmp3, $4  }
0x30: {  	v3 =	vld.idx.msk [tilespmem:v0+s17+$0xFFFFFFF0 ss:$0x1], $0xffff;
	[tilespmem:s18+$0x10] =	vst v2  }
0x31: {  	v1 =	vld.idx.msk [tilespmem:v0+s17+$0x0 ss:$0x1], $0xffff;
	[tilespmem:s18+$0x20] =	vst v6;
	s18 =	sadd.s32 $0x800, s18  }
0x32: {  	v2 =	vld.idx.msk [tilespmem:v0+s17+$0x10 ss:$0x1], $0xffff;
	[tilespmem:s18+$0x30] =	vst v7  }
0x33: {  	[tilespmem:s18+$0xFFFFFFC0] =	vst v8;
	v6 =	vld.idx.msk [tilespmem:v0+s17+$0x20 ss:$0x1], $0xffff;
	s17 =	sshra.s32 s19, $0x2;
	s19 =	sadd.s32 $0x200, s19  }
0x34: {  	_ =	sdelay $0x2  }
0x35: {  	[tilespmem:s18+$0xFFFFFFD0] =	vst v5  }
0x36: {  	v56 =	vld.idx.msk [tilespmem:v0+s17+$0x30 ss:$0x1], $0xffff;
	[tilespmem:s18+$0xFFFFFFE0] =	vst v4  }
0x37: {  	v57 =	vld.idx.msk [tilespmem:v0+s17+$0xFFFFFFC0 ss:$0x1], $0xffff;
	[tilespmem:s18+$0xFFFFFFF0] =	vst v3  }
0x38: {  	v58 =	vld.idx.msk [tilespmem:v0+s17+$0xFFFFFFD0 ss:$0x1], $0xffff;
	[tilespmem:s18+$0x0] =	vst v1  }
0x39: {  	v59 =	vld.idx.msk [tilespmem:v0+s17+$0xFFFFFFE0 ss:$0x1], $0xffff;
	[tilespmem:s18+$0x10] =	vst v2  }
0x3a: {  	v60 =	vld.idx.msk [tilespmem:v0+s17+$0xFFFFFFF0 ss:$0x1], $0xffff;
	s31 =	sadd.s32 $0x800, s18;
	[tilespmem:s18+$0x20] =	vst v6  }
0x3b: {  	v61 =	vld.idx.msk [tilespmem:v0+s17+$0x0 ss:$0x1], $0xffff;
	[tilespmem:s31+$0x30] =	vst v56  }
0x3c: {  	v62 =	vld.idx.msk [tilespmem:v0+s17+$0x10 ss:$0x1], $0xffff;
	s16 =	sadd.s32 $0x1, s16;
	[tilespmem:s31+$0xFFFFFFC0] =	vst v57  }
0x3d: {  	v63 =	vld.idx.msk [tilespmem:v0+s17+$0x20 ss:$0x1], $0xffff;
	p1 =	sne.s32 s16, $0x10;
	[tilespmem:s31+$0xFFFFFFD0] =	vst v58  }
.Ltmp4:
0x3e: {  	[tilespmem:s31+$0xFFFFFFE0] =	vst v59;
	(pc) =	sbr.rel @p1 .LBB1_3-.Ltmp4, $4  }
0x3f: {  	[tilespmem:s31+$0xFFFFFFF0] =	vst v60  }
0x40: {  	[tilespmem:s31+$0x0] =	vst v61  }
0x41: {  	[tilespmem:s31+$0x10] =	vst v62  }
0x42: {  	s13 =	sadd.s32 $0x80, s13;
	s15 =	sadd.s32 $0x400, s15;
	[tilespmem:s31+$0x20] =	vst v63  }
.Ltmp5:
0x43: {  	(pc) =	sbr.rel .LBB1_7-.Ltmp5, $4  }
0x44: {  	s12 =	sshll.u32 s12, $0xC;
	s11 =	sshll.u32 s11, $0x4  }
0x45: {  	s11 =	sand.u32 $0x1F0, s11;
	s12 =	sadd.s32 s3, s12  }
0x46: {  	s11 =	sadd.s32 s11, s12  }
0x47: {  	[hbm4b:s11+s6] =	stream.strided.scatter [tilespmem:s14], [sflag:$0x2], $0x4000, s7, s6, $0x38;
	[tilespmem:$0x10000] =	vst v63  }
.LBB1_8:
0x48: {  	_ =	sfence.sel $0x180000  }
0x49: {  	s2 =	simm.s32 $0x1;
	[bflag:$0x0] =	sbarrier.arrive $0xFFFF  }
0x4a: {  	s31 =	simm.s32 $0x2;
	[sflag:s2] =	ssyncpa.u1 $0x1  }
0x4b: {  	[sflag:s31] =	ssyncpa.u1 $0x1  }
0x4c: {  	p0 =	sne.s32 s1, $0x0;
	_ =	strace $0x9000004A  }
0x4d: {  	s0 =	sadd.s32 @!p0 $0x100000, s0;
	[bflag:$0x2] =	sbarrier.arrive $0xFFFF  }
0x4e: {  	[sflag:s0] =	ssyncadd.tile.s32 @!p0 $0x1;
	_ =	shalt  }
.Lfunc_end1:
_tile_overlayer_lowered:
.L_overlay_start_2:
0x4f: {  	(tag) =	ssettag $0x2  }
0x50: {  	s0 =	rddreg [dreg:$0x0];
	s2 =	stileid.u32  }
0x51: {  	s1 =	rddreg [dreg:$0x1];
	p0 =	sne.s32 s2, $0x0  }
0x52: {  	s3 =	rddreg [dreg:$0x2];
	[bflag:$0x3] =	sbarrier.arrive $0xFFFF;
	s2 =	simm.s32 @!p0 $0x1C01  }
0x53: {  	[timem:s3], [sflag:s2] =	dma.local @!p0 [hbm:s0], s1  }
0x54: {  	s0 =	simm.s32 @!p0 $0x1  }
0x55: {  	_ =	swait.ge @!p0 [sflag:s0], s1  }
0x56: {  	s1 =	ssub.s32 @!p0 $0x0, s1;
	[sflag:s0] =	ssyncset.done @!p0 $0x0  }
0x57: {  	[sflag:s0] =	ssyncadd.s32 @!p0 s1  }
0x58: {  	[bflag:$0x3] =	sbarrier.arrive $0xFFFF  }
0x59: {  	_ =	shalt  }

// kernel: sparse-core-data-format-call.cloned.1.call-start
scs
called_computation_lowered:
.L_overlay_start_0:
0x0: {  	s2 =	sld [smem:$0x3FD9]  }
0x1: {  	s3 =	sld [smem:$0x3FFE];
	_ =	sdelay $0x1  }
0x2: {  	s1 =	srdreg.scid  }
0x3: {  	s0 =	sand.u32 $0x1, s1  }
0x4: {  	s15 =	sshll.u32 s0, $0xA;
	s2 =	sadd.s32 s3, s2  }
0x5: {  	s2 =	sadd.s32 s2, s15  }
0x6: {  	[smem:$0x3FC6] =	sst s2  }
0x7: {  	_ = 	snop  }
0x8: {  	s2 =	sld [smem:$0x3FD0];
	_ =	sdelay $0x2  }
0x9: {  	s16 =	simm.s32 $0xA;
	s4 =	simm.s32 $0x10  }
0xa: {  	[smem:s4], [sflag:s16] =	dma.local [hbm:s2], $0x1  }
0xb: {  	_ =	swait.eq [sflag:s16], $0x1  }
0xc: {  	[sflag:s16] =	ssyncset.done $0x0  }
0xd: {  	[sflag:s16] =	ssyncadd.s32 $0xFFFFFFFF  }
0xe: {  	s17 =	sld [smem:$0x12];
	(tm) =	ssettm $0x1  }
0xf: {  	s18 =	sld [smem:$0x3FFB];
	_ =	sdelay $0x3  }
0x10: {  	_ =	strace s18  }
0x11: {  	s3 =	sld [smem:$0x3FFC];
	_ =	sdelay $0x3  }
0x12: {  	_ =	strace s3  }
0x13: {  	s3 =	sld [smem:$0x3FFD];
	_ =	sdelay $0x3  }
0x14: {  	_ =	strace s3  }
0x15: {  	_ =	strace $0x8FFFFFFF  }
0x16: {  	s19 =	sld [smem:$0x3FDB];
	_ =	sdelay $0x1  }
0x17: {  	s20 =	simm.s32 $_scs_section_size  }
0x18: {  	s5 =	simm.s32 $_size__tile_overlayer_lowered;
	s6 =	simm.s32 $_tile_overlayer_lowered  }
0x19: {  	s23 =	simm.s32 $0x1BFF;
	s22 =	sshll.u32 s6, $0x1;
	s3 =	sadd.s32 s20, s19  }
0x1a: {  	s7 =	simm.s32 $0x0;
	s21 =	sshll.u32 s5, $0x1;
	s5 =	sadd.s32 s22, s3  }
0x1b: {  	[timem:s7], [sflag:s23] =	dma.local [hbm:s5], s21  }
0x1c: {  	_ =	swait.ge [sflag:s23], s21  }
0x1d: {  	s4 =	ssub.s32 $0x0, s21;
	[sflag:s23] =	ssyncset.done $0x0  }
0x1e: {  	[sflag:s23] =	ssyncadd.s32 s4;
	_ =	sdelay $0x1  }
0x1f: {  	s24 =	simm.s32 $0x1B8B  }
0x20: {  	_ =	swait.ge [sflag:s24], $0x1  }
0x21: {  	[sflag:s24] =	ssyncset.done $0x0  }
0x22: {  	s26 =	simm.s32 $0x1B8E;
	s25 =	sld [smem:$0x3FFE];
	[sflag:s24] =	ssyncadd.s32 $0xFFFFFFFF  }
0x23: {  	s27 =	simm.s32 $execute0_lowered;
	[smem:$0x3FD2] =	sst s26  }
0x24: {  	s5 =	sshll.u32 s27, $0x1;
	_ =	strace $0x8000004F;
	[dreg:$0x1] =	wrdreg $0xFFFFFFFF  }
0x25: {  	s28 =	simm.s32 $_size_execute0_lowered;
	s3 =	sadd.s32 s3, s5;
	[dreg:$0x0] =	wrdreg $0x0  }
0x26: {  	s5 =	sshll.u32 s28, $0x1;
	[dreg:$0x2] =	wrdreg s3  }
0x27: {  	[dreg:$0x3] =	wrdreg s5  }
0x28: {  	[dreg:$0x4] =	wrdreg $0xC0  }
0x29: {  	_ =	task [dreg:s7], $0x5FFFF  }
0x2a: {  	[dreg:$0x1] =	wrdreg $0xFFFFFFFF  }
0x2b: {  	[dreg:$0x0] =	wrdreg $0x60  }
0x2c: {  	[dreg:$0x2] =	wrdreg s25  }
0x2d: {  	[dreg:$0x3] =	wrdreg s17  }
0x2e: {  	[dreg:$0x4] =	wrdreg $0x9  }
0x2f: {  	_ =	task.clear_ibuf [dreg:s7], $0x5FFFF;
	_ =	strace $0x9000004F  }
0x30: {  	s29 =	simm.s32 $0x9;
	_ =	strace $0x80000051  }
0x31: {  	_ =	swait.ge [sflag:s29], $0x1  }
0x32: {  	[sflag:s29] =	ssyncadd.s32 $0xFFFFFFFF  }
0x33: {  	_ =	strace $0x90000051  }
0x34: {  	_ =	sfence  }
0x35: {  	s30 =	sld [smem:$0x0];
	_ =	sdelay $0x2  }
0x36: {  	s31 =	sshll.u32 s1, $0xD;
	s1 =	sshrl.u32 s1, $0x2  }
0x37: {  	s3 =	sand.u32 $0x4000, s31;
	s1 =	sadd.s32 s1, s30  }
0x38: {  	s0 =	sor.u32 s3, s0;
	s1 =	sshll.u32 s1, $0x11  }
0x39: {  	s0 =	sor.u32 s1, s0  }
0x3a: {  	s0 =	sadd.s32 $0x8F2B, s0  }
0x3b: {  	[sflag:s0] =	ssyncadd.remote.s32 $0x1  }
0x3c: {  	_ =	sfence.sel $0xFFFF  }
0x3d: {  	[dreg:$0x0] =	wrdreg $0xFFFFFFFF;
	(pc) =	sbr.abs _section_cstart, $3  }
0x3e: {  	[dreg:$0x1] =	wrdreg $0xFFFFFFFF  }
0x3f: {  	_ =	task.clear_ibuf [dreg:s7], $0x2FFFF;
	_ =	strace $0x9FFFFFFF  }
0x40: {  	(tm) =	ssettm $0x7FFFFFFF  }
0x41: {  	_ =	shalt  }
tec
execute0_lowered:
.L_overlay_start_1:
0x0: {  	(tag) =	ssettag $0x1  }
0x1: {  	s3 =	rddreg [dreg:$0x0]  }
0x2: {  	s0 =	srdreg.scid;
	s1 =	rddreg [dreg:$0x1]  }
0x3: {  	s5 =	simm.s32 $0x1;
	s7 =	simm.s32 $0x2;
	s14 =	simm.s32 $0x0  }
0x4: {  	p0 =	por $0x0, $0x0;
	s8 =	simm.s32 $0x1000;
	s0 =	sshll.u32 s0, $0x7  }
0x5: {  	s13 =	simm.s32 $0x0;
	s15 =	simm.s32 $0x0;
	s2 =	sand.u32 $0x80, s0  }
0x6: {  	s9 =	simm.s32 $0x0;
	s11 =	stileid.u32;
	s6 =	ssub.s32 $0x200, s2  }
.Ltmp0:
0x7: {  	s12 =	simm.s32 $0x0;
	s31 =	sshrl.u32 s6, $0x7;
	(pc) =	sbr.rel .LBB1_1-.Ltmp0, $4  }
0x8: {  	s4 =	sadd.s32 $0x403200, s3;
	s6 =	sshrl.u32 s6, $0x8;
	s3 =	sand.u32 $0x1, s31  }
0x9: {  	s0 =	rddreg [dreg:$0x2];
	_ =	strace $0x80000050;
	s6 =	sadd.s32 s6, s3  }
0xa: {  	[sflag:s5] =	ssyncpa.u1 $0x0;
	s10 =	smov.u32 s2;
	s6 =	sshll.u32 s6, $0x6  }
0xb: {  	[sflag:s7] =	ssyncpa.u1 $0x0;
	s3 =	stileid.u32;
	s7 =	sor.u32 $0x1, s6  }
.LBB1_4:
0xc: {  	s15 =	sshll.u32 s15, $0x12  }
0xd: {  	s18 =	sand.u32 $0xF80, s13;
	s14 =	sshll.u32 s14, $0xC;
	s15 =	sadd.s32 s1, s15  }
0xe: {  	[tilespmem:s17+$0x810 ss:$0x81] =	vst.msk $0xffff, v2;
	s19 =	sshrl.u32 s13, $0x3;
	s30 =	sand.u32 $0x7, s13;
	s15 =	sadd.s32 s18, s15  }
0xf: {  	[tilespmem:s17+$0x1020 ss:$0x81] =	vst.msk $0xffff, v0;
	s31 =	sand.u32 $0xF, s19;
	s13 =	sshll.u32 s30, $0x12;
	s14 =	sadd.s32 s14, s15  }
0x10: {  	[tilespmem:s17+$0x0 ss:$0x81] =	vst.msk $0xffff, v1;
	s13 =	sor.u32 $0x400, s13;
	s14 =	sadd.s32 s31, s14  }
0x11: {  	[hbm4b:s14+s13] =	stream.strided.scatter [tilespmem:s16], [sflag:$0x2], $0x2000, s8, s13, $0x20;
	[tilespmem:$0x8080] =	vst v63  }
.LBB1_5:
0x12: {  	s16 =	sadd.s32 $0x1, s9  }
0x13: {  	s13 =	sadd.s32 $0x100, s10;
	s17 =	smov.u32 s10;
	p2 =	sgt.s32 s16, $0x3F  }
0x14: {  	s17 =	smov.u32 @p2 s13  }
0x15: {  	s19 =	smov.u32 s11;
	s13 =	sadd.s32 $0x10, s11;
	p3 =	sgt.s32 s17, $0x1FF  }
0x16: {  	s19 =	smov.u32 @p3 s13  }
0x17: {  	s16 =	simm.s32 @p2 $0x0;
	p2 =	sgt.s32 s19, $0xF  }
0x18: {  	p1 =	slt.u32 s12, $0x2;
	s19 =	smov.u32 @p2 s3;
	p2 =	sne.s32 s12, s7  }
.Ltmp1:
0x19: {  	s18 =	simm.s32 @!p1 $0x2;
	(pc) =	sbr.rel @!p2 .LBB1_6-.Ltmp1, $4  }
0x1a: {  	s14 =	smov.u32 s9;
	s15 =	smov.u32 s11;
	_ =	swait.ge @!p1 [sflag:s18], $0x2000  }
0x1b: {  	p0 =	por !p0, !p0;
	[sflag:s18] =	ssyncset.done @!p1 $0x0;
	s9 =	smov.u32 s16  }
0x1c: {  	s17 =	smov.u32 @p3 s2;
	s13 =	smov.u32 s10;
	[sflag:s18] =	ssyncadd.s32 @!p1 $0xFFFFE000  }
0x1d: {  	s10 =	smov.u32 s17;
	s12 =	sadd.s32 $0x1, s12;
	s11 =	smov.u32 s19  }
.LBB1_1:
0x1e: {  	p1 =	sge.u32 s12, s6;
	s31 =	sadd.s32 $0xFFFFFFFF, s12  }
0x1f: {  	s16 =	sxor.u32 @!p1 $0xFFFFFFFF, s12;
	s17 =	sshll.u32 @!p1 s11, $0x13;
	s18 =	sshll.u32 @!p1 s10, $0xA  }
0x20: {  	s19 =	sshll.u32 @!p1 s9, $0x4;
	s16 =	sshll.u32 @!p1 s16, $0xD;
	s17 =	sadd.s32 @!p1 s4, s17  }
0x21: {  	s19 =	sand.u32 @!p1 $0x3F0, s19;
	s16 =	sand.u32 @!p1 $0x2000, s16;
	s17 =	sadd.s32 @!p1 s18, s17  }
0x22: {  	s18 =	simm.s32 @!p1 $0x40;
	s17 =	sadd.s32 @!p1 s19, s17;
	s19 =	simm.s32 @!p1 $0x2000  }
0x23: {  	[tilespmem:s16], [sflag:$0x1] =	stream.strided.gather @!p1 [hbm4b:s17+s18], $0x2000, s19, s18, $0x38;
	[tilespmem:$0x8080] =	vst v63  }
0x24: {  	p1 =	sge.u32 s31, s6  }
.Ltmp2:
0x25: {  	_ = 	snop;
	(pc) =	sbr.rel @p1 .LBB1_5-.Ltmp2, $1  }
0x26: {  	_ =	sdelay $0x3  }
0x27: {  	s16 =	simm.s32 $0x1  }
0x28: {  	_ =	swait.ge [sflag:s5], $0x2000;
	s16 =	simm.s32 @!p0 $0x0  }
0x29: {  	[sflag:s5] =	ssyncset.done $0x0;
	s17 =	sshll.u32 s16, $0xD  }
0x2a: {  	[sflag:s5] =	ssyncadd.s32 $0xFFFFE000;
	s20 =	sor.u32 $0x20, s17  }
0x2b: {  	s16 =	smul.u32 $0x8100, s16;
	v3 =	vld [tilespmem:s20+$0x10]  }
0x2c: {  	s30 =	sand.u32 $0x1, s12;
	v2 =	vld [tilespmem:s20+$0xFFFFFFF0]  }
0x2d: {  	s17 =	smul.u32 $0x8100, s30;
	s16 =	sshrl.u32 s16, $0x2;
	v0 =	vld [tilespmem:s20+$0x0]  }
0x2e: {  	v1 =	vld [tilespmem:s20+$0xFFFFFFE0];
	s18 =	sor.u32 $0x4000, s16  }
0x2f: {  	s31 =	sshrl.u32 s17, $0x2;
	s17 =	sadd.s32 $0x0, s18  }
0x30: {  	s19 =	simm.s32 $0x4;
	s20 =	sadd.s32 $0x40, s20;
	s16 =	sor.u32 $0x4000, s31;
	[tilespmem:s17+$0x1830 ss:$0x81] =	vst.msk $0xffff, v3  }
.LBB1_3:
0x31: {  	v3 =	vld [tilespmem:s20+$0x10];
	p1 =	sne.s32 s19, $0x1FC;
	[tilespmem:s17+$0x810 ss:$0x81] =	vst.msk $0xffff, v2;
	s21 =	smov.u32 s19;
	s19 =	sadd.s32 $0x4, s19  }
.Ltmp3:
0x32: {  	v2 =	vld [tilespmem:s20+$0xFFFFFFF0];
	[tilespmem:s17+$0x1020 ss:$0x81] =	vst.msk $0xffff, v0;
	(pc) =	sbr.rel @p1 .LBB1_3-.Ltmp3, $4  }
0x33: {  	v0 =	vld [tilespmem:s20+$0x0];
	[tilespmem:s17+$0x0 ss:$0x81] =	vst.msk $0xffff, v1  }
0x34: {  	s17 =	sshra.s32 s21, $0x2;
	v1 =	vld [tilespmem:s20+$0xFFFFFFE0]  }
0x35: {  	s17 =	sadd.s32 s17, s18  }
0x36: {  	s20 =	sadd.s32 $0x40, s20;
	[tilespmem:s17+$0x1830 ss:$0x81] =	vst.msk $0xffff, v3  }
.Ltmp4:
0x37: {  	_ = 	snop;
	(pc) =	sbr.rel .LBB1_4-.Ltmp4, $1  }
0x38: {  	_ =	sdelay $0x3  }
.LBB1_6:
0x39: {  	_ =	sfence.sel $0x180000  }
0x3a: {  	s1 =	simm.s32 $0x1;
	[bflag:$0x0] =	sbarrier.arrive $0xFFFF  }
0x3b: {  	s31 =	simm.s32 $0x2;
	[sflag:s1] =	ssyncpa.u1 $0x1  }
0x3c: {  	[sflag:s31] =	ssyncpa.u1 $0x1  }
0x3d: {  	p0 =	sne.s32 s3, $0x0;
	_ =	strace $0x90000050  }
0x3e: {  	s0 =	sadd.s32 @!p0 $0x100000, s0;
	[bflag:$0x2] =	sbarrier.arrive $0xFFFF  }
0x3f: {  	[sflag:s0] =	ssyncadd.tile.s32 @!p0 $0x1;
	_ =	shalt  }
.Lfunc_end1:
_tile_overlayer_lowered:
.L_overlay_start_2:
0x40: {  	(tag) =	ssettag $0x2  }
0x41: {  	s0 =	rddreg [dreg:$0x0];
	s2 =	stileid.u32  }
0x42: {  	s1 =	rddreg [dreg:$0x1];
	p0 =	sne.s32 s2, $0x0  }
0x43: {  	s3 =	rddreg [dreg:$0x2];
	[bflag:$0x3] =	sbarrier.arrive $0xFFFF;
	s2 =	simm.s32 @!p0 $0x1C01  }
0x44: {  	[timem:s3], [sflag:s2] =	dma.local @!p0 [hbm:s0], s1  }
0x45: {  	s0 =	simm.s32 @!p0 $0x1  }
0x46: {  	_ =	swait.ge @!p0 [sflag:s0], s1  }
0x47: {  	s1 =	ssub.s32 @!p0 $0x0, s1;
	[sflag:s0] =	ssyncset.done @!p0 $0x0  }
0x48: {  	[sflag:s0] =	ssyncadd.s32 @!p0 s1  }
0x49: {  	[bflag:$0x3] =	sbarrier.arrive $0xFFFF  }
0x4a: {  	_ =	shalt  }

</sc_bundles>
